<compile_context>
chip_gen: v7x
topology: tpu7x:2x2x1
jax: 0.10.2.dev20260603
libtpu: 0.0.44.dev20260713+nightly
codegen_flags: <defaults>
</compile_context>

<pallas_src>
import functools

import jax
import jax.numpy as jnp
from jax import lax
from jax.experimental import pallas as pl
from jax.experimental.pallas import tpu as pltpu
from jax.experimental.pallas import tpu_sc as plsc

N = 10000
E = 160000
R = 8
D = 128

NC = 2
NS = 16
NW = NC * NS

EPW = 5120
NBK = EPW // 128
EPAD = NW * EPW - E
NR_PAD = 81920
NPAD = 10240
RPT = NPAD // NS

_mesh = plsc.VectorSubcoreMesh(core_axis_name="c", subcore_axis_name="s")


@functools.partial(
    pl.kernel,
    out_type=jax.ShapeDtypeStruct((NW, EPW), jnp.float32),
    mesh=_mesh,
    compiler_params=pltpu.CompilerParams(needs_layout_passes=False),
    scratch_types=[
        pltpu.VMEM((NBK, 128), jnp.int32),
        pltpu.VMEM((5120,), jnp.float32),
        pltpu.VMEM((EPW,), jnp.float32),
        pltpu.VMEM((128,), jnp.float32),
        pltpu.VMEM((128,), jnp.float32),
        pltpu.VMEM_SHARED((NR_PAD,), jnp.float32),
        pltpu.SemaphoreType.DMA,
    ],
)
def _norm_kernel(key_hbm, norm_hbm, keyv, zbuf, normv, onesv, cbuf, cnt_sp,
                 csem):
    c = lax.axis_index("c")
    s = lax.axis_index("s")
    wid = s * NC + c

    zlen = NR_PAD // NS

    def _z16(i, _):
        zbuf[pl.ds(i * 16, 16)] = jnp.zeros((16,), jnp.float32)
        return 0

    lax.fori_loop(0, zlen // 16, _z16, 0)
    pltpu.sync_copy(zbuf.at[pl.ds(0, zlen)], cnt_sp.at[pl.ds(s * zlen, zlen)])

    def _o16(i, _):
        onesv[pl.ds(i * 16, 16)] = jnp.ones((16,), jnp.float32)
        return 0

    lax.fori_loop(0, 8, _o16, 0)
    plsc.subcore_barrier()

    def _count_row(rr, _):
        row = 2 * s + rr
        pltpu.sync_copy(key_hbm.at[row], keyv)

        def _b(b, _2):
            pltpu.sync_copy(onesv, cnt_sp.at[keyv.at[b]], add=True)
            return 0

        lax.fori_loop(0, NBK, _b, 0)
        return 0

    lax.fori_loop(0, 2, _count_row, 0)
    plsc.subcore_barrier()

    pltpu.sync_copy(key_hbm.at[wid], keyv)

    def _nb(b, _):
        pltpu.async_copy(cnt_sp.at[keyv.at[b]], cbuf, csem).wait()
        for g in range(8):
            c16 = cbuf[pl.ds(g * 16, 16)]
            normv[pl.ds(b * 128 + g * 16, 16)] = 1.0 / jnp.maximum(c16, 1.0)
        return 0

    lax.fori_loop(0, NBK, _nb, 0)
    pltpu.sync_copy(normv, norm_hbm.at[wid])


@functools.partial(
    pl.kernel,
    out_type=jax.ShapeDtypeStruct((NC, NPAD, D), jnp.float32),
    mesh=_mesh,
    compiler_params=pltpu.CompilerParams(needs_layout_passes=False),
    scratch_types=[
        pltpu.VMEM((NBK, 128), jnp.int32),
        pltpu.VMEM((NBK, 128), jnp.int32),
        pltpu.VMEM((EPW,), jnp.float32),
        pltpu.VMEM((128, D), jnp.float32),
        pltpu.VMEM((128, D), jnp.float32),
        pltpu.VMEM_SHARED((NPAD, D), jnp.float32),
        pltpu.SemaphoreType.DMA,
        pltpu.SemaphoreType.DMA,
    ],
)
def _agg_kernel(hr_hbm, idx_hbm, dst_hbm, norm_hbm, out_hbm,
                idxv, dstv, normv, rows0, rows1, acc_sp, gsem0, gsem1):
    c = lax.axis_index("c")
    s = lax.axis_index("s")
    wid = s * NC + c

    pltpu.sync_copy(idx_hbm.at[wid], idxv)
    pltpu.sync_copy(dst_hbm.at[wid], dstv)
    pltpu.sync_copy(norm_hbm.at[wid], normv)

    def _zr(i, _):
        for k in range(D // 16):
            rows0[i, pl.ds(k * 16, 16)] = jnp.zeros((16,), jnp.float32)
        return 0

    lax.fori_loop(0, 128, _zr, 0)
    for t in range(RPT // 128):
        pltpu.sync_copy(rows0, acc_sp.at[pl.ds(s * RPT + t * 128, 128)])
    plsc.subcore_barrier()

    def _scale_block(rows, b):
        def _edge(j, e16):
            nsp = plsc.load_gather(normv, [e16])
            for k in range(D // 16):
                rows[j, pl.ds(k * 16, 16)] = rows[j, pl.ds(k * 16, 16)] * nsp
            return e16 + 1

        lax.fori_loop(0, 128, _edge, lax.broadcast(b * 128, (16,)))

    def _gather_start(b, rows, gsem):
        pltpu.async_copy(hr_hbm.at[idxv.at[b]], rows, gsem)

    def _gather_wait(rows, gsem):
        pltpu.make_async_copy(hr_hbm.at[idxv.at[0]], rows, gsem).wait()

    _gather_start(0, rows0, gsem0)

    def _pair(b2, _):
        b = 2 * b2
        _gather_wait(rows0, gsem0)
        _gather_start(b + 1, rows1, gsem1)
        _scale_block(rows0, b)
        pltpu.sync_copy(rows0, acc_sp.at[dstv.at[b]], add=True)
        _gather_wait(rows1, gsem1)

        @pl.when(b2 < NBK // 2 - 1)
        def _():
            _gather_start(b + 2, rows0, gsem0)

        _scale_block(rows1, b + 1)
        pltpu.sync_copy(rows1, acc_sp.at[dstv.at[b + 1]], add=True)
        return 0

    lax.fori_loop(0, NBK // 2, _pair, 0)
    plsc.subcore_barrier()
    pltpu.sync_copy(acc_sp.at[pl.ds(s * RPT, RPT)],
                    out_hbm.at[c, pl.ds(s * RPT, RPT)])


_BN = 1000


def _mm_first_body(x_ref, w_ref, hr_ref, self_ref):
    o = jnp.dot(x_ref[...].astype(jnp.bfloat16), w_ref[...],
                preferred_element_type=jnp.float32)
    hr_ref[...] = o[:, :R * D]
    self_ref[...] = o[:, R * D:]


def _mm_mid_body(acc_ref, sl_ref, w_ref, hr_ref, self_ref):
    a = acc_ref[...]
    h = jax.nn.relu(a[0] + a[1] + sl_ref[...])
    o = jnp.dot(h.astype(jnp.bfloat16), w_ref[...],
                preferred_element_type=jnp.float32)
    hr_ref[...] = o[:, :R * D]
    self_ref[...] = o[:, R * D:]


def _combine_body(acc_ref, sl_ref, out_ref):
    a = acc_ref[...]
    out_ref[...] = a[0] + a[1] + sl_ref[...]


def _mm_first(x, wcat):
    return pl.pallas_call(
        _mm_first_body,
        grid=(N // _BN,),
        in_specs=[
            pl.BlockSpec((_BN, D), lambda i: (i, 0)),
            pl.BlockSpec((D, R * D + D), lambda i: (0, 0)),
        ],
        out_specs=[
            pl.BlockSpec((_BN, R * D), lambda i: (i, 0)),
            pl.BlockSpec((_BN, D), lambda i: (i, 0)),
        ],
        out_shape=[
            jax.ShapeDtypeStruct((N, R * D), jnp.float32),
            jax.ShapeDtypeStruct((N, D), jnp.float32),
        ],
    )(x, wcat)


def _mm_mid(acc, sl, wcat):
    return pl.pallas_call(
        _mm_mid_body,
        grid=(N // _BN,),
        in_specs=[
            pl.BlockSpec((NC, _BN, D), lambda i: (0, i, 0)),
            pl.BlockSpec((_BN, D), lambda i: (i, 0)),
            pl.BlockSpec((D, R * D + D), lambda i: (0, 0)),
        ],
        out_specs=[
            pl.BlockSpec((_BN, R * D), lambda i: (i, 0)),
            pl.BlockSpec((_BN, D), lambda i: (i, 0)),
        ],
        out_shape=[
            jax.ShapeDtypeStruct((N, R * D), jnp.float32),
            jax.ShapeDtypeStruct((N, D), jnp.float32),
        ],
    )(acc, sl, wcat)


def _combine(acc, sl):
    return pl.pallas_call(
        _combine_body,
        grid=(N // _BN,),
        in_specs=[
            pl.BlockSpec((NC, _BN, D), lambda i: (0, i, 0)),
            pl.BlockSpec((_BN, D), lambda i: (i, 0)),
        ],
        out_specs=pl.BlockSpec((_BN, D), lambda i: (i, 0)),
        out_shape=jax.ShapeDtypeStruct((N, D), jnp.float32),
    )(acc, sl)


def _wcat(a, V, Ws):
    w = jnp.einsum('rb,bio->rio', a, V)
    wc = jnp.concatenate([w.transpose(1, 0, 2).reshape(D, R * D), Ws], axis=1)
    return wc.astype(jnp.bfloat16)


def kernel(x, edge_index, edge_type, V1, a1, Ws1, V2, a2, Ws2):
    src = edge_index[0]
    dst = edge_index[1]
    et = edge_type

    row_idx = src * R + et
    key = dst * R + et

    pad_seq = jax.lax.iota(jnp.int32, EPAD)
    rp = jnp.concatenate([row_idx, pad_seq % (N * R)]).reshape(NW, NBK, 128)
    dp = jnp.concatenate([dst, N + pad_seq % (NPAD - N)]).reshape(NW, NBK, 128)
    kp = jnp.concatenate([key, N * R + pad_seq % (NR_PAD - N * R)]).reshape(NW, NBK, 128)

    norm = _norm_kernel(kp)

    hr1, sl1 = _mm_first(x, _wcat(a1, V1, Ws1))
    acc1 = _agg_kernel(hr1.reshape(N * R, D), rp, dp, norm)
    hr2, sl2 = _mm_mid(acc1, sl1, _wcat(a2, V2, Ws2))
    acc2 = _agg_kernel(hr2.reshape(N * R, D), rp, dp, norm)
    return _combine(acc2, sl2)

# --- scband reference (transcript-rebuilt; emitter-appended) ---
"""Pipeline reference for scband-rgcn-20091857011078 (READ-ONLY COPY).

The authoritative reference and input builder live on the scoring server;
editing this copy changes nothing except your own understanding.
"""

import jax, jax.numpy as jnp
import numpy as np

N = 10000
E = 160000
R = 8
B = 4
D = 128


def setup_inputs(seed: int = 0) -> dict:
    key = jax.random.key(seed)
    ks = jax.random.split(key, 10)
    x = jax.random.normal(ks[0], (N, D), dtype=jnp.float32)
    edge_index = jax.random.randint(ks[1], (2, E), 0, N, dtype=jnp.int32)
    edge_type = jax.random.randint(ks[2], (E,), 0, R, dtype=jnp.int32)
    scale = 1.0 / np.sqrt(D)
    V1 = jax.random.normal(ks[3], (B, D, D), dtype=jnp.float32) * scale
    a1 = jax.random.normal(ks[4], (R, B), dtype=jnp.float32) * (1.0 / np.sqrt(B))
    Ws1 = jax.random.normal(ks[5], (D, D), dtype=jnp.float32) * scale
    V2 = jax.random.normal(ks[6], (B, D, D), dtype=jnp.float32) * scale
    a2 = jax.random.normal(ks[7], (R, B), dtype=jnp.float32) * (1.0 / np.sqrt(B))
    Ws2 = jax.random.normal(ks[8], (D, D), dtype=jnp.float32) * scale
    return {"x": x, "edge_index": edge_index, "edge_type": edge_type,
            "V1": V1, "a1": a1, "Ws1": Ws1, "V2": V2, "a2": a2, "Ws2": Ws2}


def _rgcn_layer(h, edge_index, edge_type, V, a, Ws):
    # basis-decomposed relation weights: W_r = sum_b a[r,b] * V[b]
    W = jnp.einsum('rb,bio->rio', a, V)          # [R, in, out]
    hr = jnp.einsum('ni,rio->rno', h, W)         # [R, N, out]
    src = edge_index[0]
    dst = edge_index[1]
    msgs = hr[edge_type, src]                    # [E, out] gather
    # per (dst, relation) normalization c_{i,r}
    keyid = dst * R + edge_type
    cnt = jnp.bincount(keyid, length=N * R).astype(jnp.float32)
    norm = 1.0 / jnp.maximum(cnt[keyid], 1.0)
    agg = jax.ops.segment_sum(msgs * norm[:, None], dst, num_segments=N)
    # self-loop
    return agg + h @ Ws


def reference(x, edge_index, edge_type, V1, a1, Ws1, V2, a2, Ws2):
    h = _rgcn_layer(x, edge_index, edge_type, V1, a1, Ws1)
    h = jax.nn.relu(h)
    h = _rgcn_layer(h, edge_index, edge_type, V2, a2, Ws2)
    return h

if __name__ == "__main__":
    import jax
    _d = setup_inputs()
    print(jax.jit(kernel)(*tuple(_d.values())))

</pallas_src>

<mosaic_0001>
#map = affine_map<(d0, d1) -> (0, 0)>
#map1 = affine_map<(d0, d1) -> (0, 0, 0)>
module attributes {stable_mosaic.version = 14 : i64} {
  func.func @_agg_kernel(%arg0: i32, %arg1: i32, %arg2: memref<80000x128xf32, #tpu.memory_space<hbm>>, %arg3: memref<32x40x128xi32, #tpu.memory_space<hbm>>, %arg4: memref<32x40x128xi32, #tpu.memory_space<hbm>>, %arg5: memref<32x5120xf32, #tpu.memory_space<hbm>>, %arg6: memref<2x10240x128xf32, #tpu.memory_space<hbm>>, %arg7: memref<40x128xi32, #tpu.memory_space<vmem>>, %arg8: memref<40x128xi32, #tpu.memory_space<vmem>>, %arg9: memref<5120xf32, #tpu.memory_space<vmem>>, %arg10: memref<128x128xf32, #tpu.memory_space<vmem>>, %arg11: memref<128x128xf32, #tpu.memory_space<vmem>>, %arg12: memref<10240x128xf32, #tpu.memory_space<vmem_shared>>, %arg13: memref<!tpu.dma_semaphore, #tpu.memory_space<semaphore_mem>>, %arg14: memref<!tpu.dma_semaphore, #tpu.memory_space<semaphore_mem>>) attributes {dimension_semantics = [#tpu.dimension_semantics<core_parallel>, #tpu.dimension_semantics<subcore_parallel>], iteration_bounds = array<i64: 2, 16>, scalar_prefetch = 0 : i64, scratch_operands = 8 : i64, tpu.core_type = #tpu.core_type<sc_vector_subcore>, window_params = [{transform_indices = #map}, {transform_indices = #map1}, {transform_indices = #map1}, {transform_indices = #map}, {transform_indices = #map1}]} {
    %mul3A = arith.constant 2 : i32
    %mul3A_0 = arith.muli %arg1, %mul3A : i32
    %add3A = arith.addi %mul3A_0, %arg0 : i32
    "tpu.region"() ({
      %run_scoped3A = tpu.sem_alloc : memref<!tpu.dma_semaphore, #tpu.memory_space<semaphore_mem>>
      %dma_start3A_45 = arith.constant 0 : i32
      %dma_start3A_46 = arith.constant 0 : i32
      %dma_start3A_47 = tpu.memref_slice %arg3[%add3A, %dma_start3A_45, %dma_start3A_46] : memref<32x40x128xi32, #tpu.memory_space<hbm>> -> memref<1x40x128xi32, #tpu.memory_space<hbm>>
      %dma_start3A_48 = tpu.memref_squeeze %dma_start3A_47 : memref<1x40x128xi32, #tpu.memory_space<hbm>> -> memref<40x128xi32, #tpu.memory_space<hbm>>
      %dma_start3A_49 = arith.constant 0 : i32
      %dma_start3A_50 = arith.constant 0 : i32
      %dma_start3A_51 = tpu.memref_slice %arg3[%add3A, %dma_start3A_49, %dma_start3A_50] : memref<32x40x128xi32, #tpu.memory_space<hbm>> -> memref<1x40x128xi32, #tpu.memory_space<hbm>>
      %dma_start3A_52 = tpu.memref_squeeze %dma_start3A_51 : memref<1x40x128xi32, #tpu.memory_space<hbm>> -> memref<40x128xi32, #tpu.memory_space<hbm>>
      tpu.enqueue_dma source(%dma_start3A_52 : memref<40x128xi32, #tpu.memory_space<hbm>>) target(%arg7 : memref<40x128xi32, #tpu.memory_space<vmem>>) target_semaphore(%run_scoped3A : memref<!tpu.dma_semaphore, #tpu.memory_space<semaphore_mem>>)
      %dma_wait3A = arith.constant 0 : i32
      %dma_wait3A_53 = arith.constant 0 : i32
      %dma_wait3A_54 = tpu.memref_slice %arg3[%add3A, %dma_wait3A, %dma_wait3A_53] : memref<32x40x128xi32, #tpu.memory_space<hbm>> -> memref<1x40x128xi32, #tpu.memory_space<hbm>>
      %dma_wait3A_55 = tpu.memref_squeeze %dma_wait3A_54 : memref<1x40x128xi32, #tpu.memory_space<hbm>> -> memref<40x128xi32, #tpu.memory_space<hbm>>
      %dma_wait3A_56 = arith.constant 0 : i32
      %dma_wait3A_57 = arith.constant 0 : i32
      %dma_wait3A_58 = tpu.memref_slice %arg3[%add3A, %dma_wait3A_56, %dma_wait3A_57] : memref<32x40x128xi32, #tpu.memory_space<hbm>> -> memref<1x40x128xi32, #tpu.memory_space<hbm>>
      %dma_wait3A_59 = tpu.memref_squeeze %dma_wait3A_58 : memref<1x40x128xi32, #tpu.memory_space<hbm>> -> memref<40x128xi32, #tpu.memory_space<hbm>>
      tpu.wait_dma2 semaphore(%run_scoped3A : memref<!tpu.dma_semaphore, #tpu.memory_space<semaphore_mem>>) src(%dma_wait3A_59 : memref<40x128xi32, #tpu.memory_space<hbm>>) dst(%arg7 : memref<40x128xi32, #tpu.memory_space<vmem>>)
      tpu.yield
    }) : () -> ()
    "tpu.region"() ({
      %run_scoped3A = tpu.sem_alloc : memref<!tpu.dma_semaphore, #tpu.memory_space<semaphore_mem>>
      %dma_start3A_45 = arith.constant 0 : i32
      %dma_start3A_46 = arith.constant 0 : i32
      %dma_start3A_47 = tpu.memref_slice %arg4[%add3A, %dma_start3A_45, %dma_start3A_46] : memref<32x40x128xi32, #tpu.memory_space<hbm>> -> memref<1x40x128xi32, #tpu.memory_space<hbm>>
      %dma_start3A_48 = tpu.memref_squeeze %dma_start3A_47 : memref<1x40x128xi32, #tpu.memory_space<hbm>> -> memref<40x128xi32, #tpu.memory_space<hbm>>
      %dma_start3A_49 = arith.constant 0 : i32
      %dma_start3A_50 = arith.constant 0 : i32
      %dma_start3A_51 = tpu.memref_slice %arg4[%add3A, %dma_start3A_49, %dma_start3A_50] : memref<32x40x128xi32, #tpu.memory_space<hbm>> -> memref<1x40x128xi32, #tpu.memory_space<hbm>>
      %dma_start3A_52 = tpu.memref_squeeze %dma_start3A_51 : memref<1x40x128xi32, #tpu.memory_space<hbm>> -> memref<40x128xi32, #tpu.memory_space<hbm>>
      tpu.enqueue_dma source(%dma_start3A_52 : memref<40x128xi32, #tpu.memory_space<hbm>>) target(%arg8 : memref<40x128xi32, #tpu.memory_space<vmem>>) target_semaphore(%run_scoped3A : memref<!tpu.dma_semaphore, #tpu.memory_space<semaphore_mem>>)
      %dma_wait3A = arith.constant 0 : i32
      %dma_wait3A_53 = arith.constant 0 : i32
      %dma_wait3A_54 = tpu.memref_slice %arg4[%add3A, %dma_wait3A, %dma_wait3A_53] : memref<32x40x128xi32, #tpu.memory_space<hbm>> -> memref<1x40x128xi32, #tpu.memory_space<hbm>>
      %dma_wait3A_55 = tpu.memref_squeeze %dma_wait3A_54 : memref<1x40x128xi32, #tpu.memory_space<hbm>> -> memref<40x128xi32, #tpu.memory_space<hbm>>
      %dma_wait3A_56 = arith.constant 0 : i32
      %dma_wait3A_57 = arith.constant 0 : i32
      %dma_wait3A_58 = tpu.memref_slice %arg4[%add3A, %dma_wait3A_56, %dma_wait3A_57] : memref<32x40x128xi32, #tpu.memory_space<hbm>> -> memref<1x40x128xi32, #tpu.memory_space<hbm>>
      %dma_wait3A_59 = tpu.memref_squeeze %dma_wait3A_58 : memref<1x40x128xi32, #tpu.memory_space<hbm>> -> memref<40x128xi32, #tpu.memory_space<hbm>>
      tpu.wait_dma2 semaphore(%run_scoped3A : memref<!tpu.dma_semaphore, #tpu.memory_space<semaphore_mem>>) src(%dma_wait3A_59 : memref<40x128xi32, #tpu.memory_space<hbm>>) dst(%arg8 : memref<40x128xi32, #tpu.memory_space<vmem>>)
      tpu.yield
    }) : () -> ()
    "tpu.region"() ({
      %run_scoped3A = tpu.sem_alloc : memref<!tpu.dma_semaphore, #tpu.memory_space<semaphore_mem>>
      %dma_start3A_45 = arith.constant 0 : i32
      %dma_start3A_46 = tpu.memref_slice %arg5[%add3A, %dma_start3A_45] : memref<32x5120xf32, #tpu.memory_space<hbm>> -> memref<1x5120xf32, #tpu.memory_space<hbm>>
      %dma_start3A_47 = tpu.memref_squeeze %dma_start3A_46 : memref<1x5120xf32, #tpu.memory_space<hbm>> -> memref<5120xf32, #tpu.memory_space<hbm>>
      %dma_start3A_48 = arith.constant 0 : i32
      %dma_start3A_49 = tpu.memref_slice %arg5[%add3A, %dma_start3A_48] : memref<32x5120xf32, #tpu.memory_space<hbm>> -> memref<1x5120xf32, #tpu.memory_space<hbm>>
      %dma_start3A_50 = tpu.memref_squeeze %dma_start3A_49 : memref<1x5120xf32, #tpu.memory_space<hbm>> -> memref<5120xf32, #tpu.memory_space<hbm>>
      tpu.enqueue_dma source(%dma_start3A_50 : memref<5120xf32, #tpu.memory_space<hbm>>) target(%arg9 : memref<5120xf32, #tpu.memory_space<vmem>>) target_semaphore(%run_scoped3A : memref<!tpu.dma_semaphore, #tpu.memory_space<semaphore_mem>>)
      %dma_wait3A = arith.constant 0 : i32
      %dma_wait3A_51 = tpu.memref_slice %arg5[%add3A, %dma_wait3A] : memref<32x5120xf32, #tpu.memory_space<hbm>> -> memref<1x5120xf32, #tpu.memory_space<hbm>>
      %dma_wait3A_52 = tpu.memref_squeeze %dma_wait3A_51 : memref<1x5120xf32, #tpu.memory_space<hbm>> -> memref<5120xf32, #tpu.memory_space<hbm>>
      %dma_wait3A_53 = arith.constant 0 : i32
      %dma_wait3A_54 = tpu.memref_slice %arg5[%add3A, %dma_wait3A_53] : memref<32x5120xf32, #tpu.memory_space<hbm>> -> memref<1x5120xf32, #tpu.memory_space<hbm>>
      %dma_wait3A_55 = tpu.memref_squeeze %dma_wait3A_54 : memref<1x5120xf32, #tpu.memory_space<hbm>> -> memref<5120xf32, #tpu.memory_space<hbm>>
      tpu.wait_dma2 semaphore(%run_scoped3A : memref<!tpu.dma_semaphore, #tpu.memory_space<semaphore_mem>>) src(%dma_wait3A_55 : memref<5120xf32, #tpu.memory_space<hbm>>) dst(%arg9 : memref<5120xf32, #tpu.memory_space<vmem>>)
      tpu.yield
    }) : () -> ()
    %scan3A = arith.constant 0 : i32
    %scan3A_1 = arith.constant 0 : i32
    %scan3A_2 = arith.constant 128 : i32
    %scan3A_3 = arith.addi %scan3A_1, %scan3A_2 : i32
    %scan3A_4 = arith.constant 1 : i32
    %scan3A_5 = scf.for %scan3A_45 = %scan3A_1 to %scan3A_3 step %scan3A_4 iter_args(%scan3A_46 = %scan3A) -> (i32)  : i32 {
      %broadcast_in_dim3A = arith.constant 0.000000e+00 : f32
      %broadcast_in_dim3A_47 = vector.broadcast %broadcast_in_dim3A : f32 to vector<16xf32>
      %swap3A = arith.index_cast %scan3A_45 : i32 to index
      %swap3A_48 = arith.constant 0 : index
      %swap3A_49 = tpu.vector_load %arg10[%swap3A, %swap3A_48] {strides = array<i32>} : memref<128x128xf32, #tpu.memory_space<vmem>>, vector<16xf32>,
      tpu.vector_store %arg10[%swap3A, %swap3A_48], %broadcast_in_dim3A_47 {strides = array<i32>} : memref<128x128xf32, #tpu.memory_space<vmem>>, vector<16xf32>,
      %broadcast_in_dim3A_50 = arith.constant 0.000000e+00 : f32
      %broadcast_in_dim3A_51 = vector.broadcast %broadcast_in_dim3A_50 : f32 to vector<16xf32>
      %swap3A_52 = arith.index_cast %scan3A_45 : i32 to index
      %swap3A_53 = arith.constant 16 : index
      %swap3A_54 = tpu.vector_load %arg10[%swap3A_52, %swap3A_53] {strides = array<i32>} : memref<128x128xf32, #tpu.memory_space<vmem>>, vector<16xf32>,
      tpu.vector_store %arg10[%swap3A_52, %swap3A_53], %broadcast_in_dim3A_51 {strides = array<i32>} : memref<128x128xf32, #tpu.memory_space<vmem>>, vector<16xf32>,
      %broadcast_in_dim3A_55 = arith.constant 0.000000e+00 : f32
      %broadcast_in_dim3A_56 = vector.broadcast %broadcast_in_dim3A_55 : f32 to vector<16xf32>
      %swap3A_57 = arith.index_cast %scan3A_45 : i32 to index
      %swap3A_58 = arith.constant 32 : index
      %swap3A_59 = tpu.vector_load %arg10[%swap3A_57, %swap3A_58] {strides = array<i32>} : memref<128x128xf32, #tpu.memory_space<vmem>>, vector<16xf32>,
      tpu.vector_store %arg10[%swap3A_57, %swap3A_58], %broadcast_in_dim3A_56 {strides = array<i32>} : memref<128x128xf32, #tpu.memory_space<vmem>>, vector<16xf32>,
      %broadcast_in_dim3A_60 = arith.constant 0.000000e+00 : f32
      %broadcast_in_dim3A_61 = vector.broadcast %broadcast_in_dim3A_60 : f32 to vector<16xf32>
      %swap3A_62 = arith.index_cast %scan3A_45 : i32 to index
      %swap3A_63 = arith.constant 48 : index
      %swap3A_64 = tpu.vector_load %arg10[%swap3A_62, %swap3A_63] {strides = array<i32>} : memref<128x128xf32, #tpu.memory_space<vmem>>, vector<16xf32>,
      tpu.vector_store %arg10[%swap3A_62, %swap3A_63], %broadcast_in_dim3A_61 {strides = array<i32>} : memref<128x128xf32, #tpu.memory_space<vmem>>, vector<16xf32>,
      %broadcast_in_dim3A_65 = arith.constant 0.000000e+00 : f32
      %broadcast_in_dim3A_66 = vector.broadcast %broadcast_in_dim3A_65 : f32 to vector<16xf32>
      %swap3A_67 = arith.index_cast %scan3A_45 : i32 to index
      %swap3A_68 = arith.constant 64 : index
      %swap3A_69 = tpu.vector_load %arg10[%swap3A_67, %swap3A_68] {strides = array<i32>} : memref<128x128xf32, #tpu.memory_space<vmem>>, vector<16xf32>,
      tpu.vector_store %arg10[%swap3A_67, %swap3A_68], %broadcast_in_dim3A_66 {strides = array<i32>} : memref<128x128xf32, #tpu.memory_space<vmem>>, vector<16xf32>,
      %broadcast_in_dim3A_70 = arith.constant 0.000000e+00 : f32
      %broadcast_in_dim3A_71 = vector.broadcast %broadcast_in_dim3A_70 : f32 to vector<16xf32>
      %swap3A_72 = arith.index_cast %scan3A_45 : i32 to index
      %swap3A_73 = arith.constant 80 : index
      %swap3A_74 = tpu.vector_load %arg10[%swap3A_72, %swap3A_73] {strides = array<i32>} : memref<128x128xf32, #tpu.memory_space<vmem>>, vector<16xf32>,
      tpu.vector_store %arg10[%swap3A_72, %swap3A_73], %broadcast_in_dim3A_71 {strides = array<i32>} : memref<128x128xf32, #tpu.memory_space<vmem>>, vector<16xf32>,
      %broadcast_in_dim3A_75 = arith.constant 0.000000e+00 : f32
      %broadcast_in_dim3A_76 = vector.broadcast %broadcast_in_dim3A_75 : f32 to vector<16xf32>
      %swap3A_77 = arith.index_cast %scan3A_45 : i32 to index
      %swap3A_78 = arith.constant 96 : index
      %swap3A_79 = tpu.vector_load %arg10[%swap3A_77, %swap3A_78] {strides = array<i32>} : memref<128x128xf32, #tpu.memory_space<vmem>>, vector<16xf32>,
      tpu.vector_store %arg10[%swap3A_77, %swap3A_78], %broadcast_in_dim3A_76 {strides = array<i32>} : memref<128x128xf32, #tpu.memory_space<vmem>>, vector<16xf32>,
      %broadcast_in_dim3A_80 = arith.constant 0.000000e+00 : f32
      %broadcast_in_dim3A_81 = vector.broadcast %broadcast_in_dim3A_80 : f32 to vector<16xf32>
      %swap3A_82 = arith.index_cast %scan3A_45 : i32 to index
      %swap3A_83 = arith.constant 112 : index
      %swap3A_84 = tpu.vector_load %arg10[%swap3A_82, %swap3A_83] {strides = array<i32>} : memref<128x128xf32, #tpu.memory_space<vmem>>, vector<16xf32>,
      tpu.vector_store %arg10[%swap3A_82, %swap3A_83], %broadcast_in_dim3A_81 {strides = array<i32>} : memref<128x128xf32, #tpu.memory_space<vmem>>, vector<16xf32>,
      %scan3A_85 = arith.constant 0 : i32
      scf.yield %scan3A_85 : i32
    }
    %scan3A_6 = arith.constant 128 : i32
    %mul3A_7 = arith.constant 640 : i32
    %mul3A_8 = arith.muli %arg1, %mul3A_7 : i32
    %add3A_9 = arith.constant 0 : i32
    %add3A_10 = arith.addi %mul3A_8, %add3A_9 : i32
    "tpu.region"() ({
      %run_scoped3A = tpu.sem_alloc : memref<!tpu.dma_semaphore, #tpu.memory_space<semaphore_mem>>
      %dma_start3A_45 = arith.constant 0 : i32
      %dma_start3A_46 = tpu.memref_slice %arg12[%add3A_10, %dma_start3A_45] : memref<10240x128xf32, #tpu.memory_space<vmem_shared>> -> memref<128x128xf32, #tpu.memory_space<vmem_shared>>
      %dma_start3A_47 = arith.constant 0 : i32
      %dma_start3A_48 = tpu.memref_slice %arg12[%add3A_10, %dma_start3A_47] : memref<10240x128xf32, #tpu.memory_space<vmem_shared>> -> memref<128x128xf32, #tpu.memory_space<vmem_shared>>
      tpu.enqueue_dma source(%arg10 : memref<128x128xf32, #tpu.memory_space<vmem>>) target(%dma_start3A_48 : memref<128x128xf32, #tpu.memory_space<vmem_shared>>) target_semaphore(%run_scoped3A : memref<!tpu.dma_semaphore, #tpu.memory_space<semaphore_mem>>)
      %dma_wait3A = arith.constant 0 : i32
      %dma_wait3A_49 = tpu.memref_slice %arg12[%add3A_10, %dma_wait3A] : memref<10240x128xf32, #tpu.memory_space<vmem_shared>> -> memref<128x128xf32, #tpu.memory_space<vmem_shared>>
      %dma_wait3A_50 = arith.constant 0 : i32
      %dma_wait3A_51 = tpu.memref_slice %arg12[%add3A_10, %dma_wait3A_50] : memref<10240x128xf32, #tpu.memory_space<vmem_shared>> -> memref<128x128xf32, #tpu.memory_space<vmem_shared>>
      tpu.wait_dma2 semaphore(%run_scoped3A : memref<!tpu.dma_semaphore, #tpu.memory_space<semaphore_mem>>) src(%arg10 : memref<128x128xf32, #tpu.memory_space<vmem>>) dst(%dma_wait3A_51 : memref<128x128xf32, #tpu.memory_space<vmem_shared>>)
      tpu.yield
    }) : () -> ()
    %mul3A_11 = arith.constant 640 : i32
    %mul3A_12 = arith.muli %arg1, %mul3A_11 : i32
    %add3A_13 = arith.constant 128 : i32
    %add3A_14 = arith.addi %mul3A_12, %add3A_13 : i32
    "tpu.region"() ({
      %run_scoped3A = tpu.sem_alloc : memref<!tpu.dma_semaphore, #tpu.memory_space<semaphore_mem>>
      %dma_start3A_45 = arith.constant 0 : i32
      %dma_start3A_46 = tpu.memref_slice %arg12[%add3A_14, %dma_start3A_45] : memref<10240x128xf32, #tpu.memory_space<vmem_shared>> -> memref<128x128xf32, #tpu.memory_space<vmem_shared>>
      %dma_start3A_47 = arith.constant 0 : i32
      %dma_start3A_48 = tpu.memref_slice %arg12[%add3A_14, %dma_start3A_47] : memref<10240x128xf32, #tpu.memory_space<vmem_shared>> -> memref<128x128xf32, #tpu.memory_space<vmem_shared>>
      tpu.enqueue_dma source(%arg10 : memref<128x128xf32, #tpu.memory_space<vmem>>) target(%dma_start3A_48 : memref<128x128xf32, #tpu.memory_space<vmem_shared>>) target_semaphore(%run_scoped3A : memref<!tpu.dma_semaphore, #tpu.memory_space<semaphore_mem>>)
      %dma_wait3A = arith.constant 0 : i32
      %dma_wait3A_49 = tpu.memref_slice %arg12[%add3A_14, %dma_wait3A] : memref<10240x128xf32, #tpu.memory_space<vmem_shared>> -> memref<128x128xf32, #tpu.memory_space<vmem_shared>>
      %dma_wait3A_50 = arith.constant 0 : i32
      %dma_wait3A_51 = tpu.memref_slice %arg12[%add3A_14, %dma_wait3A_50] : memref<10240x128xf32, #tpu.memory_space<vmem_shared>> -> memref<128x128xf32, #tpu.memory_space<vmem_shared>>
      tpu.wait_dma2 semaphore(%run_scoped3A : memref<!tpu.dma_semaphore, #tpu.memory_space<semaphore_mem>>) src(%arg10 : memref<128x128xf32, #tpu.memory_space<vmem>>) dst(%dma_wait3A_51 : memref<128x128xf32, #tpu.memory_space<vmem_shared>>)
      tpu.yield
    }) : () -> ()
    %mul3A_15 = arith.constant 640 : i32
    %mul3A_16 = arith.muli %arg1, %mul3A_15 : i32
    %add3A_17 = arith.constant 256 : i32
    %add3A_18 = arith.addi %mul3A_16, %add3A_17 : i32
    "tpu.region"() ({
      %run_scoped3A = tpu.sem_alloc : memref<!tpu.dma_semaphore, #tpu.memory_space<semaphore_mem>>
      %dma_start3A_45 = arith.constant 0 : i32
      %dma_start3A_46 = tpu.memref_slice %arg12[%add3A_18, %dma_start3A_45] : memref<10240x128xf32, #tpu.memory_space<vmem_shared>> -> memref<128x128xf32, #tpu.memory_space<vmem_shared>>
      %dma_start3A_47 = arith.constant 0 : i32
      %dma_start3A_48 = tpu.memref_slice %arg12[%add3A_18, %dma_start3A_47] : memref<10240x128xf32, #tpu.memory_space<vmem_shared>> -> memref<128x128xf32, #tpu.memory_space<vmem_shared>>
      tpu.enqueue_dma source(%arg10 : memref<128x128xf32, #tpu.memory_space<vmem>>) target(%dma_start3A_48 : memref<128x128xf32, #tpu.memory_space<vmem_shared>>) target_semaphore(%run_scoped3A : memref<!tpu.dma_semaphore, #tpu.memory_space<semaphore_mem>>)
      %dma_wait3A = arith.constant 0 : i32
      %dma_wait3A_49 = tpu.memref_slice %arg12[%add3A_18, %dma_wait3A] : memref<10240x128xf32, #tpu.memory_space<vmem_shared>> -> memref<128x128xf32, #tpu.memory_space<vmem_shared>>
      %dma_wait3A_50 = arith.constant 0 : i32
      %dma_wait3A_51 = tpu.memref_slice %arg12[%add3A_18, %dma_wait3A_50] : memref<10240x128xf32, #tpu.memory_space<vmem_shared>> -> memref<128x128xf32, #tpu.memory_space<vmem_shared>>
      tpu.wait_dma2 semaphore(%run_scoped3A : memref<!tpu.dma_semaphore, #tpu.memory_space<semaphore_mem>>) src(%arg10 : memref<128x128xf32, #tpu.memory_space<vmem>>) dst(%dma_wait3A_51 : memref<128x128xf32, #tpu.memory_space<vmem_shared>>)
      tpu.yield
    }) : () -> ()
    %mul3A_19 = arith.constant 640 : i32
    %mul3A_20 = arith.muli %arg1, %mul3A_19 : i32
    %add3A_21 = arith.constant 384 : i32
    %add3A_22 = arith.addi %mul3A_20, %add3A_21 : i32
    "tpu.region"() ({
      %run_scoped3A = tpu.sem_alloc : memref<!tpu.dma_semaphore, #tpu.memory_space<semaphore_mem>>
      %dma_start3A_45 = arith.constant 0 : i32
      %dma_start3A_46 = tpu.memref_slice %arg12[%add3A_22, %dma_start3A_45] : memref<10240x128xf32, #tpu.memory_space<vmem_shared>> -> memref<128x128xf32, #tpu.memory_space<vmem_shared>>
      %dma_start3A_47 = arith.constant 0 : i32
      %dma_start3A_48 = tpu.memref_slice %arg12[%add3A_22, %dma_start3A_47] : memref<10240x128xf32, #tpu.memory_space<vmem_shared>> -> memref<128x128xf32, #tpu.memory_space<vmem_shared>>
      tpu.enqueue_dma source(%arg10 : memref<128x128xf32, #tpu.memory_space<vmem>>) target(%dma_start3A_48 : memref<128x128xf32, #tpu.memory_space<vmem_shared>>) target_semaphore(%run_scoped3A : memref<!tpu.dma_semaphore, #tpu.memory_space<semaphore_mem>>)
      %dma_wait3A = arith.constant 0 : i32
      %dma_wait3A_49 = tpu.memref_slice %arg12[%add3A_22, %dma_wait3A] : memref<10240x128xf32, #tpu.memory_space<vmem_shared>> -> memref<128x128xf32, #tpu.memory_space<vmem_shared>>
      %dma_wait3A_50 = arith.constant 0 : i32
      %dma_wait3A_51 = tpu.memref_slice %arg12[%add3A_22, %dma_wait3A_50] : memref<10240x128xf32, #tpu.memory_space<vmem_shared>> -> memref<128x128xf32, #tpu.memory_space<vmem_shared>>
      tpu.wait_dma2 semaphore(%run_scoped3A : memref<!tpu.dma_semaphore, #tpu.memory_space<semaphore_mem>>) src(%arg10 : memref<128x128xf32, #tpu.memory_space<vmem>>) dst(%dma_wait3A_51 : memref<128x128xf32, #tpu.memory_space<vmem_shared>>)
      tpu.yield
    }) : () -> ()
    %mul3A_23 = arith.constant 640 : i32
    %mul3A_24 = arith.muli %arg1, %mul3A_23 : i32
    %add3A_25 = arith.constant 512 : i32
    %add3A_26 = arith.addi %mul3A_24, %add3A_25 : i32
    "tpu.region"() ({
      %run_scoped3A = tpu.sem_alloc : memref<!tpu.dma_semaphore, #tpu.memory_space<semaphore_mem>>
      %dma_start3A_45 = arith.constant 0 : i32
      %dma_start3A_46 = tpu.memref_slice %arg12[%add3A_26, %dma_start3A_45] : memref<10240x128xf32, #tpu.memory_space<vmem_shared>> -> memref<128x128xf32, #tpu.memory_space<vmem_shared>>
      %dma_start3A_47 = arith.constant 0 : i32
      %dma_start3A_48 = tpu.memref_slice %arg12[%add3A_26, %dma_start3A_47] : memref<10240x128xf32, #tpu.memory_space<vmem_shared>> -> memref<128x128xf32, #tpu.memory_space<vmem_shared>>
      tpu.enqueue_dma source(%arg10 : memref<128x128xf32, #tpu.memory_space<vmem>>) target(%dma_start3A_48 : memref<128x128xf32, #tpu.memory_space<vmem_shared>>) target_semaphore(%run_scoped3A : memref<!tpu.dma_semaphore, #tpu.memory_space<semaphore_mem>>)
      %dma_wait3A = arith.constant 0 : i32
      %dma_wait3A_49 = tpu.memref_slice %arg12[%add3A_26, %dma_wait3A] : memref<10240x128xf32, #tpu.memory_space<vmem_shared>> -> memref<128x128xf32, #tpu.memory_space<vmem_shared>>
      %dma_wait3A_50 = arith.constant 0 : i32
      %dma_wait3A_51 = tpu.memref_slice %arg12[%add3A_26, %dma_wait3A_50] : memref<10240x128xf32, #tpu.memory_space<vmem_shared>> -> memref<128x128xf32, #tpu.memory_space<vmem_shared>>
      tpu.wait_dma2 semaphore(%run_scoped3A : memref<!tpu.dma_semaphore, #tpu.memory_space<semaphore_mem>>) src(%arg10 : memref<128x128xf32, #tpu.memory_space<vmem>>) dst(%dma_wait3A_51 : memref<128x128xf32, #tpu.memory_space<vmem_shared>>)
      tpu.yield
    }) : () -> ()
    %barrier3A = arith.constant 0 : index
    tpu.barrier barrier_id(%barrier3A)
    %dma_start3A = arith.constant 0 : i32
    %dma_start3A_27 = arith.constant 0 : i32
    %dma_start3A_28 = tpu.memref_slice %arg7[%dma_start3A, %dma_start3A_27] : memref<40x128xi32, #tpu.memory_space<vmem>> -> memref<1x128xi32, #tpu.memory_space<vmem>>
    %dma_start3A_29 = tpu.memref_squeeze %dma_start3A_28 : memref<1x128xi32, #tpu.memory_space<vmem>> -> memref<128xi32, #tpu.memory_space<vmem>>
    %dma_start3A_30 = arith.constant 0 : i32
    %dma_start3A_31 = arith.constant 0 : i32
    %dma_start3A_32 = tpu.memref_slice %arg2[%dma_start3A_30, %dma_start3A_31] : memref<80000x128xf32, #tpu.memory_space<hbm>> -> memref<80000x128xf32, #tpu.memory_space<hbm>>
    tpu.enqueue_indirect_dma source(%dma_start3A_32 : memref<80000x128xf32, #tpu.memory_space<hbm>>) target(%arg10 : memref<128x128xf32, #tpu.memory_space<vmem>>) offsets(%dma_start3A_29 : memref<128xi32, #tpu.memory_space<vmem>>) semaphore(%arg13 : memref<!tpu.dma_semaphore, #tpu.memory_space<semaphore_mem>>)
    %scan3A_33 = arith.constant 0 : i32
    %scan3A_34 = arith.constant 0 : i32
    %scan3A_35 = arith.constant 20 : i32
    %scan3A_36 = arith.addi %scan3A_34, %scan3A_35 : i32
    %scan3A_37 = arith.constant 1 : i32
    %scan3A_38 = scf.for %scan3A_45 = %scan3A_34 to %scan3A_36 step %scan3A_37 iter_args(%scan3A_46 = %scan3A_33) -> (i32)  : i32 {
      %mul3A_47 = arith.constant 2 : i32
      %mul3A_48 = arith.muli %mul3A_47, %scan3A_45 : i32
      %dma_wait3A = arith.constant 0 : i32
      %dma_wait3A_49 = arith.constant 0 : i32
      %dma_wait3A_50 = tpu.memref_slice %arg7[%dma_wait3A, %dma_wait3A_49] : memref<40x128xi32, #tpu.memory_space<vmem>> -> memref<1x128xi32, #tpu.memory_space<vmem>>
      %dma_wait3A_51 = tpu.memref_squeeze %dma_wait3A_50 : memref<1x128xi32, #tpu.memory_space<vmem>> -> memref<128xi32, #tpu.memory_space<vmem>>
      %dma_wait3A_52 = arith.constant 0 : i32
      %dma_wait3A_53 = arith.constant 0 : i32
      %dma_wait3A_54 = tpu.memref_slice %arg2[%dma_wait3A_52, %dma_wait3A_53] : memref<80000x128xf32, #tpu.memory_space<hbm>> -> memref<80000x128xf32, #tpu.memory_space<hbm>>
      tpu.wait_indirect_dma semaphore(%arg13 : memref<!tpu.dma_semaphore, #tpu.memory_space<semaphore_mem>>) src(%dma_wait3A_54 : memref<80000x128xf32, #tpu.memory_space<hbm>>) dst(%arg10 : memref<128x128xf32, #tpu.memory_space<vmem>>)
      %add3A_55 = arith.constant 1 : i32
      %add3A_56 = arith.addi %mul3A_48, %add3A_55 : i32
      %dma_start3A_57 = arith.constant 0 : i32
      %dma_start3A_58 = tpu.memref_slice %arg7[%add3A_56, %dma_start3A_57] : memref<40x128xi32, #tpu.memory_space<vmem>> -> memref<1x128xi32, #tpu.memory_space<vmem>>
      %dma_start3A_59 = tpu.memref_squeeze %dma_start3A_58 : memref<1x128xi32, #tpu.memory_space<vmem>> -> memref<128xi32, #tpu.memory_space<vmem>>
      %dma_start3A_60 = arith.constant 0 : i32
      %dma_start3A_61 = arith.constant 0 : i32
      %dma_start3A_62 = tpu.memref_slice %arg2[%dma_start3A_60, %dma_start3A_61] : memref<80000x128xf32, #tpu.memory_space<hbm>> -> memref<80000x128xf32, #tpu.memory_space<hbm>>
      tpu.enqueue_indirect_dma source(%dma_start3A_62 : memref<80000x128xf32, #tpu.memory_space<hbm>>) target(%arg11 : memref<128x128xf32, #tpu.memory_space<vmem>>) offsets(%dma_start3A_59 : memref<128xi32, #tpu.memory_space<vmem>>) semaphore(%arg14 : memref<!tpu.dma_semaphore, #tpu.memory_space<semaphore_mem>>)
      %mul3A_63 = arith.constant 128 : i32
      %mul3A_64 = arith.muli %mul3A_48, %mul3A_63 : i32
      %broadcast_in_dim3A = vector.broadcast %mul3A_64 : i32 to vector<16xi32>
      %scan3A_65 = arith.constant 0 : i32
      %scan3A_66 = arith.constant 128 : i32
      %scan3A_67 = arith.addi %scan3A_65, %scan3A_66 : i32
      %scan3A_68 = arith.constant 1 : i32
      %scan3A_69 = scf.for %scan3A_94 = %scan3A_65 to %scan3A_67 step %scan3A_68 iter_args(%scan3A_95 = %broadcast_in_dim3A) -> (vector<16xi32>)  : i32 {
        %gather3A = tpu.vector_load_idx %arg9[%scan3A_95] : memref<5120xf32, #tpu.memory_space<vmem>>[vector<16xi32>], vector<16xf32>,
        %get3A = arith.index_cast %scan3A_94 : i32 to index
        %get3A_96 = arith.constant 0 : index
        %get3A_97 = tpu.vector_load %arg10[%get3A, %get3A_96] {strides = array<i32>} : memref<128x128xf32, #tpu.memory_space<vmem>>, vector<16xf32>,
        %mul3A_98 = arith.mulf %get3A_97, %gather3A : vector<16xf32>
        %swap3A = arith.index_cast %scan3A_94 : i32 to index
        %swap3A_99 = arith.constant 0 : index
        %swap3A_100 = tpu.vector_load %arg10[%swap3A, %swap3A_99] {strides = array<i32>} : memref<128x128xf32, #tpu.memory_space<vmem>>, vector<16xf32>,
        tpu.vector_store %arg10[%swap3A, %swap3A_99], %mul3A_98 {strides = array<i32>} : memref<128x128xf32, #tpu.memory_space<vmem>>, vector<16xf32>,
        %get3A_101 = arith.index_cast %scan3A_94 : i32 to index
        %get3A_102 = arith.constant 16 : index
        %get3A_103 = tpu.vector_load %arg10[%get3A_101, %get3A_102] {strides = array<i32>} : memref<128x128xf32, #tpu.memory_space<vmem>>, vector<16xf32>,
        %mul3A_104 = arith.mulf %get3A_103, %gather3A : vector<16xf32>
        %swap3A_105 = arith.index_cast %scan3A_94 : i32 to index
        %swap3A_106 = arith.constant 16 : index
        %swap3A_107 = tpu.vector_load %arg10[%swap3A_105, %swap3A_106] {strides = array<i32>} : memref<128x128xf32, #tpu.memory_space<vmem>>, vector<16xf32>,
        tpu.vector_store %arg10[%swap3A_105, %swap3A_106], %mul3A_104 {strides = array<i32>} : memref<128x128xf32, #tpu.memory_space<vmem>>, vector<16xf32>,
        %get3A_108 = arith.index_cast %scan3A_94 : i32 to index
        %get3A_109 = arith.constant 32 : index
        %get3A_110 = tpu.vector_load %arg10[%get3A_108, %get3A_109] {strides = array<i32>} : memref<128x128xf32, #tpu.memory_space<vmem>>, vector<16xf32>,
        %mul3A_111 = arith.mulf %get3A_110, %gather3A : vector<16xf32>
        %swap3A_112 = arith.index_cast %scan3A_94 : i32 to index
        %swap3A_113 = arith.constant 32 : index
        %swap3A_114 = tpu.vector_load %arg10[%swap3A_112, %swap3A_113] {strides = array<i32>} : memref<128x128xf32, #tpu.memory_space<vmem>>, vector<16xf32>,
        tpu.vector_store %arg10[%swap3A_112, %swap3A_113], %mul3A_111 {strides = array<i32>} : memref<128x128xf32, #tpu.memory_space<vmem>>, vector<16xf32>,
        %get3A_115 = arith.index_cast %scan3A_94 : i32 to index
        %get3A_116 = arith.constant 48 : index
        %get3A_117 = tpu.vector_load %arg10[%get3A_115, %get3A_116] {strides = array<i32>} : memref<128x128xf32, #tpu.memory_space<vmem>>, vector<16xf32>,
        %mul3A_118 = arith.mulf %get3A_117, %gather3A : vector<16xf32>
        %swap3A_119 = arith.index_cast %scan3A_94 : i32 to index
        %swap3A_120 = arith.constant 48 : index
        %swap3A_121 = tpu.vector_load %arg10[%swap3A_119, %swap3A_120] {strides = array<i32>} : memref<128x128xf32, #tpu.memory_space<vmem>>, vector<16xf32>,
        tpu.vector_store %arg10[%swap3A_119, %swap3A_120], %mul3A_118 {strides = array<i32>} : memref<128x128xf32, #tpu.memory_space<vmem>>, vector<16xf32>,
        %get3A_122 = arith.index_cast %scan3A_94 : i32 to index
        %get3A_123 = arith.constant 64 : index
        %get3A_124 = tpu.vector_load %arg10[%get3A_122, %get3A_123] {strides = array<i32>} : memref<128x128xf32, #tpu.memory_space<vmem>>, vector<16xf32>,
        %mul3A_125 = arith.mulf %get3A_124, %gather3A : vector<16xf32>
        %swap3A_126 = arith.index_cast %scan3A_94 : i32 to index
        %swap3A_127 = arith.constant 64 : index
        %swap3A_128 = tpu.vector_load %arg10[%swap3A_126, %swap3A_127] {strides = array<i32>} : memref<128x128xf32, #tpu.memory_space<vmem>>, vector<16xf32>,
        tpu.vector_store %arg10[%swap3A_126, %swap3A_127], %mul3A_125 {strides = array<i32>} : memref<128x128xf32, #tpu.memory_space<vmem>>, vector<16xf32>,
        %get3A_129 = arith.index_cast %scan3A_94 : i32 to index
        %get3A_130 = arith.constant 80 : index
        %get3A_131 = tpu.vector_load %arg10[%get3A_129, %get3A_130] {strides = array<i32>} : memref<128x128xf32, #tpu.memory_space<vmem>>, vector<16xf32>,
        %mul3A_132 = arith.mulf %get3A_131, %gather3A : vector<16xf32>
        %swap3A_133 = arith.index_cast %scan3A_94 : i32 to index
        %swap3A_134 = arith.constant 80 : index
        %swap3A_135 = tpu.vector_load %arg10[%swap3A_133, %swap3A_134] {strides = array<i32>} : memref<128x128xf32, #tpu.memory_space<vmem>>, vector<16xf32>,
        tpu.vector_store %arg10[%swap3A_133, %swap3A_134], %mul3A_132 {strides = array<i32>} : memref<128x128xf32, #tpu.memory_space<vmem>>, vector<16xf32>,
        %get3A_136 = arith.index_cast %scan3A_94 : i32 to index
        %get3A_137 = arith.constant 96 : index
        %get3A_138 = tpu.vector_load %arg10[%get3A_136, %get3A_137] {strides = array<i32>} : memref<128x128xf32, #tpu.memory_space<vmem>>, vector<16xf32>,
        %mul3A_139 = arith.mulf %get3A_138, %gather3A : vector<16xf32>
        %swap3A_140 = arith.index_cast %scan3A_94 : i32 to index
        %swap3A_141 = arith.constant 96 : index
        %swap3A_142 = tpu.vector_load %arg10[%swap3A_140, %swap3A_141] {strides = array<i32>} : memref<128x128xf32, #tpu.memory_space<vmem>>, vector<16xf32>,
        tpu.vector_store %arg10[%swap3A_140, %swap3A_141], %mul3A_139 {strides = array<i32>} : memref<128x128xf32, #tpu.memory_space<vmem>>, vector<16xf32>,
        %get3A_143 = arith.index_cast %scan3A_94 : i32 to index
        %get3A_144 = arith.constant 112 : index
        %get3A_145 = tpu.vector_load %arg10[%get3A_143, %get3A_144] {strides = array<i32>} : memref<128x128xf32, #tpu.memory_space<vmem>>, vector<16xf32>,
        %mul3A_146 = arith.mulf %get3A_145, %gather3A : vector<16xf32>
        %swap3A_147 = arith.index_cast %scan3A_94 : i32 to index
        %swap3A_148 = arith.constant 112 : index
        %swap3A_149 = tpu.vector_load %arg10[%swap3A_147, %swap3A_148] {strides = array<i32>} : memref<128x128xf32, #tpu.memory_space<vmem>>, vector<16xf32>,
        tpu.vector_store %arg10[%swap3A_147, %swap3A_148], %mul3A_146 {strides = array<i32>} : memref<128x128xf32, #tpu.memory_space<vmem>>, vector<16xf32>,
        %add3A_150 = arith.constant 1 : i32
        %add3A_151 = vector.broadcast %add3A_150 : i32 to vector<16xi32>
        %add3A_152 = arith.addi %scan3A_95, %add3A_151 : vector<16xi32>
        scf.yield %add3A_152 : vector<16xi32>
      }
      %scan3A_70 = arith.constant 128 : i32
      "tpu.region"() ({
        %run_scoped3A = tpu.sem_alloc : memref<!tpu.dma_semaphore, #tpu.memory_space<semaphore_mem>>
        %dma_start3A_94 = arith.constant 0 : i32
        %dma_start3A_95 = tpu.memref_slice %arg8[%mul3A_48, %dma_start3A_94] : memref<40x128xi32, #tpu.memory_space<vmem>> -> memref<1x128xi32, #tpu.memory_space<vmem>>
        %dma_start3A_96 = tpu.memref_squeeze %dma_start3A_95 : memref<1x128xi32, #tpu.memory_space<vmem>> -> memref<128xi32, #tpu.memory_space<vmem>>
        %dma_start3A_97 = arith.constant 0 : i32
        %dma_start3A_98 = arith.constant 0 : i32
        %dma_start3A_99 = tpu.memref_slice %arg12[%dma_start3A_97, %dma_start3A_98] : memref<10240x128xf32, #tpu.memory_space<vmem_shared>> -> memref<10240x128xf32, #tpu.memory_space<vmem_shared>>
        tpu.enqueue_indirect_dma source(%arg10 : memref<128x128xf32, #tpu.memory_space<vmem>>) target(%dma_start3A_99 : memref<10240x128xf32, #tpu.memory_space<vmem_shared>>) offsets(%dma_start3A_96 : memref<128xi32, #tpu.memory_space<vmem>>) semaphore(%run_scoped3A : memref<!tpu.dma_semaphore, #tpu.memory_space<semaphore_mem>>) {add = true}
        %dma_wait3A_100 = arith.constant 0 : i32
        %dma_wait3A_101 = tpu.memref_slice %arg8[%mul3A_48, %dma_wait3A_100] : memref<40x128xi32, #tpu.memory_space<vmem>> -> memref<1x128xi32, #tpu.memory_space<vmem>>
        %dma_wait3A_102 = tpu.memref_squeeze %dma_wait3A_101 : memref<1x128xi32, #tpu.memory_space<vmem>> -> memref<128xi32, #tpu.memory_space<vmem>>
        %dma_wait3A_103 = arith.constant 0 : i32
        %dma_wait3A_104 = arith.constant 0 : i32
        %dma_wait3A_105 = tpu.memref_slice %arg12[%dma_wait3A_103, %dma_wait3A_104] : memref<10240x128xf32, #tpu.memory_space<vmem_shared>> -> memref<10240x128xf32, #tpu.memory_space<vmem_shared>>
        tpu.wait_indirect_dma semaphore(%run_scoped3A : memref<!tpu.dma_semaphore, #tpu.memory_space<semaphore_mem>>) src(%arg10 : memref<128x128xf32, #tpu.memory_space<vmem>>) dst(%dma_wait3A_105 : memref<10240x128xf32, #tpu.memory_space<vmem_shared>>)
        tpu.yield
      }) : () -> ()
      %dma_wait3A_71 = arith.constant 0 : i32
      %dma_wait3A_72 = arith.constant 0 : i32
      %dma_wait3A_73 = tpu.memref_slice %arg7[%dma_wait3A_71, %dma_wait3A_72] : memref<40x128xi32, #tpu.memory_space<vmem>> -> memref<1x128xi32, #tpu.memory_space<vmem>>
      %dma_wait3A_74 = tpu.memref_squeeze %dma_wait3A_73 : memref<1x128xi32, #tpu.memory_space<vmem>> -> memref<128xi32, #tpu.memory_space<vmem>>
      %dma_wait3A_75 = arith.constant 0 : i32
      %dma_wait3A_76 = arith.constant 0 : i32
      %dma_wait3A_77 = tpu.memref_slice %arg2[%dma_wait3A_75, %dma_wait3A_76] : memref<80000x128xf32, #tpu.memory_space<hbm>> -> memref<80000x128xf32, #tpu.memory_space<hbm>>
      tpu.wait_indirect_dma semaphore(%arg14 : memref<!tpu.dma_semaphore, #tpu.memory_space<semaphore_mem>>) src(%dma_wait3A_77 : memref<80000x128xf32, #tpu.memory_space<hbm>>) dst(%arg11 : memref<128x128xf32, #tpu.memory_space<vmem>>)
      %lt3A = arith.constant 19 : i32
      %lt3A_78 = arith.cmpi slt, %scan3A_45, %lt3A : i32
      %convert_element_type3A = arith.extui %lt3A_78 : i1 to i32
      %cond3A = arith.constant 0 : i32
      %cond3A_79 = arith.cmpi ne, %convert_element_type3A, %cond3A : i32
      scf.if %cond3A_79 {
        %add3A_94 = arith.constant 2 : i32
        %add3A_95 = arith.addi %mul3A_48, %add3A_94 : i32
        %dma_start3A_96 = arith.constant 0 : i32
        %dma_start3A_97 = tpu.memref_slice %arg7[%add3A_95, %dma_start3A_96] : memref<40x128xi32, #tpu.memory_space<vmem>> -> memref<1x128xi32, #tpu.memory_space<vmem>>
        %dma_start3A_98 = tpu.memref_squeeze %dma_start3A_97 : memref<1x128xi32, #tpu.memory_space<vmem>> -> memref<128xi32, #tpu.memory_space<vmem>>
        %dma_start3A_99 = arith.constant 0 : i32
        %dma_start3A_100 = arith.constant 0 : i32
        %dma_start3A_101 = tpu.memref_slice %arg2[%dma_start3A_99, %dma_start3A_100] : memref<80000x128xf32, #tpu.memory_space<hbm>> -> memref<80000x128xf32, #tpu.memory_space<hbm>>
        tpu.enqueue_indirect_dma source(%dma_start3A_101 : memref<80000x128xf32, #tpu.memory_space<hbm>>) target(%arg10 : memref<128x128xf32, #tpu.memory_space<vmem>>) offsets(%dma_start3A_98 : memref<128xi32, #tpu.memory_space<vmem>>) semaphore(%arg13 : memref<!tpu.dma_semaphore, #tpu.memory_space<semaphore_mem>>)
      } else {
      }
      %add3A_80 = arith.constant 1 : i32
      %add3A_81 = arith.addi %mul3A_48, %add3A_80 : i32
      %mul3A_82 = arith.constant 128 : i32
      %mul3A_83 = arith.muli %add3A_81, %mul3A_82 : i32
      %broadcast_in_dim3A_84 = vector.broadcast %mul3A_83 : i32 to vector<16xi32>
      %scan3A_85 = arith.constant 0 : i32
      %scan3A_86 = arith.constant 128 : i32
      %scan3A_87 = arith.addi %scan3A_85, %scan3A_86 : i32
      %scan3A_88 = arith.constant 1 : i32
      %scan3A_89 = scf.for %scan3A_94 = %scan3A_85 to %scan3A_87 step %scan3A_88 iter_args(%scan3A_95 = %broadcast_in_dim3A_84) -> (vector<16xi32>)  : i32 {
        %gather3A = tpu.vector_load_idx %arg9[%scan3A_95] : memref<5120xf32, #tpu.memory_space<vmem>>[vector<16xi32>], vector<16xf32>,
        %get3A = arith.index_cast %scan3A_94 : i32 to index
        %get3A_96 = arith.constant 0 : index
        %get3A_97 = tpu.vector_load %arg11[%get3A, %get3A_96] {strides = array<i32>} : memref<128x128xf32, #tpu.memory_space<vmem>>, vector<16xf32>,
        %mul3A_98 = arith.mulf %get3A_97, %gather3A : vector<16xf32>
        %swap3A = arith.index_cast %scan3A_94 : i32 to index
        %swap3A_99 = arith.constant 0 : index
        %swap3A_100 = tpu.vector_load %arg11[%swap3A, %swap3A_99] {strides = array<i32>} : memref<128x128xf32, #tpu.memory_space<vmem>>, vector<16xf32>,
        tpu.vector_store %arg11[%swap3A, %swap3A_99], %mul3A_98 {strides = array<i32>} : memref<128x128xf32, #tpu.memory_space<vmem>>, vector<16xf32>,
        %get3A_101 = arith.index_cast %scan3A_94 : i32 to index
        %get3A_102 = arith.constant 16 : index
        %get3A_103 = tpu.vector_load %arg11[%get3A_101, %get3A_102] {strides = array<i32>} : memref<128x128xf32, #tpu.memory_space<vmem>>, vector<16xf32>,
        %mul3A_104 = arith.mulf %get3A_103, %gather3A : vector<16xf32>
        %swap3A_105 = arith.index_cast %scan3A_94 : i32 to index
        %swap3A_106 = arith.constant 16 : index
        %swap3A_107 = tpu.vector_load %arg11[%swap3A_105, %swap3A_106] {strides = array<i32>} : memref<128x128xf32, #tpu.memory_space<vmem>>, vector<16xf32>,
        tpu.vector_store %arg11[%swap3A_105, %swap3A_106], %mul3A_104 {strides = array<i32>} : memref<128x128xf32, #tpu.memory_space<vmem>>, vector<16xf32>,
        %get3A_108 = arith.index_cast %scan3A_94 : i32 to index
        %get3A_109 = arith.constant 32 : index
        %get3A_110 = tpu.vector_load %arg11[%get3A_108, %get3A_109] {strides = array<i32>} : memref<128x128xf32, #tpu.memory_space<vmem>>, vector<16xf32>,
        %mul3A_111 = arith.mulf %get3A_110, %gather3A : vector<16xf32>
        %swap3A_112 = arith.index_cast %scan3A_94 : i32 to index
        %swap3A_113 = arith.constant 32 : index
        %swap3A_114 = tpu.vector_load %arg11[%swap3A_112, %swap3A_113] {strides = array<i32>} : memref<128x128xf32, #tpu.memory_space<vmem>>, vector<16xf32>,
        tpu.vector_store %arg11[%swap3A_112, %swap3A_113], %mul3A_111 {strides = array<i32>} : memref<128x128xf32, #tpu.memory_space<vmem>>, vector<16xf32>,
        %get3A_115 = arith.index_cast %scan3A_94 : i32 to index
        %get3A_116 = arith.constant 48 : index
        %get3A_117 = tpu.vector_load %arg11[%get3A_115, %get3A_116] {strides = array<i32>} : memref<128x128xf32, #tpu.memory_space<vmem>>, vector<16xf32>,
        %mul3A_118 = arith.mulf %get3A_117, %gather3A : vector<16xf32>
        %swap3A_119 = arith.index_cast %scan3A_94 : i32 to index
        %swap3A_120 = arith.constant 48 : index
        %swap3A_121 = tpu.vector_load %arg11[%swap3A_119, %swap3A_120] {strides = array<i32>} : memref<128x128xf32, #tpu.memory_space<vmem>>, vector<16xf32>,
        tpu.vector_store %arg11[%swap3A_119, %swap3A_120], %mul3A_118 {strides = array<i32>} : memref<128x128xf32, #tpu.memory_space<vmem>>, vector<16xf32>,
        %get3A_122 = arith.index_cast %scan3A_94 : i32 to index
        %get3A_123 = arith.constant 64 : index
        %get3A_124 = tpu.vector_load %arg11[%get3A_122, %get3A_123] {strides = array<i32>} : memref<128x128xf32, #tpu.memory_space<vmem>>, vector<16xf32>,
        %mul3A_125 = arith.mulf %get3A_124, %gather3A : vector<16xf32>
        %swap3A_126 = arith.index_cast %scan3A_94 : i32 to index
        %swap3A_127 = arith.constant 64 : index
        %swap3A_128 = tpu.vector_load %arg11[%swap3A_126, %swap3A_127] {strides = array<i32>} : memref<128x128xf32, #tpu.memory_space<vmem>>, vector<16xf32>,
        tpu.vector_store %arg11[%swap3A_126, %swap3A_127], %mul3A_125 {strides = array<i32>} : memref<128x128xf32, #tpu.memory_space<vmem>>, vector<16xf32>,
        %get3A_129 = arith.index_cast %scan3A_94 : i32 to index
        %get3A_130 = arith.constant 80 : index
        %get3A_131 = tpu.vector_load %arg11[%get3A_129, %get3A_130] {strides = array<i32>} : memref<128x128xf32, #tpu.memory_space<vmem>>, vector<16xf32>,
        %mul3A_132 = arith.mulf %get3A_131, %gather3A : vector<16xf32>
        %swap3A_133 = arith.index_cast %scan3A_94 : i32 to index
        %swap3A_134 = arith.constant 80 : index
        %swap3A_135 = tpu.vector_load %arg11[%swap3A_133, %swap3A_134] {strides = array<i32>} : memref<128x128xf32, #tpu.memory_space<vmem>>, vector<16xf32>,
        tpu.vector_store %arg11[%swap3A_133, %swap3A_134], %mul3A_132 {strides = array<i32>} : memref<128x128xf32, #tpu.memory_space<vmem>>, vector<16xf32>,
        %get3A_136 = arith.index_cast %scan3A_94 : i32 to index
        %get3A_137 = arith.constant 96 : index
        %get3A_138 = tpu.vector_load %arg11[%get3A_136, %get3A_137] {strides = array<i32>} : memref<128x128xf32, #tpu.memory_space<vmem>>, vector<16xf32>,
        %mul3A_139 = arith.mulf %get3A_138, %gather3A : vector<16xf32>
        %swap3A_140 = arith.index_cast %scan3A_94 : i32 to index
        %swap3A_141 = arith.constant 96 : index
        %swap3A_142 = tpu.vector_load %arg11[%swap3A_140, %swap3A_141] {strides = array<i32>} : memref<128x128xf32, #tpu.memory_space<vmem>>, vector<16xf32>,
        tpu.vector_store %arg11[%swap3A_140, %swap3A_141], %mul3A_139 {strides = array<i32>} : memref<128x128xf32, #tpu.memory_space<vmem>>, vector<16xf32>,
        %get3A_143 = arith.index_cast %scan3A_94 : i32 to index
        %get3A_144 = arith.constant 112 : index
        %get3A_145 = tpu.vector_load %arg11[%get3A_143, %get3A_144] {strides = array<i32>} : memref<128x128xf32, #tpu.memory_space<vmem>>, vector<16xf32>,
        %mul3A_146 = arith.mulf %get3A_145, %gather3A : vector<16xf32>
        %swap3A_147 = arith.index_cast %scan3A_94 : i32 to index
        %swap3A_148 = arith.constant 112 : index
        %swap3A_149 = tpu.vector_load %arg11[%swap3A_147, %swap3A_148] {strides = array<i32>} : memref<128x128xf32, #tpu.memory_space<vmem>>, vector<16xf32>,
        tpu.vector_store %arg11[%swap3A_147, %swap3A_148], %mul3A_146 {strides = array<i32>} : memref<128x128xf32, #tpu.memory_space<vmem>>, vector<16xf32>,
        %add3A_150 = arith.constant 1 : i32
        %add3A_151 = vector.broadcast %add3A_150 : i32 to vector<16xi32>
        %add3A_152 = arith.addi %scan3A_95, %add3A_151 : vector<16xi32>
        scf.yield %add3A_152 : vector<16xi32>
      }
      %scan3A_90 = arith.constant 128 : i32
      %add3A_91 = arith.constant 1 : i32
      %add3A_92 = arith.addi %mul3A_48, %add3A_91 : i32
      "tpu.region"() ({
        %run_scoped3A = tpu.sem_alloc : memref<!tpu.dma_semaphore, #tpu.memory_space<semaphore_mem>>
        %dma_start3A_94 = arith.constant 0 : i32
        %dma_start3A_95 = tpu.memref_slice %arg8[%add3A_92, %dma_start3A_94] : memref<40x128xi32, #tpu.memory_space<vmem>> -> memref<1x128xi32, #tpu.memory_space<vmem>>
        %dma_start3A_96 = tpu.memref_squeeze %dma_start3A_95 : memref<1x128xi32, #tpu.memory_space<vmem>> -> memref<128xi32, #tpu.memory_space<vmem>>
        %dma_start3A_97 = arith.constant 0 : i32
        %dma_start3A_98 = arith.constant 0 : i32
        %dma_start3A_99 = tpu.memref_slice %arg12[%dma_start3A_97, %dma_start3A_98] : memref<10240x128xf32, #tpu.memory_space<vmem_shared>> -> memref<10240x128xf32, #tpu.memory_space<vmem_shared>>
        tpu.enqueue_indirect_dma source(%arg11 : memref<128x128xf32, #tpu.memory_space<vmem>>) target(%dma_start3A_99 : memref<10240x128xf32, #tpu.memory_space<vmem_shared>>) offsets(%dma_start3A_96 : memref<128xi32, #tpu.memory_space<vmem>>) semaphore(%run_scoped3A : memref<!tpu.dma_semaphore, #tpu.memory_space<semaphore_mem>>) {add = true}
        %dma_wait3A_100 = arith.constant 0 : i32
        %dma_wait3A_101 = tpu.memref_slice %arg8[%add3A_92, %dma_wait3A_100] : memref<40x128xi32, #tpu.memory_space<vmem>> -> memref<1x128xi32, #tpu.memory_space<vmem>>
        %dma_wait3A_102 = tpu.memref_squeeze %dma_wait3A_101 : memref<1x128xi32, #tpu.memory_space<vmem>> -> memref<128xi32, #tpu.memory_space<vmem>>
        %dma_wait3A_103 = arith.constant 0 : i32
        %dma_wait3A_104 = arith.constant 0 : i32
        %dma_wait3A_105 = tpu.memref_slice %arg12[%dma_wait3A_103, %dma_wait3A_104] : memref<10240x128xf32, #tpu.memory_space<vmem_shared>> -> memref<10240x128xf32, #tpu.memory_space<vmem_shared>>
        tpu.wait_indirect_dma semaphore(%run_scoped3A : memref<!tpu.dma_semaphore, #tpu.memory_space<semaphore_mem>>) src(%arg11 : memref<128x128xf32, #tpu.memory_space<vmem>>) dst(%dma_wait3A_105 : memref<10240x128xf32, #tpu.memory_space<vmem_shared>>)
        tpu.yield
      }) : () -> ()
      %scan3A_93 = arith.constant 0 : i32
      scf.yield %scan3A_93 : i32
    }
    %scan3A_39 = arith.constant 20 : i32
    %barrier3A_40 = arith.constant 0 : index
    tpu.barrier barrier_id(%barrier3A_40)
    %mul3A_41 = arith.constant 640 : i32
    %mul3A_42 = arith.muli %arg1, %mul3A_41 : i32
    %mul3A_43 = arith.constant 640 : i32
    %mul3A_44 = arith.muli %arg1, %mul3A_43 : i32
    "tpu.region"() ({
      %run_scoped3A = tpu.sem_alloc : memref<!tpu.dma_semaphore, #tpu.memory_space<semaphore_mem>>
      %dma_start3A_45 = arith.constant 0 : i32
      %dma_start3A_46 = tpu.memref_slice %arg6[%arg0, %mul3A_44, %dma_start3A_45] : memref<2x10240x128xf32, #tpu.memory_space<hbm>> -> memref<1x640x128xf32, #tpu.memory_space<hbm>>
      %dma_start3A_47 = tpu.memref_squeeze %dma_start3A_46 : memref<1x640x128xf32, #tpu.memory_space<hbm>> -> memref<640x128xf32, #tpu.memory_space<hbm>>
      %dma_start3A_48 = arith.constant 0 : i32
      %dma_start3A_49 = tpu.memref_slice %arg12[%mul3A_42, %dma_start3A_48] : memref<10240x128xf32, #tpu.memory_space<vmem_shared>> -> memref<640x128xf32, #tpu.memory_space<vmem_shared>>
      tpu.enqueue_dma source(%dma_start3A_49 : memref<640x128xf32, #tpu.memory_space<vmem_shared>>) target(%dma_start3A_47 : memref<640x128xf32, #tpu.memory_space<hbm>>) target_semaphore(%run_scoped3A : memref<!tpu.dma_semaphore, #tpu.memory_space<semaphore_mem>>)
      %dma_wait3A = arith.constant 0 : i32
      %dma_wait3A_50 = tpu.memref_slice %arg6[%arg0, %mul3A_44, %dma_wait3A] : memref<2x10240x128xf32, #tpu.memory_space<hbm>> -> memref<1x640x128xf32, #tpu.memory_space<hbm>>
      %dma_wait3A_51 = tpu.memref_squeeze %dma_wait3A_50 : memref<1x640x128xf32, #tpu.memory_space<hbm>> -> memref<640x128xf32, #tpu.memory_space<hbm>>
      %dma_wait3A_52 = arith.constant 0 : i32
      %dma_wait3A_53 = tpu.memref_slice %arg12[%mul3A_42, %dma_wait3A_52] : memref<10240x128xf32, #tpu.memory_space<vmem_shared>> -> memref<640x128xf32, #tpu.memory_space<vmem_shared>>
      tpu.wait_dma2 semaphore(%run_scoped3A : memref<!tpu.dma_semaphore, #tpu.memory_space<semaphore_mem>>) src(%dma_wait3A_53 : memref<640x128xf32, #tpu.memory_space<vmem_shared>>) dst(%dma_wait3A_51 : memref<640x128xf32, #tpu.memory_space<hbm>>)
      tpu.yield
    }) : () -> ()
    return
  }
}

#map = affine_map<(d0, d1) -> (0, 0, 0)>
#map1 = affine_map<(d0, d1) -> (0, 0)>
module attributes {stable_mosaic.version = 14 : i64} {
  func.func @_norm_kernel(%arg0: i32, %arg1: i32, %arg2: memref<32x40x128xi32, #tpu.memory_space<hbm>>, %arg3: memref<32x5120xf32, #tpu.memory_space<hbm>>, %arg4: memref<40x128xi32, #tpu.memory_space<vmem>>, %arg5: memref<5120xf32, #tpu.memory_space<vmem>>, %arg6: memref<5120xf32, #tpu.memory_space<vmem>>, %arg7: memref<128xf32, #tpu.memory_space<vmem>>, %arg8: memref<128xf32, #tpu.memory_space<vmem>>, %arg9: memref<81920xf32, #tpu.memory_space<vmem_shared>>, %arg10: memref<!tpu.dma_semaphore, #tpu.memory_space<semaphore_mem>>) attributes {dimension_semantics = [#tpu.dimension_semantics<core_parallel>, #tpu.dimension_semantics<subcore_parallel>], iteration_bounds = array<i64: 2, 16>, scalar_prefetch = 0 : i64, scratch_operands = 7 : i64, tpu.core_type = #tpu.core_type<sc_vector_subcore>, window_params = [{transform_indices = #map}, {transform_indices = #map1}]} {
    %mul3A = arith.constant 2 : i32
    %mul3A_0 = arith.muli %arg1, %mul3A : i32
    %add3A = arith.addi %mul3A_0, %arg0 : i32
    %scan3A = arith.constant 0 : i32
    %scan3A_1 = arith.constant 0 : i32
    %scan3A_2 = arith.constant 320 : i32
    %scan3A_3 = arith.addi %scan3A_1, %scan3A_2 : i32
    %scan3A_4 = arith.constant 1 : i32
    %scan3A_5 = scf.for %scan3A_31 = %scan3A_1 to %scan3A_3 step %scan3A_4 iter_args(%scan3A_32 = %scan3A) -> (i32)  : i32 {
      %broadcast_in_dim3A = arith.constant 0.000000e+00 : f32
      %broadcast_in_dim3A_33 = vector.broadcast %broadcast_in_dim3A : f32 to vector<16xf32>
      %mul3A_34 = arith.constant 16 : i32
      %mul3A_35 = arith.muli %scan3A_31, %mul3A_34 : i32
      %swap3A = arith.index_cast %mul3A_35 : i32 to index
      %swap3A_36 = tpu.vector_load %arg5[%swap3A] {strides = array<i32>} : memref<5120xf32, #tpu.memory_space<vmem>>, vector<16xf32>,
      tpu.vector_store %arg5[%swap3A], %broadcast_in_dim3A_33 {strides = array<i32>} : memref<5120xf32, #tpu.memory_space<vmem>>, vector<16xf32>,
      %scan3A_37 = arith.constant 0 : i32
      scf.yield %scan3A_37 : i32
    }
    %scan3A_6 = arith.constant 320 : i32
    %mul3A_7 = arith.constant 5120 : i32
    %mul3A_8 = arith.muli %arg1, %mul3A_7 : i32
    "tpu.region"() ({
      %run_scoped3A = tpu.sem_alloc : memref<!tpu.dma_semaphore, #tpu.memory_space<semaphore_mem>>
      %dma_start3A = arith.constant 0 : i32
      %dma_start3A_31 = tpu.memref_slice %arg5[%dma_start3A] : memref<5120xf32, #tpu.memory_space<vmem>> -> memref<5120xf32, #tpu.memory_space<vmem>>
      %dma_start3A_32 = tpu.memref_slice %arg9[%mul3A_8] : memref<81920xf32, #tpu.memory_space<vmem_shared>> -> memref<5120xf32, #tpu.memory_space<vmem_shared>>
      %dma_start3A_33 = tpu.memref_slice %arg9[%mul3A_8] : memref<81920xf32, #tpu.memory_space<vmem_shared>> -> memref<5120xf32, #tpu.memory_space<vmem_shared>>
      %dma_start3A_34 = arith.constant 0 : i32
      %dma_start3A_35 = tpu.memref_slice %arg5[%dma_start3A_34] : memref<5120xf32, #tpu.memory_space<vmem>> -> memref<5120xf32, #tpu.memory_space<vmem>>
      tpu.enqueue_dma source(%dma_start3A_35 : memref<5120xf32, #tpu.memory_space<vmem>>) target(%dma_start3A_33 : memref<5120xf32, #tpu.memory_space<vmem_shared>>) target_semaphore(%run_scoped3A : memref<!tpu.dma_semaphore, #tpu.memory_space<semaphore_mem>>)
      %dma_wait3A = arith.constant 0 : i32
      %dma_wait3A_36 = tpu.memref_slice %arg5[%dma_wait3A] : memref<5120xf32, #tpu.memory_space<vmem>> -> memref<5120xf32, #tpu.memory_space<vmem>>
      %dma_wait3A_37 = tpu.memref_slice %arg9[%mul3A_8] : memref<81920xf32, #tpu.memory_space<vmem_shared>> -> memref<5120xf32, #tpu.memory_space<vmem_shared>>
      %dma_wait3A_38 = tpu.memref_slice %arg9[%mul3A_8] : memref<81920xf32, #tpu.memory_space<vmem_shared>> -> memref<5120xf32, #tpu.memory_space<vmem_shared>>
      %dma_wait3A_39 = arith.constant 0 : i32
      %dma_wait3A_40 = tpu.memref_slice %arg5[%dma_wait3A_39] : memref<5120xf32, #tpu.memory_space<vmem>> -> memref<5120xf32, #tpu.memory_space<vmem>>
      tpu.wait_dma2 semaphore(%run_scoped3A : memref<!tpu.dma_semaphore, #tpu.memory_space<semaphore_mem>>) src(%dma_wait3A_40 : memref<5120xf32, #tpu.memory_space<vmem>>) dst(%dma_wait3A_38 : memref<5120xf32, #tpu.memory_space<vmem_shared>>)
      tpu.yield
    }) : () -> ()
    %scan3A_9 = arith.constant 0 : i32
    %scan3A_10 = arith.constant 0 : i32
    %scan3A_11 = arith.constant 8 : i32
    %scan3A_12 = arith.addi %scan3A_10, %scan3A_11 : i32
    %scan3A_13 = arith.constant 1 : i32
    %scan3A_14 = scf.for %scan3A_31 = %scan3A_10 to %scan3A_12 step %scan3A_13 iter_args(%scan3A_32 = %scan3A_9) -> (i32)  : i32 {
      %broadcast_in_dim3A = arith.constant 1.000000e+00 : f32
      %broadcast_in_dim3A_33 = vector.broadcast %broadcast_in_dim3A : f32 to vector<16xf32>
      %mul3A_34 = arith.constant 16 : i32
      %mul3A_35 = arith.muli %scan3A_31, %mul3A_34 : i32
      %swap3A = arith.index_cast %mul3A_35 : i32 to index
      %swap3A_36 = tpu.vector_load %arg7[%swap3A] {strides = array<i32>} : memref<128xf32, #tpu.memory_space<vmem>>, vector<16xf32>,
      tpu.vector_store %arg7[%swap3A], %broadcast_in_dim3A_33 {strides = array<i32>} : memref<128xf32, #tpu.memory_space<vmem>>, vector<16xf32>,
      %scan3A_37 = arith.constant 0 : i32
      scf.yield %scan3A_37 : i32
    }
    %scan3A_15 = arith.constant 8 : i32
    %barrier3A = arith.constant 0 : index
    tpu.barrier barrier_id(%barrier3A)
    %scan3A_16 = arith.constant 0 : i32
    %scan3A_17 = arith.constant 0 : i32
    %scan3A_18 = arith.constant 2 : i32
    %scan3A_19 = arith.addi %scan3A_17, %scan3A_18 : i32
    %scan3A_20 = arith.constant 1 : i32
    %scan3A_21 = scf.for %scan3A_31 = %scan3A_17 to %scan3A_19 step %scan3A_20 iter_args(%scan3A_32 = %scan3A_16) -> (i32)  : i32 {
      %mul3A_33 = arith.constant 2 : i32
      %mul3A_34 = arith.muli %mul3A_33, %arg1 : i32
      %add3A_35 = arith.addi %mul3A_34, %scan3A_31 : i32
      "tpu.region"() ({
        %run_scoped3A = tpu.sem_alloc : memref<!tpu.dma_semaphore, #tpu.memory_space<semaphore_mem>>
        %dma_start3A = arith.constant 0 : i32
        %dma_start3A_44 = arith.constant 0 : i32
        %dma_start3A_45 = tpu.memref_slice %arg2[%add3A_35, %dma_start3A, %dma_start3A_44] : memref<32x40x128xi32, #tpu.memory_space<hbm>> -> memref<1x40x128xi32, #tpu.memory_space<hbm>>
        %dma_start3A_46 = tpu.memref_squeeze %dma_start3A_45 : memref<1x40x128xi32, #tpu.memory_space<hbm>> -> memref<40x128xi32, #tpu.memory_space<hbm>>
        %dma_start3A_47 = arith.constant 0 : i32
        %dma_start3A_48 = arith.constant 0 : i32
        %dma_start3A_49 = tpu.memref_slice %arg2[%add3A_35, %dma_start3A_47, %dma_start3A_48] : memref<32x40x128xi32, #tpu.memory_space<hbm>> -> memref<1x40x128xi32, #tpu.memory_space<hbm>>
        %dma_start3A_50 = tpu.memref_squeeze %dma_start3A_49 : memref<1x40x128xi32, #tpu.memory_space<hbm>> -> memref<40x128xi32, #tpu.memory_space<hbm>>
        tpu.enqueue_dma source(%dma_start3A_50 : memref<40x128xi32, #tpu.memory_space<hbm>>) target(%arg4 : memref<40x128xi32, #tpu.memory_space<vmem>>) target_semaphore(%run_scoped3A : memref<!tpu.dma_semaphore, #tpu.memory_space<semaphore_mem>>)
        %dma_wait3A = arith.constant 0 : i32
        %dma_wait3A_51 = arith.constant 0 : i32
        %dma_wait3A_52 = tpu.memref_slice %arg2[%add3A_35, %dma_wait3A, %dma_wait3A_51] : memref<32x40x128xi32, #tpu.memory_space<hbm>> -> memref<1x40x128xi32, #tpu.memory_space<hbm>>
        %dma_wait3A_53 = tpu.memref_squeeze %dma_wait3A_52 : memref<1x40x128xi32, #tpu.memory_space<hbm>> -> memref<40x128xi32, #tpu.memory_space<hbm>>
        %dma_wait3A_54 = arith.constant 0 : i32
        %dma_wait3A_55 = arith.constant 0 : i32
        %dma_wait3A_56 = tpu.memref_slice %arg2[%add3A_35, %dma_wait3A_54, %dma_wait3A_55] : memref<32x40x128xi32, #tpu.memory_space<hbm>> -> memref<1x40x128xi32, #tpu.memory_space<hbm>>
        %dma_wait3A_57 = tpu.memref_squeeze %dma_wait3A_56 : memref<1x40x128xi32, #tpu.memory_space<hbm>> -> memref<40x128xi32, #tpu.memory_space<hbm>>
        tpu.wait_dma2 semaphore(%run_scoped3A : memref<!tpu.dma_semaphore, #tpu.memory_space<semaphore_mem>>) src(%dma_wait3A_57 : memref<40x128xi32, #tpu.memory_space<hbm>>) dst(%arg4 : memref<40x128xi32, #tpu.memory_space<vmem>>)
        tpu.yield
      }) : () -> ()
      %scan3A_36 = arith.constant 0 : i32
      %scan3A_37 = arith.constant 0 : i32
      %scan3A_38 = arith.constant 40 : i32
      %scan3A_39 = arith.addi %scan3A_37, %scan3A_38 : i32
      %scan3A_40 = arith.constant 1 : i32
      %scan3A_41 = scf.for %scan3A_44 = %scan3A_37 to %scan3A_39 step %scan3A_40 iter_args(%scan3A_45 = %scan3A_36) -> (i32)  : i32 {
        "tpu.region"() ({
          %run_scoped3A = tpu.sem_alloc : memref<!tpu.dma_semaphore, #tpu.memory_space<semaphore_mem>>
          %dma_start3A = arith.constant 0 : i32
          %dma_start3A_47 = tpu.memref_slice %arg4[%scan3A_44, %dma_start3A] : memref<40x128xi32, #tpu.memory_space<vmem>> -> memref<1x128xi32, #tpu.memory_space<vmem>>
          %dma_start3A_48 = tpu.memref_squeeze %dma_start3A_47 : memref<1x128xi32, #tpu.memory_space<vmem>> -> memref<128xi32, #tpu.memory_space<vmem>>
          %dma_start3A_49 = arith.constant 0 : i32
          %dma_start3A_50 = tpu.memref_slice %arg9[%dma_start3A_49] : memref<81920xf32, #tpu.memory_space<vmem_shared>> -> memref<81920xf32, #tpu.memory_space<vmem_shared>>
          tpu.enqueue_indirect_dma source(%arg7 : memref<128xf32, #tpu.memory_space<vmem>>) target(%dma_start3A_50 : memref<81920xf32, #tpu.memory_space<vmem_shared>>) offsets(%dma_start3A_48 : memref<128xi32, #tpu.memory_space<vmem>>) semaphore(%run_scoped3A : memref<!tpu.dma_semaphore, #tpu.memory_space<semaphore_mem>>) {add = true}
          %dma_wait3A = arith.constant 0 : i32
          %dma_wait3A_51 = tpu.memref_slice %arg4[%scan3A_44, %dma_wait3A] : memref<40x128xi32, #tpu.memory_space<vmem>> -> memref<1x128xi32, #tpu.memory_space<vmem>>
          %dma_wait3A_52 = tpu.memref_squeeze %dma_wait3A_51 : memref<1x128xi32, #tpu.memory_space<vmem>> -> memref<128xi32, #tpu.memory_space<vmem>>
          %dma_wait3A_53 = arith.constant 0 : i32
          %dma_wait3A_54 = tpu.memref_slice %arg9[%dma_wait3A_53] : memref<81920xf32, #tpu.memory_space<vmem_shared>> -> memref<81920xf32, #tpu.memory_space<vmem_shared>>
          tpu.wait_indirect_dma semaphore(%run_scoped3A : memref<!tpu.dma_semaphore, #tpu.memory_space<semaphore_mem>>) src(%arg7 : memref<128xf32, #tpu.memory_space<vmem>>) dst(%dma_wait3A_54 : memref<81920xf32, #tpu.memory_space<vmem_shared>>)
          tpu.yield
        }) : () -> ()
        %scan3A_46 = arith.constant 0 : i32
        scf.yield %scan3A_46 : i32
      }
      %scan3A_42 = arith.constant 40 : i32
      %scan3A_43 = arith.constant 0 : i32
      scf.yield %scan3A_43 : i32
    }
    %scan3A_22 = arith.constant 2 : i32
    %barrier3A_23 = arith.constant 0 : index
    tpu.barrier barrier_id(%barrier3A_23)
    "tpu.region"() ({
      %run_scoped3A = tpu.sem_alloc : memref<!tpu.dma_semaphore, #tpu.memory_space<semaphore_mem>>
      %dma_start3A = arith.constant 0 : i32
      %dma_start3A_31 = arith.constant 0 : i32
      %dma_start3A_32 = tpu.memref_slice %arg2[%add3A, %dma_start3A, %dma_start3A_31] : memref<32x40x128xi32, #tpu.memory_space<hbm>> -> memref<1x40x128xi32, #tpu.memory_space<hbm>>
      %dma_start3A_33 = tpu.memref_squeeze %dma_start3A_32 : memref<1x40x128xi32, #tpu.memory_space<hbm>> -> memref<40x128xi32, #tpu.memory_space<hbm>>
      %dma_start3A_34 = arith.constant 0 : i32
      %dma_start3A_35 = arith.constant 0 : i32
      %dma_start3A_36 = tpu.memref_slice %arg2[%add3A, %dma_start3A_34, %dma_start3A_35] : memref<32x40x128xi32, #tpu.memory_space<hbm>> -> memref<1x40x128xi32, #tpu.memory_space<hbm>>
      %dma_start3A_37 = tpu.memref_squeeze %dma_start3A_36 : memref<1x40x128xi32, #tpu.memory_space<hbm>> -> memref<40x128xi32, #tpu.memory_space<hbm>>
      tpu.enqueue_dma source(%dma_start3A_37 : memref<40x128xi32, #tpu.memory_space<hbm>>) target(%arg4 : memref<40x128xi32, #tpu.memory_space<vmem>>) target_semaphore(%run_scoped3A : memref<!tpu.dma_semaphore, #tpu.memory_space<semaphore_mem>>)
      %dma_wait3A = arith.constant 0 : i32
      %dma_wait3A_38 = arith.constant 0 : i32
      %dma_wait3A_39 = tpu.memref_slice %arg2[%add3A, %dma_wait3A, %dma_wait3A_38] : memref<32x40x128xi32, #tpu.memory_space<hbm>> -> memref<1x40x128xi32, #tpu.memory_space<hbm>>
      %dma_wait3A_40 = tpu.memref_squeeze %dma_wait3A_39 : memref<1x40x128xi32, #tpu.memory_space<hbm>> -> memref<40x128xi32, #tpu.memory_space<hbm>>
      %dma_wait3A_41 = arith.constant 0 : i32
      %dma_wait3A_42 = arith.constant 0 : i32
      %dma_wait3A_43 = tpu.memref_slice %arg2[%add3A, %dma_wait3A_41, %dma_wait3A_42] : memref<32x40x128xi32, #tpu.memory_space<hbm>> -> memref<1x40x128xi32, #tpu.memory_space<hbm>>
      %dma_wait3A_44 = tpu.memref_squeeze %dma_wait3A_43 : memref<1x40x128xi32, #tpu.memory_space<hbm>> -> memref<40x128xi32, #tpu.memory_space<hbm>>
      tpu.wait_dma2 semaphore(%run_scoped3A : memref<!tpu.dma_semaphore, #tpu.memory_space<semaphore_mem>>) src(%dma_wait3A_44 : memref<40x128xi32, #tpu.memory_space<hbm>>) dst(%arg4 : memref<40x128xi32, #tpu.memory_space<vmem>>)
      tpu.yield
    }) : () -> ()
    %scan3A_24 = arith.constant 0 : i32
    %scan3A_25 = arith.constant 0 : i32
    %scan3A_26 = arith.constant 40 : i32
    %scan3A_27 = arith.addi %scan3A_25, %scan3A_26 : i32
    %scan3A_28 = arith.constant 1 : i32
    %scan3A_29 = scf.for %scan3A_31 = %scan3A_25 to %scan3A_27 step %scan3A_28 iter_args(%scan3A_32 = %scan3A_24) -> (i32)  : i32 {
      %dma_start3A = arith.constant 0 : i32
      %dma_start3A_33 = tpu.memref_slice %arg4[%scan3A_31, %dma_start3A] : memref<40x128xi32, #tpu.memory_space<vmem>> -> memref<1x128xi32, #tpu.memory_space<vmem>>
      %dma_start3A_34 = tpu.memref_squeeze %dma_start3A_33 : memref<1x128xi32, #tpu.memory_space<vmem>> -> memref<128xi32, #tpu.memory_space<vmem>>
      %dma_start3A_35 = arith.constant 0 : i32
      %dma_start3A_36 = tpu.memref_slice %arg9[%dma_start3A_35] : memref<81920xf32, #tpu.memory_space<vmem_shared>> -> memref<81920xf32, #tpu.memory_space<vmem_shared>>
      tpu.enqueue_indirect_dma source(%dma_start3A_36 : memref<81920xf32, #tpu.memory_space<vmem_shared>>) target(%arg8 : memref<128xf32, #tpu.memory_space<vmem>>) offsets(%dma_start3A_34 : memref<128xi32, #tpu.memory_space<vmem>>) semaphore(%arg10 : memref<!tpu.dma_semaphore, #tpu.memory_space<semaphore_mem>>)
      %dma_wait3A = arith.constant 0 : i32
      %dma_wait3A_37 = tpu.memref_slice %arg4[%scan3A_31, %dma_wait3A] : memref<40x128xi32, #tpu.memory_space<vmem>> -> memref<1x128xi32, #tpu.memory_space<vmem>>
      %dma_wait3A_38 = tpu.memref_squeeze %dma_wait3A_37 : memref<1x128xi32, #tpu.memory_space<vmem>> -> memref<128xi32, #tpu.memory_space<vmem>>
      %dma_wait3A_39 = arith.constant 0 : i32
      %dma_wait3A_40 = tpu.memref_slice %arg9[%dma_wait3A_39] : memref<81920xf32, #tpu.memory_space<vmem_shared>> -> memref<81920xf32, #tpu.memory_space<vmem_shared>>
      tpu.wait_indirect_dma semaphore(%arg10 : memref<!tpu.dma_semaphore, #tpu.memory_space<semaphore_mem>>) src(%dma_wait3A_40 : memref<81920xf32, #tpu.memory_space<vmem_shared>>) dst(%arg8 : memref<128xf32, #tpu.memory_space<vmem>>)
      %get3A = arith.constant 0 : index
      %get3A_41 = tpu.vector_load %arg8[%get3A] {strides = array<i32>} : memref<128xf32, #tpu.memory_space<vmem>>, vector<16xf32>,
      %max3A = arith.constant 1.000000e+00 : f32
      %max3A_42 = vector.broadcast %max3A : f32 to vector<16xf32>
      %max3A_43 = arith.maximumf %get3A_41, %max3A_42 : vector<16xf32>
      %div3A = arith.constant 1.000000e+00 : f32
      %div3A_44 = vector.broadcast %div3A : f32 to vector<16xf32>
      %div3A_45 = arith.divf %div3A_44, %max3A_43 : vector<16xf32>
      %mul3A_46 = arith.constant 128 : i32
      %mul3A_47 = arith.muli %scan3A_31, %mul3A_46 : i32
      %add3A_48 = arith.constant 0 : i32
      %add3A_49 = arith.addi %mul3A_47, %add3A_48 : i32
      %swap3A = arith.index_cast %add3A_49 : i32 to index
      %swap3A_50 = tpu.vector_load %arg6[%swap3A] {strides = array<i32>} : memref<5120xf32, #tpu.memory_space<vmem>>, vector<16xf32>,
      tpu.vector_store %arg6[%swap3A], %div3A_45 {strides = array<i32>} : memref<5120xf32, #tpu.memory_space<vmem>>, vector<16xf32>,
      %get3A_51 = arith.constant 16 : index
      %get3A_52 = tpu.vector_load %arg8[%get3A_51] {strides = array<i32>} : memref<128xf32, #tpu.memory_space<vmem>>, vector<16xf32>,
      %max3A_53 = arith.constant 1.000000e+00 : f32
      %max3A_54 = vector.broadcast %max3A_53 : f32 to vector<16xf32>
      %max3A_55 = arith.maximumf %get3A_52, %max3A_54 : vector<16xf32>
      %div3A_56 = arith.constant 1.000000e+00 : f32
      %div3A_57 = vector.broadcast %div3A_56 : f32 to vector<16xf32>
      %div3A_58 = arith.divf %div3A_57, %max3A_55 : vector<16xf32>
      %mul3A_59 = arith.constant 128 : i32
      %mul3A_60 = arith.muli %scan3A_31, %mul3A_59 : i32
      %add3A_61 = arith.constant 16 : i32
      %add3A_62 = arith.addi %mul3A_60, %add3A_61 : i32
      %swap3A_63 = arith.index_cast %add3A_62 : i32 to index
      %swap3A_64 = tpu.vector_load %arg6[%swap3A_63] {strides = array<i32>} : memref<5120xf32, #tpu.memory_space<vmem>>, vector<16xf32>,
      tpu.vector_store %arg6[%swap3A_63], %div3A_58 {strides = array<i32>} : memref<5120xf32, #tpu.memory_space<vmem>>, vector<16xf32>,
      %get3A_65 = arith.constant 32 : index
      %get3A_66 = tpu.vector_load %arg8[%get3A_65] {strides = array<i32>} : memref<128xf32, #tpu.memory_space<vmem>>, vector<16xf32>,
      %max3A_67 = arith.constant 1.000000e+00 : f32
      %max3A_68 = vector.broadcast %max3A_67 : f32 to vector<16xf32>
      %max3A_69 = arith.maximumf %get3A_66, %max3A_68 : vector<16xf32>
      %div3A_70 = arith.constant 1.000000e+00 : f32
      %div3A_71 = vector.broadcast %div3A_70 : f32 to vector<16xf32>
      %div3A_72 = arith.divf %div3A_71, %max3A_69 : vector<16xf32>
      %mul3A_73 = arith.constant 128 : i32
      %mul3A_74 = arith.muli %scan3A_31, %mul3A_73 : i32
      %add3A_75 = arith.constant 32 : i32
      %add3A_76 = arith.addi %mul3A_74, %add3A_75 : i32
      %swap3A_77 = arith.index_cast %add3A_76 : i32 to index
      %swap3A_78 = tpu.vector_load %arg6[%swap3A_77] {strides = array<i32>} : memref<5120xf32, #tpu.memory_space<vmem>>, vector<16xf32>,
      tpu.vector_store %arg6[%swap3A_77], %div3A_72 {strides = array<i32>} : memref<5120xf32, #tpu.memory_space<vmem>>, vector<16xf32>,
      %get3A_79 = arith.constant 48 : index
      %get3A_80 = tpu.vector_load %arg8[%get3A_79] {strides = array<i32>} : memref<128xf32, #tpu.memory_space<vmem>>, vector<16xf32>,
      %max3A_81 = arith.constant 1.000000e+00 : f32
      %max3A_82 = vector.broadcast %max3A_81 : f32 to vector<16xf32>
      %max3A_83 = arith.maximumf %get3A_80, %max3A_82 : vector<16xf32>
      %div3A_84 = arith.constant 1.000000e+00 : f32
      %div3A_85 = vector.broadcast %div3A_84 : f32 to vector<16xf32>
      %div3A_86 = arith.divf %div3A_85, %max3A_83 : vector<16xf32>
      %mul3A_87 = arith.constant 128 : i32
      %mul3A_88 = arith.muli %scan3A_31, %mul3A_87 : i32
      %add3A_89 = arith.constant 48 : i32
      %add3A_90 = arith.addi %mul3A_88, %add3A_89 : i32
      %swap3A_91 = arith.index_cast %add3A_90 : i32 to index
      %swap3A_92 = tpu.vector_load %arg6[%swap3A_91] {strides = array<i32>} : memref<5120xf32, #tpu.memory_space<vmem>>, vector<16xf32>,
      tpu.vector_store %arg6[%swap3A_91], %div3A_86 {strides = array<i32>} : memref<5120xf32, #tpu.memory_space<vmem>>, vector<16xf32>,
      %get3A_93 = arith.constant 64 : index
      %get3A_94 = tpu.vector_load %arg8[%get3A_93] {strides = array<i32>} : memref<128xf32, #tpu.memory_space<vmem>>, vector<16xf32>,
      %max3A_95 = arith.constant 1.000000e+00 : f32
      %max3A_96 = vector.broadcast %max3A_95 : f32 to vector<16xf32>
      %max3A_97 = arith.maximumf %get3A_94, %max3A_96 : vector<16xf32>
      %div3A_98 = arith.constant 1.000000e+00 : f32
      %div3A_99 = vector.broadcast %div3A_98 : f32 to vector<16xf32>
      %div3A_100 = arith.divf %div3A_99, %max3A_97 : vector<16xf32>
      %mul3A_101 = arith.constant 128 : i32
      %mul3A_102 = arith.muli %scan3A_31, %mul3A_101 : i32
      %add3A_103 = arith.constant 64 : i32
      %add3A_104 = arith.addi %mul3A_102, %add3A_103 : i32
      %swap3A_105 = arith.index_cast %add3A_104 : i32 to index
      %swap3A_106 = tpu.vector_load %arg6[%swap3A_105] {strides = array<i32>} : memref<5120xf32, #tpu.memory_space<vmem>>, vector<16xf32>,
      tpu.vector_store %arg6[%swap3A_105], %div3A_100 {strides = array<i32>} : memref<5120xf32, #tpu.memory_space<vmem>>, vector<16xf32>,
      %get3A_107 = arith.constant 80 : index
      %get3A_108 = tpu.vector_load %arg8[%get3A_107] {strides = array<i32>} : memref<128xf32, #tpu.memory_space<vmem>>, vector<16xf32>,
      %max3A_109 = arith.constant 1.000000e+00 : f32
      %max3A_110 = vector.broadcast %max3A_109 : f32 to vector<16xf32>
      %max3A_111 = arith.maximumf %get3A_108, %max3A_110 : vector<16xf32>
      %div3A_112 = arith.constant 1.000000e+00 : f32
      %div3A_113 = vector.broadcast %div3A_112 : f32 to vector<16xf32>
      %div3A_114 = arith.divf %div3A_113, %max3A_111 : vector<16xf32>
      %mul3A_115 = arith.constant 128 : i32
      %mul3A_116 = arith.muli %scan3A_31, %mul3A_115 : i32
      %add3A_117 = arith.constant 80 : i32
      %add3A_118 = arith.addi %mul3A_116, %add3A_117 : i32
      %swap3A_119 = arith.index_cast %add3A_118 : i32 to index
      %swap3A_120 = tpu.vector_load %arg6[%swap3A_119] {strides = array<i32>} : memref<5120xf32, #tpu.memory_space<vmem>>, vector<16xf32>,
      tpu.vector_store %arg6[%swap3A_119], %div3A_114 {strides = array<i32>} : memref<5120xf32, #tpu.memory_space<vmem>>, vector<16xf32>,
      %get3A_121 = arith.constant 96 : index
      %get3A_122 = tpu.vector_load %arg8[%get3A_121] {strides = array<i32>} : memref<128xf32, #tpu.memory_space<vmem>>, vector<16xf32>,
      %max3A_123 = arith.constant 1.000000e+00 : f32
      %max3A_124 = vector.broadcast %max3A_123 : f32 to vector<16xf32>
      %max3A_125 = arith.maximumf %get3A_122, %max3A_124 : vector<16xf32>
      %div3A_126 = arith.constant 1.000000e+00 : f32
      %div3A_127 = vector.broadcast %div3A_126 : f32 to vector<16xf32>
      %div3A_128 = arith.divf %div3A_127, %max3A_125 : vector<16xf32>
      %mul3A_129 = arith.constant 128 : i32
      %mul3A_130 = arith.muli %scan3A_31, %mul3A_129 : i32
      %add3A_131 = arith.constant 96 : i32
      %add3A_132 = arith.addi %mul3A_130, %add3A_131 : i32
      %swap3A_133 = arith.index_cast %add3A_132 : i32 to index
      %swap3A_134 = tpu.vector_load %arg6[%swap3A_133] {strides = array<i32>} : memref<5120xf32, #tpu.memory_space<vmem>>, vector<16xf32>,
      tpu.vector_store %arg6[%swap3A_133], %div3A_128 {strides = array<i32>} : memref<5120xf32, #tpu.memory_space<vmem>>, vector<16xf32>,
      %get3A_135 = arith.constant 112 : index
      %get3A_136 = tpu.vector_load %arg8[%get3A_135] {strides = array<i32>} : memref<128xf32, #tpu.memory_space<vmem>>, vector<16xf32>,
      %max3A_137 = arith.constant 1.000000e+00 : f32
      %max3A_138 = vector.broadcast %max3A_137 : f32 to vector<16xf32>
      %max3A_139 = arith.maximumf %get3A_136, %max3A_138 : vector<16xf32>
      %div3A_140 = arith.constant 1.000000e+00 : f32
      %div3A_141 = vector.broadcast %div3A_140 : f32 to vector<16xf32>
      %div3A_142 = arith.divf %div3A_141, %max3A_139 : vector<16xf32>
      %mul3A_143 = arith.constant 128 : i32
      %mul3A_144 = arith.muli %scan3A_31, %mul3A_143 : i32
      %add3A_145 = arith.constant 112 : i32
      %add3A_146 = arith.addi %mul3A_144, %add3A_145 : i32
      %swap3A_147 = arith.index_cast %add3A_146 : i32 to index
      %swap3A_148 = tpu.vector_load %arg6[%swap3A_147] {strides = array<i32>} : memref<5120xf32, #tpu.memory_space<vmem>>, vector<16xf32>,
      tpu.vector_store %arg6[%swap3A_147], %div3A_142 {strides = array<i32>} : memref<5120xf32, #tpu.memory_space<vmem>>, vector<16xf32>,
      %scan3A_149 = arith.constant 0 : i32
      scf.yield %scan3A_149 : i32
    }
    %scan3A_30 = arith.constant 40 : i32
    "tpu.region"() ({
      %run_scoped3A = tpu.sem_alloc : memref<!tpu.dma_semaphore, #tpu.memory_space<semaphore_mem>>
      %dma_start3A = arith.constant 0 : i32
      %dma_start3A_31 = tpu.memref_slice %arg3[%add3A, %dma_start3A] : memref<32x5120xf32, #tpu.memory_space<hbm>> -> memref<1x5120xf32, #tpu.memory_space<hbm>>
      %dma_start3A_32 = tpu.memref_squeeze %dma_start3A_31 : memref<1x5120xf32, #tpu.memory_space<hbm>> -> memref<5120xf32, #tpu.memory_space<hbm>>
      %dma_start3A_33 = arith.constant 0 : i32
      %dma_start3A_34 = tpu.memref_slice %arg3[%add3A, %dma_start3A_33] : memref<32x5120xf32, #tpu.memory_space<hbm>> -> memref<1x5120xf32, #tpu.memory_space<hbm>>
      %dma_start3A_35 = tpu.memref_squeeze %dma_start3A_34 : memref<1x5120xf32, #tpu.memory_space<hbm>> -> memref<5120xf32, #tpu.memory_space<hbm>>
      tpu.enqueue_dma source(%arg6 : memref<5120xf32, #tpu.memory_space<vmem>>) target(%dma_start3A_35 : memref<5120xf32, #tpu.memory_space<hbm>>) target_semaphore(%run_scoped3A : memref<!tpu.dma_semaphore, #tpu.memory_space<semaphore_mem>>)
      %dma_wait3A = arith.constant 0 : i32
      %dma_wait3A_36 = tpu.memref_slice %arg3[%add3A, %dma_wait3A] : memref<32x5120xf32, #tpu.memory_space<hbm>> -> memref<1x5120xf32, #tpu.memory_space<hbm>>
      %dma_wait3A_37 = tpu.memref_squeeze %dma_wait3A_36 : memref<1x5120xf32, #tpu.memory_space<hbm>> -> memref<5120xf32, #tpu.memory_space<hbm>>
      %dma_wait3A_38 = arith.constant 0 : i32
      %dma_wait3A_39 = tpu.memref_slice %arg3[%add3A, %dma_wait3A_38] : memref<32x5120xf32, #tpu.memory_space<hbm>> -> memref<1x5120xf32, #tpu.memory_space<hbm>>
      %dma_wait3A_40 = tpu.memref_squeeze %dma_wait3A_39 : memref<1x5120xf32, #tpu.memory_space<hbm>> -> memref<5120xf32, #tpu.memory_space<hbm>>
      tpu.wait_dma2 semaphore(%run_scoped3A : memref<!tpu.dma_semaphore, #tpu.memory_space<semaphore_mem>>) src(%arg6 : memref<5120xf32, #tpu.memory_space<vmem>>) dst(%dma_wait3A_40 : memref<5120xf32, #tpu.memory_space<hbm>>)
      tpu.yield
    }) : () -> ()
    return
  }
}

#map = affine_map<(d0, d1) -> (0, 0)>
#map1 = affine_map<(d0, d1) -> (0, 0, 0)>
module attributes {stable_mosaic.version = 14 : i64} {
  func.func @_agg_kernel(%arg0: i32, %arg1: i32, %arg2: memref<80000x128xf32, #tpu.memory_space<hbm>>, %arg3: memref<32x40x128xi32, #tpu.memory_space<hbm>>, %arg4: memref<32x40x128xi32, #tpu.memory_space<hbm>>, %arg5: memref<32x5120xf32, #tpu.memory_space<hbm>>, %arg6: memref<2x10240x128xf32, #tpu.memory_space<hbm>>, %arg7: memref<40x128xi32, #tpu.memory_space<vmem>>, %arg8: memref<40x128xi32, #tpu.memory_space<vmem>>, %arg9: memref<5120xf32, #tpu.memory_space<vmem>>, %arg10: memref<128x128xf32, #tpu.memory_space<vmem>>, %arg11: memref<128x128xf32, #tpu.memory_space<vmem>>, %arg12: memref<10240x128xf32, #tpu.memory_space<vmem_shared>>, %arg13: memref<!tpu.dma_semaphore, #tpu.memory_space<semaphore_mem>>, %arg14: memref<!tpu.dma_semaphore, #tpu.memory_space<semaphore_mem>>) attributes {dimension_semantics = [#tpu.dimension_semantics<core_parallel>, #tpu.dimension_semantics<subcore_parallel>], iteration_bounds = array<i64: 2, 16>, scalar_prefetch = 0 : i64, scratch_operands = 8 : i64, tpu.core_type = #tpu.core_type<sc_vector_subcore>, window_params = [{transform_indices = #map}, {transform_indices = #map1}, {transform_indices = #map1}, {transform_indices = #map}, {transform_indices = #map1}]} {
    %mul3A = arith.constant 2 : i32
    %mul3A_0 = arith.muli %arg1, %mul3A : i32
    %add3A = arith.addi %mul3A_0, %arg0 : i32
    "tpu.region"() ({
      %run_scoped3A = tpu.sem_alloc : memref<!tpu.dma_semaphore, #tpu.memory_space<semaphore_mem>>
      %dma_start3A_45 = arith.constant 0 : i32
      %dma_start3A_46 = arith.constant 0 : i32
      %dma_start3A_47 = tpu.memref_slice %arg3[%add3A, %dma_start3A_45, %dma_start3A_46] : memref<32x40x128xi32, #tpu.memory_space<hbm>> -> memref<1x40x128xi32, #tpu.memory_space<hbm>>
      %dma_start3A_48 = tpu.memref_squeeze %dma_start3A_47 : memref<1x40x128xi32, #tpu.memory_space<hbm>> -> memref<40x128xi32, #tpu.memory_space<hbm>>
      %dma_start3A_49 = arith.constant 0 : i32
      %dma_start3A_50 = arith.constant 0 : i32
      %dma_start3A_51 = tpu.memref_slice %arg3[%add3A, %dma_start3A_49, %dma_start3A_50] : memref<32x40x128xi32, #tpu.memory_space<hbm>> -> memref<1x40x128xi32, #tpu.memory_space<hbm>>
      %dma_start3A_52 = tpu.memref_squeeze %dma_start3A_51 : memref<1x40x128xi32, #tpu.memory_space<hbm>> -> memref<40x128xi32, #tpu.memory_space<hbm>>
      tpu.enqueue_dma source(%dma_start3A_52 : memref<40x128xi32, #tpu.memory_space<hbm>>) target(%arg7 : memref<40x128xi32, #tpu.memory_space<vmem>>) target_semaphore(%run_scoped3A : memref<!tpu.dma_semaphore, #tpu.memory_space<semaphore_mem>>)
      %dma_wait3A = arith.constant 0 : i32
      %dma_wait3A_53 = arith.constant 0 : i32
      %dma_wait3A_54 = tpu.memref_slice %arg3[%add3A, %dma_wait3A, %dma_wait3A_53] : memref<32x40x128xi32, #tpu.memory_space<hbm>> -> memref<1x40x128xi32, #tpu.memory_space<hbm>>
      %dma_wait3A_55 = tpu.memref_squeeze %dma_wait3A_54 : memref<1x40x128xi32, #tpu.memory_space<hbm>> -> memref<40x128xi32, #tpu.memory_space<hbm>>
      %dma_wait3A_56 = arith.constant 0 : i32
      %dma_wait3A_57 = arith.constant 0 : i32
      %dma_wait3A_58 = tpu.memref_slice %arg3[%add3A, %dma_wait3A_56, %dma_wait3A_57] : memref<32x40x128xi32, #tpu.memory_space<hbm>> -> memref<1x40x128xi32, #tpu.memory_space<hbm>>
      %dma_wait3A_59 = tpu.memref_squeeze %dma_wait3A_58 : memref<1x40x128xi32, #tpu.memory_space<hbm>> -> memref<40x128xi32, #tpu.memory_space<hbm>>
      tpu.wait_dma2 semaphore(%run_scoped3A : memref<!tpu.dma_semaphore, #tpu.memory_space<semaphore_mem>>) src(%dma_wait3A_59 : memref<40x128xi32, #tpu.memory_space<hbm>>) dst(%arg7 : memref<40x128xi32, #tpu.memory_space<vmem>>)
      tpu.yield
    }) : () -> ()
    "tpu.region"() ({
      %run_scoped3A = tpu.sem_alloc : memref<!tpu.dma_semaphore, #tpu.memory_space<semaphore_mem>>
      %dma_start3A_45 = arith.constant 0 : i32
      %dma_start3A_46 = arith.constant 0 : i32
      %dma_start3A_47 = tpu.memref_slice %arg4[%add3A, %dma_start3A_45, %dma_start3A_46] : memref<32x40x128xi32, #tpu.memory_space<hbm>> -> memref<1x40x128xi32, #tpu.memory_space<hbm>>
      %dma_start3A_48 = tpu.memref_squeeze %dma_start3A_47 : memref<1x40x128xi32, #tpu.memory_space<hbm>> -> memref<40x128xi32, #tpu.memory_space<hbm>>
      %dma_start3A_49 = arith.constant 0 : i32
      %dma_start3A_50 = arith.constant 0 : i32
      %dma_start3A_51 = tpu.memref_slice %arg4[%add3A, %dma_start3A_49, %dma_start3A_50] : memref<32x40x128xi32, #tpu.memory_space<hbm>> -> memref<1x40x128xi32, #tpu.memory_space<hbm>>
      %dma_start3A_52 = tpu.memref_squeeze %dma_start3A_51 : memref<1x40x128xi32, #tpu.memory_space<hbm>> -> memref<40x128xi32, #tpu.memory_space<hbm>>
      tpu.enqueue_dma source(%dma_start3A_52 : memref<40x128xi32, #tpu.memory_space<hbm>>) target(%arg8 : memref<40x128xi32, #tpu.memory_space<vmem>>) target_semaphore(%run_scoped3A : memref<!tpu.dma_semaphore, #tpu.memory_space<semaphore_mem>>)
      %dma_wait3A = arith.constant 0 : i32
      %dma_wait3A_53 = arith.constant 0 : i32
      %dma_wait3A_54 = tpu.memref_slice %arg4[%add3A, %dma_wait3A, %dma_wait3A_53] : memref<32x40x128xi32, #tpu.memory_space<hbm>> -> memref<1x40x128xi32, #tpu.memory_space<hbm>>
      %dma_wait3A_55 = tpu.memref_squeeze %dma_wait3A_54 : memref<1x40x128xi32, #tpu.memory_space<hbm>> -> memref<40x128xi32, #tpu.memory_space<hbm>>
      %dma_wait3A_56 = arith.constant 0 : i32
      %dma_wait3A_57 = arith.constant 0 : i32
      %dma_wait3A_58 = tpu.memref_slice %arg4[%add3A, %dma_wait3A_56, %dma_wait3A_57] : memref<32x40x128xi32, #tpu.memory_space<hbm>> -> memref<1x40x128xi32, #tpu.memory_space<hbm>>
      %dma_wait3A_59 = tpu.memref_squeeze %dma_wait3A_58 : memref<1x40x128xi32, #tpu.memory_space<hbm>> -> memref<40x128xi32, #tpu.memory_space<hbm>>
      tpu.wait_dma2 semaphore(%run_scoped3A : memref<!tpu.dma_semaphore, #tpu.memory_space<semaphore_mem>>) src(%dma_wait3A_59 : memref<40x128xi32, #tpu.memory_space<hbm>>) dst(%arg8 : memref<40x128xi32, #tpu.memory_space<vmem>>)
      tpu.yield
    }) : () -> ()
    "tpu.region"() ({
      %run_scoped3A = tpu.sem_alloc : memref<!tpu.dma_semaphore, #tpu.memory_space<semaphore_mem>>
      %dma_start3A_45 = arith.constant 0 : i32
      %dma_start3A_46 = tpu.memref_slice %arg5[%add3A, %dma_start3A_45] : memref<32x5120xf32, #tpu.memory_space<hbm>> -> memref<1x5120xf32, #tpu.memory_space<hbm>>
      %dma_start3A_47 = tpu.memref_squeeze %dma_start3A_46 : memref<1x5120xf32, #tpu.memory_space<hbm>> -> memref<5120xf32, #tpu.memory_space<hbm>>
      %dma_start3A_48 = arith.constant 0 : i32
      %dma_start3A_49 = tpu.memref_slice %arg5[%add3A, %dma_start3A_48] : memref<32x5120xf32, #tpu.memory_space<hbm>> -> memref<1x5120xf32, #tpu.memory_space<hbm>>
      %dma_start3A_50 = tpu.memref_squeeze %dma_start3A_49 : memref<1x5120xf32, #tpu.memory_space<hbm>> -> memref<5120xf32, #tpu.memory_space<hbm>>
      tpu.enqueue_dma source(%dma_start3A_50 : memref<5120xf32, #tpu.memory_space<hbm>>) target(%arg9 : memref<5120xf32, #tpu.memory_space<vmem>>) target_semaphore(%run_scoped3A : memref<!tpu.dma_semaphore, #tpu.memory_space<semaphore_mem>>)
      %dma_wait3A = arith.constant 0 : i32
      %dma_wait3A_51 = tpu.memref_slice %arg5[%add3A, %dma_wait3A] : memref<32x5120xf32, #tpu.memory_space<hbm>> -> memref<1x5120xf32, #tpu.memory_space<hbm>>
      %dma_wait3A_52 = tpu.memref_squeeze %dma_wait3A_51 : memref<1x5120xf32, #tpu.memory_space<hbm>> -> memref<5120xf32, #tpu.memory_space<hbm>>
      %dma_wait3A_53 = arith.constant 0 : i32
      %dma_wait3A_54 = tpu.memref_slice %arg5[%add3A, %dma_wait3A_53] : memref<32x5120xf32, #tpu.memory_space<hbm>> -> memref<1x5120xf32, #tpu.memory_space<hbm>>
      %dma_wait3A_55 = tpu.memref_squeeze %dma_wait3A_54 : memref<1x5120xf32, #tpu.memory_space<hbm>> -> memref<5120xf32, #tpu.memory_space<hbm>>
      tpu.wait_dma2 semaphore(%run_scoped3A : memref<!tpu.dma_semaphore, #tpu.memory_space<semaphore_mem>>) src(%dma_wait3A_55 : memref<5120xf32, #tpu.memory_space<hbm>>) dst(%arg9 : memref<5120xf32, #tpu.memory_space<vmem>>)
      tpu.yield
    }) : () -> ()
    %scan3A = arith.constant 0 : i32
    %scan3A_1 = arith.constant 0 : i32
    %scan3A_2 = arith.constant 128 : i32
    %scan3A_3 = arith.addi %scan3A_1, %scan3A_2 : i32
    %scan3A_4 = arith.constant 1 : i32
    %scan3A_5 = scf.for %scan3A_45 = %scan3A_1 to %scan3A_3 step %scan3A_4 iter_args(%scan3A_46 = %scan3A) -> (i32)  : i32 {
      %broadcast_in_dim3A = arith.constant 0.000000e+00 : f32
      %broadcast_in_dim3A_47 = vector.broadcast %broadcast_in_dim3A : f32 to vector<16xf32>
      %swap3A = arith.index_cast %scan3A_45 : i32 to index
      %swap3A_48 = arith.constant 0 : index
      %swap3A_49 = tpu.vector_load %arg10[%swap3A, %swap3A_48] {strides = array<i32>} : memref<128x128xf32, #tpu.memory_space<vmem>>, vector<16xf32>,
      tpu.vector_store %arg10[%swap3A, %swap3A_48], %broadcast_in_dim3A_47 {strides = array<i32>} : memref<128x128xf32, #tpu.memory_space<vmem>>, vector<16xf32>,
      %broadcast_in_dim3A_50 = arith.constant 0.000000e+00 : f32
      %broadcast_in_dim3A_51 = vector.broadcast %broadcast_in_dim3A_50 : f32 to vector<16xf32>
      %swap3A_52 = arith.index_cast %scan3A_45 : i32 to index
      %swap3A_53 = arith.constant 16 : index
      %swap3A_54 = tpu.vector_load %arg10[%swap3A_52, %swap3A_53] {strides = array<i32>} : memref<128x128xf32, #tpu.memory_space<vmem>>, vector<16xf32>,
      tpu.vector_store %arg10[%swap3A_52, %swap3A_53], %broadcast_in_dim3A_51 {strides = array<i32>} : memref<128x128xf32, #tpu.memory_space<vmem>>, vector<16xf32>,
      %broadcast_in_dim3A_55 = arith.constant 0.000000e+00 : f32
      %broadcast_in_dim3A_56 = vector.broadcast %broadcast_in_dim3A_55 : f32 to vector<16xf32>
      %swap3A_57 = arith.index_cast %scan3A_45 : i32 to index
      %swap3A_58 = arith.constant 32 : index
      %swap3A_59 = tpu.vector_load %arg10[%swap3A_57, %swap3A_58] {strides = array<i32>} : memref<128x128xf32, #tpu.memory_space<vmem>>, vector<16xf32>,
      tpu.vector_store %arg10[%swap3A_57, %swap3A_58], %broadcast_in_dim3A_56 {strides = array<i32>} : memref<128x128xf32, #tpu.memory_space<vmem>>, vector<16xf32>,
      %broadcast_in_dim3A_60 = arith.constant 0.000000e+00 : f32
      %broadcast_in_dim3A_61 = vector.broadcast %broadcast_in_dim3A_60 : f32 to vector<16xf32>
      %swap3A_62 = arith.index_cast %scan3A_45 : i32 to index
      %swap3A_63 = arith.constant 48 : index
      %swap3A_64 = tpu.vector_load %arg10[%swap3A_62, %swap3A_63] {strides = array<i32>} : memref<128x128xf32, #tpu.memory_space<vmem>>, vector<16xf32>,
      tpu.vector_store %arg10[%swap3A_62, %swap3A_63], %broadcast_in_dim3A_61 {strides = array<i32>} : memref<128x128xf32, #tpu.memory_space<vmem>>, vector<16xf32>,
      %broadcast_in_dim3A_65 = arith.constant 0.000000e+00 : f32
      %broadcast_in_dim3A_66 = vector.broadcast %broadcast_in_dim3A_65 : f32 to vector<16xf32>
      %swap3A_67 = arith.index_cast %scan3A_45 : i32 to index
      %swap3A_68 = arith.constant 64 : index
      %swap3A_69 = tpu.vector_load %arg10[%swap3A_67, %swap3A_68] {strides = array<i32>} : memref<128x128xf32, #tpu.memory_space<vmem>>, vector<16xf32>,
      tpu.vector_store %arg10[%swap3A_67, %swap3A_68], %broadcast_in_dim3A_66 {strides = array<i32>} : memref<128x128xf32, #tpu.memory_space<vmem>>, vector<16xf32>,
      %broadcast_in_dim3A_70 = arith.constant 0.000000e+00 : f32
      %broadcast_in_dim3A_71 = vector.broadcast %broadcast_in_dim3A_70 : f32 to vector<16xf32>
      %swap3A_72 = arith.index_cast %scan3A_45 : i32 to index
      %swap3A_73 = arith.constant 80 : index
      %swap3A_74 = tpu.vector_load %arg10[%swap3A_72, %swap3A_73] {strides = array<i32>} : memref<128x128xf32, #tpu.memory_space<vmem>>, vector<16xf32>,
      tpu.vector_store %arg10[%swap3A_72, %swap3A_73], %broadcast_in_dim3A_71 {strides = array<i32>} : memref<128x128xf32, #tpu.memory_space<vmem>>, vector<16xf32>,
      %broadcast_in_dim3A_75 = arith.constant 0.000000e+00 : f32
      %broadcast_in_dim3A_76 = vector.broadcast %broadcast_in_dim3A_75 : f32 to vector<16xf32>
      %swap3A_77 = arith.index_cast %scan3A_45 : i32 to index
      %swap3A_78 = arith.constant 96 : index
      %swap3A_79 = tpu.vector_load %arg10[%swap3A_77, %swap3A_78] {strides = array<i32>} : memref<128x128xf32, #tpu.memory_space<vmem>>, vector<16xf32>,
      tpu.vector_store %arg10[%swap3A_77, %swap3A_78], %broadcast_in_dim3A_76 {strides = array<i32>} : memref<128x128xf32, #tpu.memory_space<vmem>>, vector<16xf32>,
      %broadcast_in_dim3A_80 = arith.constant 0.000000e+00 : f32
      %broadcast_in_dim3A_81 = vector.broadcast %broadcast_in_dim3A_80 : f32 to vector<16xf32>
      %swap3A_82 = arith.index_cast %scan3A_45 : i32 to index
      %swap3A_83 = arith.constant 112 : index
      %swap3A_84 = tpu.vector_load %arg10[%swap3A_82, %swap3A_83] {strides = array<i32>} : memref<128x128xf32, #tpu.memory_space<vmem>>, vector<16xf32>,
      tpu.vector_store %arg10[%swap3A_82, %swap3A_83], %broadcast_in_dim3A_81 {strides = array<i32>} : memref<128x128xf32, #tpu.memory_space<vmem>>, vector<16xf32>,
      %scan3A_85 = arith.constant 0 : i32
      scf.yield %scan3A_85 : i32
    }
    %scan3A_6 = arith.constant 128 : i32
    %mul3A_7 = arith.constant 640 : i32
    %mul3A_8 = arith.muli %arg1, %mul3A_7 : i32
    %add3A_9 = arith.constant 0 : i32
    %add3A_10 = arith.addi %mul3A_8, %add3A_9 : i32
    "tpu.region"() ({
      %run_scoped3A = tpu.sem_alloc : memref<!tpu.dma_semaphore, #tpu.memory_space<semaphore_mem>>
      %dma_start3A_45 = arith.constant 0 : i32
      %dma_start3A_46 = tpu.memref_slice %arg12[%add3A_10, %dma_start3A_45] : memref<10240x128xf32, #tpu.memory_space<vmem_shared>> -> memref<128x128xf32, #tpu.memory_space<vmem_shared>>
      %dma_start3A_47 = arith.constant 0 : i32
      %dma_start3A_48 = tpu.memref_slice %arg12[%add3A_10, %dma_start3A_47] : memref<10240x128xf32, #tpu.memory_space<vmem_shared>> -> memref<128x128xf32, #tpu.memory_space<vmem_shared>>
      tpu.enqueue_dma source(%arg10 : memref<128x128xf32, #tpu.memory_space<vmem>>) target(%dma_start3A_48 : memref<128x128xf32, #tpu.memory_space<vmem_shared>>) target_semaphore(%run_scoped3A : memref<!tpu.dma_semaphore, #tpu.memory_space<semaphore_mem>>)
      %dma_wait3A = arith.constant 0 : i32
      %dma_wait3A_49 = tpu.memref_slice %arg12[%add3A_10, %dma_wait3A] : memref<10240x128xf32, #tpu.memory_space<vmem_shared>> -> memref<128x128xf32, #tpu.memory_space<vmem_shared>>
      %dma_wait3A_50 = arith.constant 0 : i32
      %dma_wait3A_51 = tpu.memref_slice %arg12[%add3A_10, %dma_wait3A_50] : memref<10240x128xf32, #tpu.memory_space<vmem_shared>> -> memref<128x128xf32, #tpu.memory_space<vmem_shared>>
      tpu.wait_dma2 semaphore(%run_scoped3A : memref<!tpu.dma_semaphore, #tpu.memory_space<semaphore_mem>>) src(%arg10 : memref<128x128xf32, #tpu.memory_space<vmem>>) dst(%dma_wait3A_51 : memref<128x128xf32, #tpu.memory_space<vmem_shared>>)
      tpu.yield
    }) : () -> ()
    %mul3A_11 = arith.constant 640 : i32
    %mul3A_12 = arith.muli %arg1, %mul3A_11 : i32
    %add3A_13 = arith.constant 128 : i32
    %add3A_14 = arith.addi %mul3A_12, %add3A_13 : i32
    "tpu.region"() ({
      %run_scoped3A = tpu.sem_alloc : memref<!tpu.dma_semaphore, #tpu.memory_space<semaphore_mem>>
      %dma_start3A_45 = arith.constant 0 : i32
      %dma_start3A_46 = tpu.memref_slice %arg12[%add3A_14, %dma_start3A_45] : memref<10240x128xf32, #tpu.memory_space<vmem_shared>> -> memref<128x128xf32, #tpu.memory_space<vmem_shared>>
      %dma_start3A_47 = arith.constant 0 : i32
      %dma_start3A_48 = tpu.memref_slice %arg12[%add3A_14, %dma_start3A_47] : memref<10240x128xf32, #tpu.memory_space<vmem_shared>> -> memref<128x128xf32, #tpu.memory_space<vmem_shared>>
      tpu.enqueue_dma source(%arg10 : memref<128x128xf32, #tpu.memory_space<vmem>>) target(%dma_start3A_48 : memref<128x128xf32, #tpu.memory_space<vmem_shared>>) target_semaphore(%run_scoped3A : memref<!tpu.dma_semaphore, #tpu.memory_space<semaphore_mem>>)
      %dma_wait3A = arith.constant 0 : i32
      %dma_wait3A_49 = tpu.memref_slice %arg12[%add3A_14, %dma_wait3A] : memref<10240x128xf32, #tpu.memory_space<vmem_shared>> -> memref<128x128xf32, #tpu.memory_space<vmem_shared>>
      %dma_wait3A_50 = arith.constant 0 : i32
      %dma_wait3A_51 = tpu.memref_slice %arg12[%add3A_14, %dma_wait3A_50] : memref<10240x128xf32, #tpu.memory_space<vmem_shared>> -> memref<128x128xf32, #tpu.memory_space<vmem_shared>>
      tpu.wait_dma2 semaphore(%run_scoped3A : memref<!tpu.dma_semaphore, #tpu.memory_space<semaphore_mem>>) src(%arg10 : memref<128x128xf32, #tpu.memory_space<vmem>>) dst(%dma_wait3A_51 : memref<128x128xf32, #tpu.memory_space<vmem_shared>>)
      tpu.yield
    }) : () -> ()
    %mul3A_15 = arith.constant 640 : i32
    %mul3A_16 = arith.muli %arg1, %mul3A_15 : i32
    %add3A_17 = arith.constant 256 : i32
    %add3A_18 = arith.addi %mul3A_16, %add3A_17 : i32
    "tpu.region"() ({
      %run_scoped3A = tpu.sem_alloc : memref<!tpu.dma_semaphore, #tpu.memory_space<semaphore_mem>>
      %dma_start3A_45 = arith.constant 0 : i32
      %dma_start3A_46 = tpu.memref_slice %arg12[%add3A_18, %dma_start3A_45] : memref<10240x128xf32, #tpu.memory_space<vmem_shared>> -> memref<128x128xf32, #tpu.memory_space<vmem_shared>>
      %dma_start3A_47 = arith.constant 0 : i32
      %dma_start3A_48 = tpu.memref_slice %arg12[%add3A_18, %dma_start3A_47] : memref<10240x128xf32, #tpu.memory_space<vmem_shared>> -> memref<128x128xf32, #tpu.memory_space<vmem_shared>>
      tpu.enqueue_dma source(%arg10 : memref<128x128xf32, #tpu.memory_space<vmem>>) target(%dma_start3A_48 : memref<128x128xf32, #tpu.memory_space<vmem_shared>>) target_semaphore(%run_scoped3A : memref<!tpu.dma_semaphore, #tpu.memory_space<semaphore_mem>>)
      %dma_wait3A = arith.constant 0 : i32
      %dma_wait3A_49 = tpu.memref_slice %arg12[%add3A_18, %dma_wait3A] : memref<10240x128xf32, #tpu.memory_space<vmem_shared>> -> memref<128x128xf32, #tpu.memory_space<vmem_shared>>
      %dma_wait3A_50 = arith.constant 0 : i32
      %dma_wait3A_51 = tpu.memref_slice %arg12[%add3A_18, %dma_wait3A_50] : memref<10240x128xf32, #tpu.memory_space<vmem_shared>> -> memref<128x128xf32, #tpu.memory_space<vmem_shared>>
      tpu.wait_dma2 semaphore(%run_scoped3A : memref<!tpu.dma_semaphore, #tpu.memory_space<semaphore_mem>>) src(%arg10 : memref<128x128xf32, #tpu.memory_space<vmem>>) dst(%dma_wait3A_51 : memref<128x128xf32, #tpu.memory_space<vmem_shared>>)
      tpu.yield
    }) : () -> ()
    %mul3A_19 = arith.constant 640 : i32
    %mul3A_20 = arith.muli %arg1, %mul3A_19 : i32
    %add3A_21 = arith.constant 384 : i32
    %add3A_22 = arith.addi %mul3A_20, %add3A_21 : i32
    "tpu.region"() ({
      %run_scoped3A = tpu.sem_alloc : memref<!tpu.dma_semaphore, #tpu.memory_space<semaphore_mem>>
      %dma_start3A_45 = arith.constant 0 : i32
      %dma_start3A_46 = tpu.memref_slice %arg12[%add3A_22, %dma_start3A_45] : memref<10240x128xf32, #tpu.memory_space<vmem_shared>> -> memref<128x128xf32, #tpu.memory_space<vmem_shared>>
      %dma_start3A_47 = arith.constant 0 : i32
      %dma_start3A_48 = tpu.memref_slice %arg12[%add3A_22, %dma_start3A_47] : memref<10240x128xf32, #tpu.memory_space<vmem_shared>> -> memref<128x128xf32, #tpu.memory_space<vmem_shared>>
      tpu.enqueue_dma source(%arg10 : memref<128x128xf32, #tpu.memory_space<vmem>>) target(%dma_start3A_48 : memref<128x128xf32, #tpu.memory_space<vmem_shared>>) target_semaphore(%run_scoped3A : memref<!tpu.dma_semaphore, #tpu.memory_space<semaphore_mem>>)
      %dma_wait3A = arith.constant 0 : i32
      %dma_wait3A_49 = tpu.memref_slice %arg12[%add3A_22, %dma_wait3A] : memref<10240x128xf32, #tpu.memory_space<vmem_shared>> -> memref<128x128xf32, #tpu.memory_space<vmem_shared>>
      %dma_wait3A_50 = arith.constant 0 : i32
      %dma_wait3A_51 = tpu.memref_slice %arg12[%add3A_22, %dma_wait3A_50] : memref<10240x128xf32, #tpu.memory_space<vmem_shared>> -> memref<128x128xf32, #tpu.memory_space<vmem_shared>>
      tpu.wait_dma2 semaphore(%run_scoped3A : memref<!tpu.dma_semaphore, #tpu.memory_space<semaphore_mem>>) src(%arg10 : memref<128x128xf32, #tpu.memory_space<vmem>>) dst(%dma_wait3A_51 : memref<128x128xf32, #tpu.memory_space<vmem_shared>>)
      tpu.yield
    }) : () -> ()
    %mul3A_23 = arith.constant 640 : i32
    %mul3A_24 = arith.muli %arg1, %mul3A_23 : i32
    %add3A_25 = arith.constant 512 : i32
    %add3A_26 = arith.addi %mul3A_24, %add3A_25 : i32
    "tpu.region"() ({
      %run_scoped3A = tpu.sem_alloc : memref<!tpu.dma_semaphore, #tpu.memory_space<semaphore_mem>>
      %dma_start3A_45 = arith.constant 0 : i32
      %dma_start3A_46 = tpu.memref_slice %arg12[%add3A_26, %dma_start3A_45] : memref<10240x128xf32, #tpu.memory_space<vmem_shared>> -> memref<128x128xf32, #tpu.memory_space<vmem_shared>>
      %dma_start3A_47 = arith.constant 0 : i32
      %dma_start3A_48 = tpu.memref_slice %arg12[%add3A_26, %dma_start3A_47] : memref<10240x128xf32, #tpu.memory_space<vmem_shared>> -> memref<128x128xf32, #tpu.memory_space<vmem_shared>>
      tpu.enqueue_dma source(%arg10 : memref<128x128xf32, #tpu.memory_space<vmem>>) target(%dma_start3A_48 : memref<128x128xf32, #tpu.memory_space<vmem_shared>>) target_semaphore(%run_scoped3A : memref<!tpu.dma_semaphore, #tpu.memory_space<semaphore_mem>>)
      %dma_wait3A = arith.constant 0 : i32
      %dma_wait3A_49 = tpu.memref_slice %arg12[%add3A_26, %dma_wait3A] : memref<10240x128xf32, #tpu.memory_space<vmem_shared>> -> memref<128x128xf32, #tpu.memory_space<vmem_shared>>
      %dma_wait3A_50 = arith.constant 0 : i32
      %dma_wait3A_51 = tpu.memref_slice %arg12[%add3A_26, %dma_wait3A_50] : memref<10240x128xf32, #tpu.memory_space<vmem_shared>> -> memref<128x128xf32, #tpu.memory_space<vmem_shared>>
      tpu.wait_dma2 semaphore(%run_scoped3A : memref<!tpu.dma_semaphore, #tpu.memory_space<semaphore_mem>>) src(%arg10 : memref<128x128xf32, #tpu.memory_space<vmem>>) dst(%dma_wait3A_51 : memref<128x128xf32, #tpu.memory_space<vmem_shared>>)
      tpu.yield
    }) : () -> ()
    %barrier3A = arith.constant 0 : index
    tpu.barrier barrier_id(%barrier3A)
    %dma_start3A = arith.constant 0 : i32
    %dma_start3A_27 = arith.constant 0 : i32
    %dma_start3A_28 = tpu.memref_slice %arg7[%dma_start3A, %dma_start3A_27] : memref<40x128xi32, #tpu.memory_space<vmem>> -> memref<1x128xi32, #tpu.memory_space<vmem>>
    %dma_start3A_29 = tpu.memref_squeeze %dma_start3A_28 : memref<1x128xi32, #tpu.memory_space<vmem>> -> memref<128xi32, #tpu.memory_space<vmem>>
    %dma_start3A_30 = arith.constant 0 : i32
    %dma_start3A_31 = arith.constant 0 : i32
    %dma_start3A_32 = tpu.memref_slice %arg2[%dma_start3A_30, %dma_start3A_31] : memref<80000x128xf32, #tpu.memory_space<hbm>> -> memref<80000x128xf32, #tpu.memory_space<hbm>>
    tpu.enqueue_indirect_dma source(%dma_start3A_32 : memref<80000x128xf32, #tpu.memory_space<hbm>>) target(%arg10 : memref<128x128xf32, #tpu.memory_space<vmem>>) offsets(%dma_start3A_29 : memref<128xi32, #tpu.memory_space<vmem>>) semaphore(%arg13 : memref<!tpu.dma_semaphore, #tpu.memory_space<semaphore_mem>>)
    %scan3A_33 = arith.constant 0 : i32
    %scan3A_34 = arith.constant 0 : i32
    %scan3A_35 = arith.constant 20 : i32
    %scan3A_36 = arith.addi %scan3A_34, %scan3A_35 : i32
    %scan3A_37 = arith.constant 1 : i32
    %scan3A_38 = scf.for %scan3A_45 = %scan3A_34 to %scan3A_36 step %scan3A_37 iter_args(%scan3A_46 = %scan3A_33) -> (i32)  : i32 {
      %mul3A_47 = arith.constant 2 : i32
      %mul3A_48 = arith.muli %mul3A_47, %scan3A_45 : i32
      %dma_wait3A = arith.constant 0 : i32
      %dma_wait3A_49 = arith.constant 0 : i32
      %dma_wait3A_50 = tpu.memref_slice %arg7[%dma_wait3A, %dma_wait3A_49] : memref<40x128xi32, #tpu.memory_space<vmem>> -> memref<1x128xi32, #tpu.memory_space<vmem>>
      %dma_wait3A_51 = tpu.memref_squeeze %dma_wait3A_50 : memref<1x128xi32, #tpu.memory_space<vmem>> -> memref<128xi32, #tpu.memory_space<vmem>>
      %dma_wait3A_52 = arith.constant 0 : i32
      %dma_wait3A_53 = arith.constant 0 : i32
      %dma_wait3A_54 = tpu.memref_slice %arg2[%dma_wait3A_52, %dma_wait3A_53] : memref<80000x128xf32, #tpu.memory_space<hbm>> -> memref<80000x128xf32, #tpu.memory_space<hbm>>
      tpu.wait_indirect_dma semaphore(%arg13 : memref<!tpu.dma_semaphore, #tpu.memory_space<semaphore_mem>>) src(%dma_wait3A_54 : memref<80000x128xf32, #tpu.memory_space<hbm>>) dst(%arg10 : memref<128x128xf32, #tpu.memory_space<vmem>>)
      %add3A_55 = arith.constant 1 : i32
      %add3A_56 = arith.addi %mul3A_48, %add3A_55 : i32
      %dma_start3A_57 = arith.constant 0 : i32
      %dma_start3A_58 = tpu.memref_slice %arg7[%add3A_56, %dma_start3A_57] : memref<40x128xi32, #tpu.memory_space<vmem>> -> memref<1x128xi32, #tpu.memory_space<vmem>>
      %dma_start3A_59 = tpu.memref_squeeze %dma_start3A_58 : memref<1x128xi32, #tpu.memory_space<vmem>> -> memref<128xi32, #tpu.memory_space<vmem>>
      %dma_start3A_60 = arith.constant 0 : i32
      %dma_start3A_61 = arith.constant 0 : i32
      %dma_start3A_62 = tpu.memref_slice %arg2[%dma_start3A_60, %dma_start3A_61] : memref<80000x128xf32, #tpu.memory_space<hbm>> -> memref<80000x128xf32, #tpu.memory_space<hbm>>
      tpu.enqueue_indirect_dma source(%dma_start3A_62 : memref<80000x128xf32, #tpu.memory_space<hbm>>) target(%arg11 : memref<128x128xf32, #tpu.memory_space<vmem>>) offsets(%dma_start3A_59 : memref<128xi32, #tpu.memory_space<vmem>>) semaphore(%arg14 : memref<!tpu.dma_semaphore, #tpu.memory_space<semaphore_mem>>)
      %mul3A_63 = arith.constant 128 : i32
      %mul3A_64 = arith.muli %mul3A_48, %mul3A_63 : i32
      %broadcast_in_dim3A = vector.broadcast %mul3A_64 : i32 to vector<16xi32>
      %scan3A_65 = arith.constant 0 : i32
      %scan3A_66 = arith.constant 128 : i32
      %scan3A_67 = arith.addi %scan3A_65, %scan3A_66 : i32
      %scan3A_68 = arith.constant 1 : i32
      %scan3A_69 = scf.for %scan3A_94 = %scan3A_65 to %scan3A_67 step %scan3A_68 iter_args(%scan3A_95 = %broadcast_in_dim3A) -> (vector<16xi32>)  : i32 {
        %gather3A = tpu.vector_load_idx %arg9[%scan3A_95] : memref<5120xf32, #tpu.memory_space<vmem>>[vector<16xi32>], vector<16xf32>,
        %get3A = arith.index_cast %scan3A_94 : i32 to index
        %get3A_96 = arith.constant 0 : index
        %get3A_97 = tpu.vector_load %arg10[%get3A, %get3A_96] {strides = array<i32>} : memref<128x128xf32, #tpu.memory_space<vmem>>, vector<16xf32>,
        %mul3A_98 = arith.mulf %get3A_97, %gather3A : vector<16xf32>
        %swap3A = arith.index_cast %scan3A_94 : i32 to index
        %swap3A_99 = arith.constant 0 : index
        %swap3A_100 = tpu.vector_load %arg10[%swap3A, %swap3A_99] {strides = array<i32>} : memref<128x128xf32, #tpu.memory_space<vmem>>, vector<16xf32>,
        tpu.vector_store %arg10[%swap3A, %swap3A_99], %mul3A_98 {strides = array<i32>} : memref<128x128xf32, #tpu.memory_space<vmem>>, vector<16xf32>,
        %get3A_101 = arith.index_cast %scan3A_94 : i32 to index
        %get3A_102 = arith.constant 16 : index
        %get3A_103 = tpu.vector_load %arg10[%get3A_101, %get3A_102] {strides = array<i32>} : memref<128x128xf32, #tpu.memory_space<vmem>>, vector<16xf32>,
        %mul3A_104 = arith.mulf %get3A_103, %gather3A : vector<16xf32>
        %swap3A_105 = arith.index_cast %scan3A_94 : i32 to index
        %swap3A_106 = arith.constant 16 : index
        %swap3A_107 = tpu.vector_load %arg10[%swap3A_105, %swap3A_106] {strides = array<i32>} : memref<128x128xf32, #tpu.memory_space<vmem>>, vector<16xf32>,
        tpu.vector_store %arg10[%swap3A_105, %swap3A_106], %mul3A_104 {strides = array<i32>} : memref<128x128xf32, #tpu.memory_space<vmem>>, vector<16xf32>,
        %get3A_108 = arith.index_cast %scan3A_94 : i32 to index
        %get3A_109 = arith.constant 32 : index
        %get3A_110 = tpu.vector_load %arg10[%get3A_108, %get3A_109] {strides = array<i32>} : memref<128x128xf32, #tpu.memory_space<vmem>>, vector<16xf32>,
        %mul3A_111 = arith.mulf %get3A_110, %gather3A : vector<16xf32>
        %swap3A_112 = arith.index_cast %scan3A_94 : i32 to index
        %swap3A_113 = arith.constant 32 : index
        %swap3A_114 = tpu.vector_load %arg10[%swap3A_112, %swap3A_113] {strides = array<i32>} : memref<128x128xf32, #tpu.memory_space<vmem>>, vector<16xf32>,
        tpu.vector_store %arg10[%swap3A_112, %swap3A_113], %mul3A_111 {strides = array<i32>} : memref<128x128xf32, #tpu.memory_space<vmem>>, vector<16xf32>,
        %get3A_115 = arith.index_cast %scan3A_94 : i32 to index
        %get3A_116 = arith.constant 48 : index
        %get3A_117 = tpu.vector_load %arg10[%get3A_115, %get3A_116] {strides = array<i32>} : memref<128x128xf32, #tpu.memory_space<vmem>>, vector<16xf32>,
        %mul3A_118 = arith.mulf %get3A_117, %gather3A : vector<16xf32>
        %swap3A_119 = arith.index_cast %scan3A_94 : i32 to index
        %swap3A_120 = arith.constant 48 : index
        %swap3A_121 = tpu.vector_load %arg10[%swap3A_119, %swap3A_120] {strides = array<i32>} : memref<128x128xf32, #tpu.memory_space<vmem>>, vector<16xf32>,
        tpu.vector_store %arg10[%swap3A_119, %swap3A_120], %mul3A_118 {strides = array<i32>} : memref<128x128xf32, #tpu.memory_space<vmem>>, vector<16xf32>,
        %get3A_122 = arith.index_cast %scan3A_94 : i32 to index
        %get3A_123 = arith.constant 64 : index
        %get3A_124 = tpu.vector_load %arg10[%get3A_122, %get3A_123] {strides = array<i32>} : memref<128x128xf32, #tpu.memory_space<vmem>>, vector<16xf32>,
        %mul3A_125 = arith.mulf %get3A_124, %gather3A : vector<16xf32>
        %swap3A_126 = arith.index_cast %scan3A_94 : i32 to index
        %swap3A_127 = arith.constant 64 : index
        %swap3A_128 = tpu.vector_load %arg10[%swap3A_126, %swap3A_127] {strides = array<i32>} : memref<128x128xf32, #tpu.memory_space<vmem>>, vector<16xf32>,
        tpu.vector_store %arg10[%swap3A_126, %swap3A_127], %mul3A_125 {strides = array<i32>} : memref<128x128xf32, #tpu.memory_space<vmem>>, vector<16xf32>,
        %get3A_129 = arith.index_cast %scan3A_94 : i32 to index
        %get3A_130 = arith.constant 80 : index
        %get3A_131 = tpu.vector_load %arg10[%get3A_129, %get3A_130] {strides = array<i32>} : memref<128x128xf32, #tpu.memory_space<vmem>>, vector<16xf32>,
        %mul3A_132 = arith.mulf %get3A_131, %gather3A : vector<16xf32>
        %swap3A_133 = arith.index_cast %scan3A_94 : i32 to index
        %swap3A_134 = arith.constant 80 : index
        %swap3A_135 = tpu.vector_load %arg10[%swap3A_133, %swap3A_134] {strides = array<i32>} : memref<128x128xf32, #tpu.memory_space<vmem>>, vector<16xf32>,
        tpu.vector_store %arg10[%swap3A_133, %swap3A_134], %mul3A_132 {strides = array<i32>} : memref<128x128xf32, #tpu.memory_space<vmem>>, vector<16xf32>,
        %get3A_136 = arith.index_cast %scan3A_94 : i32 to index
        %get3A_137 = arith.constant 96 : index
        %get3A_138 = tpu.vector_load %arg10[%get3A_136, %get3A_137] {strides = array<i32>} : memref<128x128xf32, #tpu.memory_space<vmem>>, vector<16xf32>,
        %mul3A_139 = arith.mulf %get3A_138, %gather3A : vector<16xf32>
        %swap3A_140 = arith.index_cast %scan3A_94 : i32 to index
        %swap3A_141 = arith.constant 96 : index
        %swap3A_142 = tpu.vector_load %arg10[%swap3A_140, %swap3A_141] {strides = array<i32>} : memref<128x128xf32, #tpu.memory_space<vmem>>, vector<16xf32>,
        tpu.vector_store %arg10[%swap3A_140, %swap3A_141], %mul3A_139 {strides = array<i32>} : memref<128x128xf32, #tpu.memory_space<vmem>>, vector<16xf32>,
        %get3A_143 = arith.index_cast %scan3A_94 : i32 to index
        %get3A_144 = arith.constant 112 : index
        %get3A_145 = tpu.vector_load %arg10[%get3A_143, %get3A_144] {strides = array<i32>} : memref<128x128xf32, #tpu.memory_space<vmem>>, vector<16xf32>,
        %mul3A_146 = arith.mulf %get3A_145, %gather3A : vector<16xf32>
        %swap3A_147 = arith.index_cast %scan3A_94 : i32 to index
        %swap3A_148 = arith.constant 112 : index
        %swap3A_149 = tpu.vector_load %arg10[%swap3A_147, %swap3A_148] {strides = array<i32>} : memref<128x128xf32, #tpu.memory_space<vmem>>, vector<16xf32>,
        tpu.vector_store %arg10[%swap3A_147, %swap3A_148], %mul3A_146 {strides = array<i32>} : memref<128x128xf32, #tpu.memory_space<vmem>>, vector<16xf32>,
        %add3A_150 = arith.constant 1 : i32
        %add3A_151 = vector.broadcast %add3A_150 : i32 to vector<16xi32>
        %add3A_152 = arith.addi %scan3A_95, %add3A_151 : vector<16xi32>
        scf.yield %add3A_152 : vector<16xi32>
      }
      %scan3A_70 = arith.constant 128 : i32
      "tpu.region"() ({
        %run_scoped3A = tpu.sem_alloc : memref<!tpu.dma_semaphore, #tpu.memory_space<semaphore_mem>>
        %dma_start3A_94 = arith.constant 0 : i32
        %dma_start3A_95 = tpu.memref_slice %arg8[%mul3A_48, %dma_start3A_94] : memref<40x128xi32, #tpu.memory_space<vmem>> -> memref<1x128xi32, #tpu.memory_space<vmem>>
        %dma_start3A_96 = tpu.memref_squeeze %dma_start3A_95 : memref<1x128xi32, #tpu.memory_space<vmem>> -> memref<128xi32, #tpu.memory_space<vmem>>
        %dma_start3A_97 = arith.constant 0 : i32
        %dma_start3A_98 = arith.constant 0 : i32
        %dma_start3A_99 = tpu.memref_slice %arg12[%dma_start3A_97, %dma_start3A_98] : memref<10240x128xf32, #tpu.memory_space<vmem_shared>> -> memref<10240x128xf32, #tpu.memory_space<vmem_shared>>
        tpu.enqueue_indirect_dma source(%arg10 : memref<128x128xf32, #tpu.memory_space<vmem>>) target(%dma_start3A_99 : memref<10240x128xf32, #tpu.memory_space<vmem_shared>>) offsets(%dma_start3A_96 : memref<128xi32, #tpu.memory_space<vmem>>) semaphore(%run_scoped3A : memref<!tpu.dma_semaphore, #tpu.memory_space<semaphore_mem>>) {add = true}
        %dma_wait3A_100 = arith.constant 0 : i32
        %dma_wait3A_101 = tpu.memref_slice %arg8[%mul3A_48, %dma_wait3A_100] : memref<40x128xi32, #tpu.memory_space<vmem>> -> memref<1x128xi32, #tpu.memory_space<vmem>>
        %dma_wait3A_102 = tpu.memref_squeeze %dma_wait3A_101 : memref<1x128xi32, #tpu.memory_space<vmem>> -> memref<128xi32, #tpu.memory_space<vmem>>
        %dma_wait3A_103 = arith.constant 0 : i32
        %dma_wait3A_104 = arith.constant 0 : i32
        %dma_wait3A_105 = tpu.memref_slice %arg12[%dma_wait3A_103, %dma_wait3A_104] : memref<10240x128xf32, #tpu.memory_space<vmem_shared>> -> memref<10240x128xf32, #tpu.memory_space<vmem_shared>>
        tpu.wait_indirect_dma semaphore(%run_scoped3A : memref<!tpu.dma_semaphore, #tpu.memory_space<semaphore_mem>>) src(%arg10 : memref<128x128xf32, #tpu.memory_space<vmem>>) dst(%dma_wait3A_105 : memref<10240x128xf32, #tpu.memory_space<vmem_shared>>)
        tpu.yield
      }) : () -> ()
      %dma_wait3A_71 = arith.constant 0 : i32
      %dma_wait3A_72 = arith.constant 0 : i32
      %dma_wait3A_73 = tpu.memref_slice %arg7[%dma_wait3A_71, %dma_wait3A_72] : memref<40x128xi32, #tpu.memory_space<vmem>> -> memref<1x128xi32, #tpu.memory_space<vmem>>
      %dma_wait3A_74 = tpu.memref_squeeze %dma_wait3A_73 : memref<1x128xi32, #tpu.memory_space<vmem>> -> memref<128xi32, #tpu.memory_space<vmem>>
      %dma_wait3A_75 = arith.constant 0 : i32
      %dma_wait3A_76 = arith.constant 0 : i32
      %dma_wait3A_77 = tpu.memref_slice %arg2[%dma_wait3A_75, %dma_wait3A_76] : memref<80000x128xf32, #tpu.memory_space<hbm>> -> memref<80000x128xf32, #tpu.memory_space<hbm>>
      tpu.wait_indirect_dma semaphore(%arg14 : memref<!tpu.dma_semaphore, #tpu.memory_space<semaphore_mem>>) src(%dma_wait3A_77 : memref<80000x128xf32, #tpu.memory_space<hbm>>) dst(%arg11 : memref<128x128xf32, #tpu.memory_space<vmem>>)
      %lt3A = arith.constant 19 : i32
      %lt3A_78 = arith.cmpi slt, %scan3A_45, %lt3A : i32
      %convert_element_type3A = arith.extui %lt3A_78 : i1 to i32
      %cond3A = arith.constant 0 : i32
      %cond3A_79 = arith.cmpi ne, %convert_element_type3A, %cond3A : i32
      scf.if %cond3A_79 {
        %add3A_94 = arith.constant 2 : i32
        %add3A_95 = arith.addi %mul3A_48, %add3A_94 : i32
        %dma_start3A_96 = arith.constant 0 : i32
        %dma_start3A_97 = tpu.memref_slice %arg7[%add3A_95, %dma_start3A_96] : memref<40x128xi32, #tpu.memory_space<vmem>> -> memref<1x128xi32, #tpu.memory_space<vmem>>
        %dma_start3A_98 = tpu.memref_squeeze %dma_start3A_97 : memref<1x128xi32, #tpu.memory_space<vmem>> -> memref<128xi32, #tpu.memory_space<vmem>>
        %dma_start3A_99 = arith.constant 0 : i32
        %dma_start3A_100 = arith.constant 0 : i32
        %dma_start3A_101 = tpu.memref_slice %arg2[%dma_start3A_99, %dma_start3A_100] : memref<80000x128xf32, #tpu.memory_space<hbm>> -> memref<80000x128xf32, #tpu.memory_space<hbm>>
        tpu.enqueue_indirect_dma source(%dma_start3A_101 : memref<80000x128xf32, #tpu.memory_space<hbm>>) target(%arg10 : memref<128x128xf32, #tpu.memory_space<vmem>>) offsets(%dma_start3A_98 : memref<128xi32, #tpu.memory_space<vmem>>) semaphore(%arg13 : memref<!tpu.dma_semaphore, #tpu.memory_space<semaphore_mem>>)
      } else {
      }
      %add3A_80 = arith.constant 1 : i32
      %add3A_81 = arith.addi %mul3A_48, %add3A_80 : i32
      %mul3A_82 = arith.constant 128 : i32
      %mul3A_83 = arith.muli %add3A_81, %mul3A_82 : i32
      %broadcast_in_dim3A_84 = vector.broadcast %mul3A_83 : i32 to vector<16xi32>
      %scan3A_85 = arith.constant 0 : i32
      %scan3A_86 = arith.constant 128 : i32
      %scan3A_87 = arith.addi %scan3A_85, %scan3A_86 : i32
      %scan3A_88 = arith.constant 1 : i32
      %scan3A_89 = scf.for %scan3A_94 = %scan3A_85 to %scan3A_87 step %scan3A_88 iter_args(%scan3A_95 = %broadcast_in_dim3A_84) -> (vector<16xi32>)  : i32 {
        %gather3A = tpu.vector_load_idx %arg9[%scan3A_95] : memref<5120xf32, #tpu.memory_space<vmem>>[vector<16xi32>], vector<16xf32>,
        %get3A = arith.index_cast %scan3A_94 : i32 to index
        %get3A_96 = arith.constant 0 : index
        %get3A_97 = tpu.vector_load %arg11[%get3A, %get3A_96] {strides = array<i32>} : memref<128x128xf32, #tpu.memory_space<vmem>>, vector<16xf32>,
        %mul3A_98 = arith.mulf %get3A_97, %gather3A : vector<16xf32>
        %swap3A = arith.index_cast %scan3A_94 : i32 to index
        %swap3A_99 = arith.constant 0 : index
        %swap3A_100 = tpu.vector_load %arg11[%swap3A, %swap3A_99] {strides = array<i32>} : memref<128x128xf32, #tpu.memory_space<vmem>>, vector<16xf32>,
        tpu.vector_store %arg11[%swap3A, %swap3A_99], %mul3A_98 {strides = array<i32>} : memref<128x128xf32, #tpu.memory_space<vmem>>, vector<16xf32>,
        %get3A_101 = arith.index_cast %scan3A_94 : i32 to index
        %get3A_102 = arith.constant 16 : index
        %get3A_103 = tpu.vector_load %arg11[%get3A_101, %get3A_102] {strides = array<i32>} : memref<128x128xf32, #tpu.memory_space<vmem>>, vector<16xf32>,
        %mul3A_104 = arith.mulf %get3A_103, %gather3A : vector<16xf32>
        %swap3A_105 = arith.index_cast %scan3A_94 : i32 to index
        %swap3A_106 = arith.constant 16 : index
        %swap3A_107 = tpu.vector_load %arg11[%swap3A_105, %swap3A_106] {strides = array<i32>} : memref<128x128xf32, #tpu.memory_space<vmem>>, vector<16xf32>,
        tpu.vector_store %arg11[%swap3A_105, %swap3A_106], %mul3A_104 {strides = array<i32>} : memref<128x128xf32, #tpu.memory_space<vmem>>, vector<16xf32>,
        %get3A_108 = arith.index_cast %scan3A_94 : i32 to index
        %get3A_109 = arith.constant 32 : index
        %get3A_110 = tpu.vector_load %arg11[%get3A_108, %get3A_109] {strides = array<i32>} : memref<128x128xf32, #tpu.memory_space<vmem>>, vector<16xf32>,
        %mul3A_111 = arith.mulf %get3A_110, %gather3A : vector<16xf32>
        %swap3A_112 = arith.index_cast %scan3A_94 : i32 to index
        %swap3A_113 = arith.constant 32 : index
        %swap3A_114 = tpu.vector_load %arg11[%swap3A_112, %swap3A_113] {strides = array<i32>} : memref<128x128xf32, #tpu.memory_space<vmem>>, vector<16xf32>,
        tpu.vector_store %arg11[%swap3A_112, %swap3A_113], %mul3A_111 {strides = array<i32>} : memref<128x128xf32, #tpu.memory_space<vmem>>, vector<16xf32>,
        %get3A_115 = arith.index_cast %scan3A_94 : i32 to index
        %get3A_116 = arith.constant 48 : index
        %get3A_117 = tpu.vector_load %arg11[%get3A_115, %get3A_116] {strides = array<i32>} : memref<128x128xf32, #tpu.memory_space<vmem>>, vector<16xf32>,
        %mul3A_118 = arith.mulf %get3A_117, %gather3A : vector<16xf32>
        %swap3A_119 = arith.index_cast %scan3A_94 : i32 to index
        %swap3A_120 = arith.constant 48 : index
        %swap3A_121 = tpu.vector_load %arg11[%swap3A_119, %swap3A_120] {strides = array<i32>} : memref<128x128xf32, #tpu.memory_space<vmem>>, vector<16xf32>,
        tpu.vector_store %arg11[%swap3A_119, %swap3A_120], %mul3A_118 {strides = array<i32>} : memref<128x128xf32, #tpu.memory_space<vmem>>, vector<16xf32>,
        %get3A_122 = arith.index_cast %scan3A_94 : i32 to index
        %get3A_123 = arith.constant 64 : index
        %get3A_124 = tpu.vector_load %arg11[%get3A_122, %get3A_123] {strides = array<i32>} : memref<128x128xf32, #tpu.memory_space<vmem>>, vector<16xf32>,
        %mul3A_125 = arith.mulf %get3A_124, %gather3A : vector<16xf32>
        %swap3A_126 = arith.index_cast %scan3A_94 : i32 to index
        %swap3A_127 = arith.constant 64 : index
        %swap3A_128 = tpu.vector_load %arg11[%swap3A_126, %swap3A_127] {strides = array<i32>} : memref<128x128xf32, #tpu.memory_space<vmem>>, vector<16xf32>,
        tpu.vector_store %arg11[%swap3A_126, %swap3A_127], %mul3A_125 {strides = array<i32>} : memref<128x128xf32, #tpu.memory_space<vmem>>, vector<16xf32>,
        %get3A_129 = arith.index_cast %scan3A_94 : i32 to index
        %get3A_130 = arith.constant 80 : index
        %get3A_131 = tpu.vector_load %arg11[%get3A_129, %get3A_130] {strides = array<i32>} : memref<128x128xf32, #tpu.memory_space<vmem>>, vector<16xf32>,
        %mul3A_132 = arith.mulf %get3A_131, %gather3A : vector<16xf32>
        %swap3A_133 = arith.index_cast %scan3A_94 : i32 to index
        %swap3A_134 = arith.constant 80 : index
        %swap3A_135 = tpu.vector_load %arg11[%swap3A_133, %swap3A_134] {strides = array<i32>} : memref<128x128xf32, #tpu.memory_space<vmem>>, vector<16xf32>,
        tpu.vector_store %arg11[%swap3A_133, %swap3A_134], %mul3A_132 {strides = array<i32>} : memref<128x128xf32, #tpu.memory_space<vmem>>, vector<16xf32>,
        %get3A_136 = arith.index_cast %scan3A_94 : i32 to index
        %get3A_137 = arith.constant 96 : index
        %get3A_138 = tpu.vector_load %arg11[%get3A_136, %get3A_137] {strides = array<i32>} : memref<128x128xf32, #tpu.memory_space<vmem>>, vector<16xf32>,
        %mul3A_139 = arith.mulf %get3A_138, %gather3A : vector<16xf32>
        %swap3A_140 = arith.index_cast %scan3A_94 : i32 to index
        %swap3A_141 = arith.constant 96 : index
        %swap3A_142 = tpu.vector_load %arg11[%swap3A_140, %swap3A_141] {strides = array<i32>} : memref<128x128xf32, #tpu.memory_space<vmem>>, vector<16xf32>,
        tpu.vector_store %arg11[%swap3A_140, %swap3A_141], %mul3A_139 {strides = array<i32>} : memref<128x128xf32, #tpu.memory_space<vmem>>, vector<16xf32>,
        %get3A_143 = arith.index_cast %scan3A_94 : i32 to index
        %get3A_144 = arith.constant 112 : index
        %get3A_145 = tpu.vector_load %arg11[%get3A_143, %get3A_144] {strides = array<i32>} : memref<128x128xf32, #tpu.memory_space<vmem>>, vector<16xf32>,
        %mul3A_146 = arith.mulf %get3A_145, %gather3A : vector<16xf32>
        %swap3A_147 = arith.index_cast %scan3A_94 : i32 to index
        %swap3A_148 = arith.constant 112 : index
        %swap3A_149 = tpu.vector_load %arg11[%swap3A_147, %swap3A_148] {strides = array<i32>} : memref<128x128xf32, #tpu.memory_space<vmem>>, vector<16xf32>,
        tpu.vector_store %arg11[%swap3A_147, %swap3A_148], %mul3A_146 {strides = array<i32>} : memref<128x128xf32, #tpu.memory_space<vmem>>, vector<16xf32>,
        %add3A_150 = arith.constant 1 : i32
        %add3A_151 = vector.broadcast %add3A_150 : i32 to vector<16xi32>
        %add3A_152 = arith.addi %scan3A_95, %add3A_151 : vector<16xi32>
        scf.yield %add3A_152 : vector<16xi32>
      }
      %scan3A_90 = arith.constant 128 : i32
      %add3A_91 = arith.constant 1 : i32
      %add3A_92 = arith.addi %mul3A_48, %add3A_91 : i32
      "tpu.region"() ({
        %run_scoped3A = tpu.sem_alloc : memref<!tpu.dma_semaphore, #tpu.memory_space<semaphore_mem>>
        %dma_start3A_94 = arith.constant 0 : i32
        %dma_start3A_95 = tpu.memref_slice %arg8[%add3A_92, %dma_start3A_94] : memref<40x128xi32, #tpu.memory_space<vmem>> -> memref<1x128xi32, #tpu.memory_space<vmem>>
        %dma_start3A_96 = tpu.memref_squeeze %dma_start3A_95 : memref<1x128xi32, #tpu.memory_space<vmem>> -> memref<128xi32, #tpu.memory_space<vmem>>
        %dma_start3A_97 = arith.constant 0 : i32
        %dma_start3A_98 = arith.constant 0 : i32
        %dma_start3A_99 = tpu.memref_slice %arg12[%dma_start3A_97, %dma_start3A_98] : memref<10240x128xf32, #tpu.memory_space<vmem_shared>> -> memref<10240x128xf32, #tpu.memory_space<vmem_shared>>
        tpu.enqueue_indirect_dma source(%arg11 : memref<128x128xf32, #tpu.memory_space<vmem>>) target(%dma_start3A_99 : memref<10240x128xf32, #tpu.memory_space<vmem_shared>>) offsets(%dma_start3A_96 : memref<128xi32, #tpu.memory_space<vmem>>) semaphore(%run_scoped3A : memref<!tpu.dma_semaphore, #tpu.memory_space<semaphore_mem>>) {add = true}
        %dma_wait3A_100 = arith.constant 0 : i32
        %dma_wait3A_101 = tpu.memref_slice %arg8[%add3A_92, %dma_wait3A_100] : memref<40x128xi32, #tpu.memory_space<vmem>> -> memref<1x128xi32, #tpu.memory_space<vmem>>
        %dma_wait3A_102 = tpu.memref_squeeze %dma_wait3A_101 : memref<1x128xi32, #tpu.memory_space<vmem>> -> memref<128xi32, #tpu.memory_space<vmem>>
        %dma_wait3A_103 = arith.constant 0 : i32
        %dma_wait3A_104 = arith.constant 0 : i32
        %dma_wait3A_105 = tpu.memref_slice %arg12[%dma_wait3A_103, %dma_wait3A_104] : memref<10240x128xf32, #tpu.memory_space<vmem_shared>> -> memref<10240x128xf32, #tpu.memory_space<vmem_shared>>
        tpu.wait_indirect_dma semaphore(%run_scoped3A : memref<!tpu.dma_semaphore, #tpu.memory_space<semaphore_mem>>) src(%arg11 : memref<128x128xf32, #tpu.memory_space<vmem>>) dst(%dma_wait3A_105 : memref<10240x128xf32, #tpu.memory_space<vmem_shared>>)
        tpu.yield
      }) : () -> ()
      %scan3A_93 = arith.constant 0 : i32
      scf.yield %scan3A_93 : i32
    }
    %scan3A_39 = arith.constant 20 : i32
    %barrier3A_40 = arith.constant 0 : index
    tpu.barrier barrier_id(%barrier3A_40)
    %mul3A_41 = arith.constant 640 : i32
    %mul3A_42 = arith.muli %arg1, %mul3A_41 : i32
    %mul3A_43 = arith.constant 640 : i32
    %mul3A_44 = arith.muli %arg1, %mul3A_43 : i32
    "tpu.region"() ({
      %run_scoped3A = tpu.sem_alloc : memref<!tpu.dma_semaphore, #tpu.memory_space<semaphore_mem>>
      %dma_start3A_45 = arith.constant 0 : i32
      %dma_start3A_46 = tpu.memref_slice %arg6[%arg0, %mul3A_44, %dma_start3A_45] : memref<2x10240x128xf32, #tpu.memory_space<hbm>> -> memref<1x640x128xf32, #tpu.memory_space<hbm>>
      %dma_start3A_47 = tpu.memref_squeeze %dma_start3A_46 : memref<1x640x128xf32, #tpu.memory_space<hbm>> -> memref<640x128xf32, #tpu.memory_space<hbm>>
      %dma_start3A_48 = arith.constant 0 : i32
      %dma_start3A_49 = tpu.memref_slice %arg12[%mul3A_42, %dma_start3A_48] : memref<10240x128xf32, #tpu.memory_space<vmem_shared>> -> memref<640x128xf32, #tpu.memory_space<vmem_shared>>
      tpu.enqueue_dma source(%dma_start3A_49 : memref<640x128xf32, #tpu.memory_space<vmem_shared>>) target(%dma_start3A_47 : memref<640x128xf32, #tpu.memory_space<hbm>>) target_semaphore(%run_scoped3A : memref<!tpu.dma_semaphore, #tpu.memory_space<semaphore_mem>>)
      %dma_wait3A = arith.constant 0 : i32
      %dma_wait3A_50 = tpu.memref_slice %arg6[%arg0, %mul3A_44, %dma_wait3A] : memref<2x10240x128xf32, #tpu.memory_space<hbm>> -> memref<1x640x128xf32, #tpu.memory_space<hbm>>
      %dma_wait3A_51 = tpu.memref_squeeze %dma_wait3A_50 : memref<1x640x128xf32, #tpu.memory_space<hbm>> -> memref<640x128xf32, #tpu.memory_space<hbm>>
      %dma_wait3A_52 = arith.constant 0 : i32
      %dma_wait3A_53 = tpu.memref_slice %arg12[%mul3A_42, %dma_wait3A_52] : memref<10240x128xf32, #tpu.memory_space<vmem_shared>> -> memref<640x128xf32, #tpu.memory_space<vmem_shared>>
      tpu.wait_dma2 semaphore(%run_scoped3A : memref<!tpu.dma_semaphore, #tpu.memory_space<semaphore_mem>>) src(%dma_wait3A_53 : memref<640x128xf32, #tpu.memory_space<vmem_shared>>) dst(%dma_wait3A_51 : memref<640x128xf32, #tpu.memory_space<hbm>>)
      tpu.yield
    }) : () -> ()
    return
  }
}

module attributes {stable_mosaic.version = 14 : i64} {
  func.func @_mm_first_body(%arg0: i32, %arg1: memref<1000x128xf32, #tpu.memory_space<vmem>>, %arg2: memref<128x1152xbf16, #tpu.memory_space<vmem>>, %arg3: memref<1000x1024xf32, #tpu.memory_space<vmem>>, %arg4: memref<1000x128xf32, #tpu.memory_space<vmem>>) attributes {dimension_semantics = [#tpu.dimension_semantics<arbitrary>], iteration_bounds = array<i64: 10>, scalar_prefetch = 0 : i64, scratch_operands = 0 : i64, tpu.core_type = #tpu.core_type<tc>, window_params = [{transform_indices = @transform_0, window_bounds = array<i64: 1000, 128>}, {pipeline_mode = #tpu.pipeline_mode<synchronous>, transform_indices = @transform_1, window_bounds = array<i64: 128, 1152>}, {transform_indices = @transform_2, window_bounds = array<i64: 1000, 1024>}, {transform_indices = @transform_3, window_bounds = array<i64: 1000, 128>}]} {
    %get3A = arith.constant 0 : index
    %get3A_0 = arith.constant 0 : index
    %get3A_1 = vector.load %arg1[%get3A, %get3A_0] : memref<1000x128xf32, #tpu.memory_space<vmem>>, vector<1000x128xf32>
    %convert_element_type3A = arith.truncf %get3A_1 : vector<1000x128xf32> to vector<1000x128xbf16>
    %get3A_2 = arith.constant 0 : index
    %get3A_3 = arith.constant 0 : index
    %get3A_4 = vector.load %arg2[%get3A_2, %get3A_3] : memref<128x1152xbf16, #tpu.memory_space<vmem>>, vector<128x1152xbf16>
    %dot_general3A = arith.constant dense<0.000000e+00> : vector<1000x1152xf32>
    %dot_general3A_5 = tpu.matmul %convert_element_type3A, %get3A_4, %dot_general3A {dimension_numbers = #tpu.dot_dimension_numbers<[1], [0], [0], [1], [0, 0, 1, 1], [], []>, transpose_lhs_hint = false} : vector<1000x128xbf16>, vector<128x1152xbf16>, vector<1000x1152xf32> -> vector<1000x1152xf32>
    %slice3A = vector.extract_strided_slice %dot_general3A_5 {offsets = [0, 0], sizes = [1000, 1024], strides = [1, 1]} : vector<1000x1152xf32> to vector<1000x1024xf32>
    %swap3A = arith.constant 0 : index
    %swap3A_6 = arith.constant 0 : index
    %swap3A_7 = vector.load %arg3[%swap3A, %swap3A_6] : memref<1000x1024xf32, #tpu.memory_space<vmem>>, vector<1000x1024xf32>
    tpu.vector_store %arg3[%swap3A, %swap3A_6], %slice3A {strides = array<i32>} : memref<1000x1024xf32, #tpu.memory_space<vmem>>, vector<1000x1024xf32>,
    %slice3A_8 = vector.extract_strided_slice %dot_general3A_5 {offsets = [0, 1024], sizes = [1000, 128], strides = [1, 1]} : vector<1000x1152xf32> to vector<1000x128xf32>
    %swap3A_9 = arith.constant 0 : index
    %swap3A_10 = arith.constant 0 : index
    %swap3A_11 = vector.load %arg4[%swap3A_9, %swap3A_10] : memref<1000x128xf32, #tpu.memory_space<vmem>>, vector<1000x128xf32>
    tpu.vector_store %arg4[%swap3A_9, %swap3A_10], %slice3A_8 {strides = array<i32>} : memref<1000x128xf32, #tpu.memory_space<vmem>>, vector<1000x128xf32>,
    return
  }
  func.func @transform_0(%arg0: i32) -> (i32, i32) {
    %c0_i32 = arith.constant 0 : i32
    %c0_i32_0 = arith.constant 0 : i32
    return %arg0, %c0_i32 : i32, i32
  }
  func.func @transform_1(%arg0: i32) -> (i32, i32) {
    %c0_i32 = arith.constant 0 : i32
    %c0_i32_0 = arith.constant 0 : i32
    %c0_i32_1 = arith.constant 0 : i32
    return %c0_i32, %c0_i32_0 : i32, i32
  }
  func.func @transform_2(%arg0: i32) -> (i32, i32) {
    %c0_i32 = arith.constant 0 : i32
    %c0_i32_0 = arith.constant 0 : i32
    return %arg0, %c0_i32 : i32, i32
  }
  func.func @transform_3(%arg0: i32) -> (i32, i32) {
    %c0_i32 = arith.constant 0 : i32
    %c0_i32_0 = arith.constant 0 : i32
    return %arg0, %c0_i32 : i32, i32
  }
}

module attributes {stable_mosaic.version = 14 : i64} {
  func.func @_mm_mid_body(%arg0: i32, %arg1: memref<2x1000x128xf32, #tpu.memory_space<vmem>>, %arg2: memref<1000x128xf32, #tpu.memory_space<vmem>>, %arg3: memref<128x1152xbf16, #tpu.memory_space<vmem>>, %arg4: memref<1000x1024xf32, #tpu.memory_space<vmem>>, %arg5: memref<1000x128xf32, #tpu.memory_space<vmem>>) attributes {dimension_semantics = [#tpu.dimension_semantics<arbitrary>], iteration_bounds = array<i64: 10>, scalar_prefetch = 0 : i64, scratch_operands = 0 : i64, tpu.core_type = #tpu.core_type<tc>, window_params = [{transform_indices = @transform_0, window_bounds = array<i64: 2, 1000, 128>}, {transform_indices = @transform_1, window_bounds = array<i64: 1000, 128>}, {pipeline_mode = #tpu.pipeline_mode<synchronous>, transform_indices = @transform_2, window_bounds = array<i64: 128, 1152>}, {transform_indices = @transform_3, window_bounds = array<i64: 1000, 1024>}, {transform_indices = @transform_4, window_bounds = array<i64: 1000, 128>}]} {
    %get3A = arith.constant 0 : index
    %get3A_0 = arith.constant 0 : index
    %get3A_1 = arith.constant 0 : index
    %get3A_2 = vector.load %arg1[%get3A, %get3A_0, %get3A_1] : memref<2x1000x128xf32, #tpu.memory_space<vmem>>, vector<2x1000x128xf32>
    %slice3A = vector.extract_strided_slice %get3A_2 {offsets = [0, 0, 0], sizes = [1, 1000, 128], strides = [1, 1, 1]} : vector<2x1000x128xf32> to vector<1x1000x128xf32>
    %squeeze3A = vector.shape_cast %slice3A : vector<1x1000x128xf32> to vector<1000x128xf32>
    %slice3A_3 = vector.extract_strided_slice %get3A_2 {offsets = [1, 0, 0], sizes = [1, 1000, 128], strides = [1, 1, 1]} : vector<2x1000x128xf32> to vector<1x1000x128xf32>
    %squeeze3A_4 = vector.shape_cast %slice3A_3 : vector<1x1000x128xf32> to vector<1000x128xf32>
    %add3A = arith.addf %squeeze3A, %squeeze3A_4 : vector<1000x128xf32>
    %get3A_5 = arith.constant 0 : index
    %get3A_6 = arith.constant 0 : index
    %get3A_7 = vector.load %arg2[%get3A_5, %get3A_6] : memref<1000x128xf32, #tpu.memory_space<vmem>>, vector<1000x128xf32>
    %add3A_8 = arith.addf %add3A, %get3A_7 : vector<1000x128xf32>
    %max3A = arith.constant 0.000000e+00 : f32
    %max3A_9 = vector.broadcast %max3A : f32 to vector<1000x128xf32>
    %max3A_10 = arith.maximumf %add3A_8, %max3A_9 : vector<1000x128xf32>
    %convert_element_type3A = arith.truncf %max3A_10 : vector<1000x128xf32> to vector<1000x128xbf16>
    %get3A_11 = arith.constant 0 : index
    %get3A_12 = arith.constant 0 : index
    %get3A_13 = vector.load %arg3[%get3A_11, %get3A_12] : memref<128x1152xbf16, #tpu.memory_space<vmem>>, vector<128x1152xbf16>
    %dot_general3A = arith.constant dense<0.000000e+00> : vector<1000x1152xf32>
    %dot_general3A_14 = tpu.matmul %convert_element_type3A, %get3A_13, %dot_general3A {dimension_numbers = #tpu.dot_dimension_numbers<[1], [0], [0], [1], [0, 0, 1, 1], [], []>, transpose_lhs_hint = false} : vector<1000x128xbf16>, vector<128x1152xbf16>, vector<1000x1152xf32> -> vector<1000x1152xf32>
    %slice3A_15 = vector.extract_strided_slice %dot_general3A_14 {offsets = [0, 0], sizes = [1000, 1024], strides = [1, 1]} : vector<1000x1152xf32> to vector<1000x1024xf32>
    %swap3A = arith.constant 0 : index
    %swap3A_16 = arith.constant 0 : index
    %swap3A_17 = vector.load %arg4[%swap3A, %swap3A_16] : memref<1000x1024xf32, #tpu.memory_space<vmem>>, vector<1000x1024xf32>
    tpu.vector_store %arg4[%swap3A, %swap3A_16], %slice3A_15 {strides = array<i32>} : memref<1000x1024xf32, #tpu.memory_space<vmem>>, vector<1000x1024xf32>,
    %slice3A_18 = vector.extract_strided_slice %dot_general3A_14 {offsets = [0, 1024], sizes = [1000, 128], strides = [1, 1]} : vector<1000x1152xf32> to vector<1000x128xf32>
    %swap3A_19 = arith.constant 0 : index
    %swap3A_20 = arith.constant 0 : index
    %swap3A_21 = vector.load %arg5[%swap3A_19, %swap3A_20] : memref<1000x128xf32, #tpu.memory_space<vmem>>, vector<1000x128xf32>
    tpu.vector_store %arg5[%swap3A_19, %swap3A_20], %slice3A_18 {strides = array<i32>} : memref<1000x128xf32, #tpu.memory_space<vmem>>, vector<1000x128xf32>,
    return
  }
  func.func @transform_0(%arg0: i32) -> (i32, i32, i32) {
    %c0_i32 = arith.constant 0 : i32
    %c0_i32_0 = arith.constant 0 : i32
    %c0_i32_1 = arith.constant 0 : i32
    return %c0_i32, %arg0, %c0_i32_0 : i32, i32, i32
  }
  func.func @transform_1(%arg0: i32) -> (i32, i32) {
    %c0_i32 = arith.constant 0 : i32
    %c0_i32_0 = arith.constant 0 : i32
    return %arg0, %c0_i32 : i32, i32
  }
  func.func @transform_2(%arg0: i32) -> (i32, i32) {
    %c0_i32 = arith.constant 0 : i32
    %c0_i32_0 = arith.constant 0 : i32
    %c0_i32_1 = arith.constant 0 : i32
    return %c0_i32, %c0_i32_0 : i32, i32
  }
  func.func @transform_3(%arg0: i32) -> (i32, i32) {
    %c0_i32 = arith.constant 0 : i32
    %c0_i32_0 = arith.constant 0 : i32
    return %arg0, %c0_i32 : i32, i32
  }
  func.func @transform_4(%arg0: i32) -> (i32, i32) {
    %c0_i32 = arith.constant 0 : i32
    %c0_i32_0 = arith.constant 0 : i32
    return %arg0, %c0_i32 : i32, i32
  }
}

module attributes {stable_mosaic.version = 14 : i64} {
  func.func @_combine_body(%arg0: i32, %arg1: memref<2x1000x128xf32, #tpu.memory_space<vmem>>, %arg2: memref<1000x128xf32, #tpu.memory_space<vmem>>, %arg3: memref<1000x128xf32, #tpu.memory_space<vmem>>) attributes {dimension_semantics = [#tpu.dimension_semantics<arbitrary>], iteration_bounds = array<i64: 10>, scalar_prefetch = 0 : i64, scratch_operands = 0 : i64, tpu.core_type = #tpu.core_type<tc>, window_params = [{transform_indices = @transform_0, window_bounds = array<i64: 2, 1000, 128>}, {transform_indices = @transform_1, window_bounds = array<i64: 1000, 128>}, {transform_indices = @transform_2, window_bounds = array<i64: 1000, 128>}]} {
    %get3A = arith.constant 0 : index
    %get3A_0 = arith.constant 0 : index
    %get3A_1 = arith.constant 0 : index
    %get3A_2 = vector.load %arg1[%get3A, %get3A_0, %get3A_1] : memref<2x1000x128xf32, #tpu.memory_space<vmem>>, vector<2x1000x128xf32>
    %slice3A = vector.extract_strided_slice %get3A_2 {offsets = [0, 0, 0], sizes = [1, 1000, 128], strides = [1, 1, 1]} : vector<2x1000x128xf32> to vector<1x1000x128xf32>
    %squeeze3A = vector.shape_cast %slice3A : vector<1x1000x128xf32> to vector<1000x128xf32>
    %slice3A_3 = vector.extract_strided_slice %get3A_2 {offsets = [1, 0, 0], sizes = [1, 1000, 128], strides = [1, 1, 1]} : vector<2x1000x128xf32> to vector<1x1000x128xf32>
    %squeeze3A_4 = vector.shape_cast %slice3A_3 : vector<1x1000x128xf32> to vector<1000x128xf32>
    %add3A = arith.addf %squeeze3A, %squeeze3A_4 : vector<1000x128xf32>
    %get3A_5 = arith.constant 0 : index
    %get3A_6 = arith.constant 0 : index
    %get3A_7 = vector.load %arg2[%get3A_5, %get3A_6] : memref<1000x128xf32, #tpu.memory_space<vmem>>, vector<1000x128xf32>
    %add3A_8 = arith.addf %add3A, %get3A_7 : vector<1000x128xf32>
    %swap3A = arith.constant 0 : index
    %swap3A_9 = arith.constant 0 : index
    %swap3A_10 = vector.load %arg3[%swap3A, %swap3A_9] : memref<1000x128xf32, #tpu.memory_space<vmem>>, vector<1000x128xf32>
    tpu.vector_store %arg3[%swap3A, %swap3A_9], %add3A_8 {strides = array<i32>} : memref<1000x128xf32, #tpu.memory_space<vmem>>, vector<1000x128xf32>,
    return
  }
  func.func @transform_0(%arg0: i32) -> (i32, i32, i32) {
    %c0_i32 = arith.constant 0 : i32
    %c0_i32_0 = arith.constant 0 : i32
    %c0_i32_1 = arith.constant 0 : i32
    return %c0_i32, %arg0, %c0_i32_0 : i32, i32, i32
  }
  func.func @transform_1(%arg0: i32) -> (i32, i32) {
    %c0_i32 = arith.constant 0 : i32
    %c0_i32_0 = arith.constant 0 : i32
    return %arg0, %c0_i32 : i32, i32
  }
  func.func @transform_2(%arg0: i32) -> (i32, i32) {
    %c0_i32 = arith.constant 0 : i32
    %c0_i32_0 = arith.constant 0 : i32
    return %arg0, %c0_i32 : i32, i32
  }
}

</mosaic_0001>

<sc_bundles>
// kernel: kernel.11.cloned.1.call-start
scs
__scs_entry_jumppad:
0x0: {  	(pc) =	sbr.rel $0x88, $3  }
0x1: {  	(tag) =	ssettag $0x0;
	lr =	simm.s32 $0x1  }
0x2: {  	[smem:$0x3F98] =	sst lr;
	_ =	strace $0xD0000000  }
0x3: {  	_ = 	snop  }
0x4: {  	_ = 	snop  }
0x5: {  	_ = 	snop  }
0x6: {  	_ = 	snop  }
0x7: {  	_ = 	snop  }
__scs_overlays_trampoline_lowered:
0x8: {  	[smem:$0x3FA7] =	sst s0  }
0x9: {  	[smem:$0x3FA8] =	sst s1  }
0xa: {  	[smem:$0x3FA9] =	sst s2  }
0xb: {  	[smem:$0x3FAA] =	sst s3  }
0xc: {  	[smem:$0x3FAB] =	sst s4  }
0xd: {  	[smem:$0x3FAC] =	sst s5  }
0xe: {  	[smem:$0x3FAD] =	sst s6  }
0xf: {  	[smem:$0x3FAE] =	sst s7  }
0x10: {  	[smem:$0x3FAF] =	sst s8  }
0x11: {  	[smem:$0x3FB0] =	sst s9;
	s0 =	simm.s32 @!p0 $0x0  }
0x12: {  	s1 =	sld [smem:$0x3F96];
	s0 =	simm.s32 @p0 $0x1  }
0x13: {  	[smem:$0x3FB1] =	sst s0;
	s0 =	simm.s32 @!p1 $0x0  }
0x14: {  	s2 =	sld [smem:$0x3F95];
	s0 =	simm.s32 @p1 $0x1  }
0x15: {  	[smem:$0x3FB2] =	sst s0;
	s0 =	simm.s32 @!p2 $0x0  }
0x16: {  	s3 =	sld [smem:$0x3FDB];
	s0 =	simm.s32 @p2 $0x1  }
0x17: {  	s4 =	simm.s32 $0x1BF5;
	[smem:$0x3FB4] =	sst s0  }
0x18: {  	s0 =	sld [smem:$0x3F97];
	_ =	swait.ge [sflag:s4], $0x0  }
0x19: {  	s7 =	sld [smem:$0x3F98]  }
0x1a: {  	s8 =	sadd.s32 $0xFFFFE003, lr  }
0x1b: {  	s9 =	sadd.s32 $0xFFFFFEF7, lr;
	s5 =	simm.s32 $0xFFFFFFFF;
	p2 =	slt.u32 s8, $0xFFFFF086  }
0x1c: {  	p1 =	slt.u32 s9, $0xF7A;
	s5 =	simm.s32 @!p2 $0x0  }
0x1d: {  	s5 =	simm.s32 @p1 $0x1;
	p0 =	seq.s32 s7, s2  }
0x1e: {  	s7 =	smul.u32 @!p0 $0xF7A, s2;
	p2 =	seq.s32 @!p0 s5, $0x0  }
0x1f: {  	s9 =	smul.u32 $0xF7A, s1;
	s8 =	simm.s32 @!p0 $0x1BF5;
	p2 =	por !p2, p0  }
0x20: {  	[sflag:s8] =	ssyncset.s32 @!p0 $0xFFFFF086;
	s6 =	sadd.s32 @!p0 s3, s7;
	s7 =	simm.s32 @!p0 $0x108  }
0x21: {  	s3 =	sadd.s32 s3, s9;
	s6 =	sadd.s32 @!p0 $0x88, s6;
	s7 =	simm.s32 @p2 $0x1082  }
0x22: {  	[simem:s7], [sflag:s8] =	dma.local @!p0 [hbm:s6], $0xF7A  }
0x23: {  	s9 =	sor.u32 $0xD0000000, s2;
	s6 =	simm.s32 $0x108;
	_ =	swait.ge @!p0 [sflag:s8], $0x0  }
0x24: {  	s3 =	sadd.s32 $0x88, s3;
	s6 =	simm.s32 @!p1 $0x1082;
	[sflag:s4] =	ssyncset.s32 $0xFFFFF086  }
0x25: {  	[simem:s6], [sflag:s4] =	dma.local [hbm:s3], $0xF7A  }
0x26: {  	[smem:$0x3F98] =	sst s1;
	(tag) =	ssettag s2;
	_ =	strace s9  }
0x27: {  	s1 =	sld [smem:$0x3FA8]  }
0x28: {  	s2 =	sld [smem:$0x3FA9]  }
0x29: {  	s4 =	sld [smem:$0x3FAB]  }
0x2a: {  	p0 =	seq.s32 s5, $0x0;
	s5 =	sld [smem:$0x3FAC]  }
0x2b: {  	s6 =	sld [smem:$0x3FAD]  }
0x2c: {  	s7 =	sld [smem:$0x3FAE]  }
0x2d: {  	s3 =	simm.s32 $0x108;
	s8 =	sld [smem:$0x3FAF]  }
0x2e: {  	s3 =	simm.s32 @!p0 $0x1082;
	s9 =	sld [smem:$0x3FB0]  }
0x2f: {  	lr =	sadd.s32 s0, s3;
	s0 =	sld [smem:$0x3FA7]  }
0x30: {  	s3 =	sld [smem:$0x3FAA]  }
0x31: {  	[smem:$0x3FB3] =	sst s10  }
0x32: {  	s10 =	sld [smem:$0x3FB1];
	_ =	sdelay $0x3  }
0x33: {  	p0 =	seq.s32 s10, $0x1;
	s10 =	sld [smem:$0x3FB3];
	_ =	sdelay $0x3  }
0x34: {  	[smem:$0x3FB3] =	sst s10  }
0x35: {  	s10 =	sld [smem:$0x3FB2];
	_ =	sdelay $0x3  }
0x36: {  	p1 =	seq.s32 s10, $0x1;
	s10 =	sld [smem:$0x3FB3];
	_ =	sdelay $0x3  }
0x37: {  	[smem:$0x3FB3] =	sst s10  }
0x38: {  	s10 =	sld [smem:$0x3FB4]  }
0x39: {  	_ = 	snop;
	(pc) =	sbr.ind lr, $3  }
0x3a: {  	_ = 	snop  }
0x3b: {  	_ = 	snop  }
0x3c: {  	p2 =	seq.s32 s10, $0x1;
	s10 =	sld [smem:$0x3FB3]  }
0x3d: {  	_ =	shalt  }
0x3e: {  	_ =	shalt  }
0x3f: {  	_ =	shalt  }
0x40: {  	_ =	shalt  }
0x41: {  	_ =	shalt  }
0x42: {  	_ =	shalt  }
0x43: {  	_ =	shalt  }
0x44: {  	_ =	shalt  }
0x45: {  	_ =	shalt  }
0x46: {  	_ =	shalt  }
0x47: {  	_ =	shalt  }
0x48: {  	_ =	shalt  }
0x49: {  	_ =	shalt  }
0x4a: {  	_ =	shalt  }
0x4b: {  	_ =	shalt  }
0x4c: {  	_ =	shalt  }
0x4d: {  	_ =	shalt  }
0x4e: {  	_ =	shalt  }
0x4f: {  	_ =	shalt  }
0x50: {  	_ =	shalt  }
0x51: {  	_ =	shalt  }
0x52: {  	_ =	shalt  }
0x53: {  	_ =	shalt  }
0x54: {  	_ =	shalt  }
0x55: {  	_ =	shalt  }
0x56: {  	_ =	shalt  }
0x57: {  	_ =	shalt  }
0x58: {  	_ =	shalt  }
0x59: {  	_ =	shalt  }
0x5a: {  	_ =	shalt  }
0x5b: {  	_ =	shalt  }
0x5c: {  	_ =	shalt  }
0x5d: {  	_ =	shalt  }
0x5e: {  	_ =	shalt  }
0x5f: {  	_ =	shalt  }
0x60: {  	_ =	shalt  }
0x61: {  	_ =	shalt  }
0x62: {  	_ =	shalt  }
0x63: {  	_ =	shalt  }
0x64: {  	_ =	shalt  }
0x65: {  	_ =	shalt  }
0x66: {  	_ =	shalt  }
0x67: {  	_ =	shalt  }
0x68: {  	_ =	shalt  }
0x69: {  	_ =	shalt  }
0x6a: {  	_ =	shalt  }
0x6b: {  	_ =	shalt  }
0x6c: {  	_ =	shalt  }
0x6d: {  	_ =	shalt  }
0x6e: {  	_ =	shalt  }
0x6f: {  	_ =	shalt  }
0x70: {  	_ =	shalt  }
0x71: {  	_ =	shalt  }
0x72: {  	_ =	shalt  }
0x73: {  	_ =	shalt  }
0x74: {  	_ =	shalt  }
0x75: {  	_ =	shalt  }
0x76: {  	_ =	shalt  }
0x77: {  	_ =	shalt  }
0x78: {  	_ =	shalt  }
0x79: {  	_ =	shalt  }
0x7a: {  	_ =	shalt  }
0x7b: {  	_ =	shalt  }
0x7c: {  	_ =	shalt  }
0x7d: {  	_ =	shalt  }
0x7e: {  	_ =	shalt  }
0x7f: {  	_ =	shalt  }
0x80: {  	_ =	shalt  }
0x81: {  	_ =	shalt  }
0x82: {  	_ =	shalt  }
0x83: {  	_ =	shalt  }
0x84: {  	_ =	shalt  }
0x85: {  	_ =	shalt  }
0x86: {  	_ =	shalt  }
0x87: {  	_ =	shalt  }
.Lfunc_end0:
.L_simem_size_0:
called_computation.1_lowered:
.L_overlay_start_0:
0x88: {  	s2 =	sld [smem:$0x3FD9]  }
0x89: {  	s3 =	sld [smem:$0x3FFE];
	_ =	sdelay $0x1  }
0x8a: {  	s1 =	srdreg.scid  }
0x8b: {  	s0 =	sand.u32 $0x1, s1  }
0x8c: {  	s17 =	sshll.u32 s0, $0xA;
	s2 =	sadd.s32 s3, s2  }
0x8d: {  	s2 =	sadd.s32 s2, s17  }
0x8e: {  	[smem:$0x3FBF] =	sst s2  }
0x8f: {  	_ = 	snop  }
0x90: {  	s2 =	sld [smem:$0x3FD0];
	(tm) =	ssettm $0x1  }
0x91: {  	s18 =	sld [smem:$0x3FFB];
	_ =	sdelay $0x3  }
0x92: {  	_ =	strace s18  }
0x93: {  	s3 =	sld [smem:$0x3FFC];
	_ =	sdelay $0x3  }
0x94: {  	_ =	strace s3  }
0x95: {  	s3 =	sld [smem:$0x3FFD];
	_ =	sdelay $0x3  }
0x96: {  	_ =	strace s3  }
0x97: {  	_ =	strace $0x8FFFFFFF  }
0x98: {  	s19 =	sld [smem:$0x3FDB];
	_ =	sdelay $0x1  }
0x99: {  	s4 =	simm.s32 $_scs_section_size  }
0x9a: {  	s5 =	simm.s32 $_size__tile_overlayer_lowered;
	s6 =	simm.s32 $_tile_overlayer_lowered  }
0x9b: {  	s22 =	simm.s32 $0x1BFF;
	s21 =	sshll.u32 s6, $0x1;
	s3 =	sadd.s32 s4, s19  }
0x9c: {  	s7 =	simm.s32 $0x0;
	s20 =	sshll.u32 s5, $0x1;
	s5 =	sadd.s32 s21, s3  }
0x9d: {  	[timem:s7], [sflag:s22] =	dma.local [hbm:s5], s20  }
0x9e: {  	_ =	swait.ge [sflag:s22], s20  }
0x9f: {  	s4 =	ssub.s32 $0x0, s20;
	[sflag:s22] =	ssyncset.done $0x0  }
0xa0: {  	[sflag:s22] =	ssyncadd.s32 s4;
	_ =	sdelay $0x1  }
0xa1: {  	s23 =	simm.s32 $0x1B8B  }
0xa2: {  	_ =	swait.ge [sflag:s23], $0x1  }
0xa3: {  	[sflag:s23] =	ssyncset.done $0x0  }
0xa4: {  	s25 =	simm.s32 $0x1B8E;
	s24 =	sld [smem:$0x3FFE];
	[sflag:s23] =	ssyncadd.s32 $0xFFFFFFFF  }
0xa5: {  	s26 =	simm.s32 $execute0_lowered;
	[smem:$0x3FD2] =	sst s25  }
0xa6: {  	s5 =	sshll.u32 s26, $0x1;
	_ =	strace $0x80000049;
	[dreg:$0x1] =	wrdreg $0xFFFFFFFF  }
0xa7: {  	s28 =	simm.s32 $_size_execute0_lowered;
	s3 =	sadd.s32 s3, s5;
	[dreg:$0x0] =	wrdreg $0x0  }
0xa8: {  	s5 =	sshll.u32 s28, $0x1;
	[dreg:$0x2] =	wrdreg s3  }
0xa9: {  	[dreg:$0x3] =	wrdreg s5  }
0xaa: {  	[dreg:$0x4] =	wrdreg $0xC0  }
0xab: {  	_ =	task [dreg:s7], $0x5FFFF  }
0xac: {  	[dreg:$0x1] =	wrdreg $0xFFFFFFFF  }
0xad: {  	[dreg:$0x0] =	wrdreg $0x60  }
0xae: {  	[dreg:$0x2] =	wrdreg s24  }
0xaf: {  	[dreg:$0x3] =	wrdreg s2  }
0xb0: {  	[dreg:$0x4] =	wrdreg $0xBC000  }
0xb1: {  	[dreg:$0x5] =	wrdreg $0x9  }
0xb2: {  	_ =	task.clear_ibuf [dreg:s7], $0x6FFFF;
	_ =	strace $0x90000049  }
0xb3: {  	s29 =	simm.s32 $0x9;
	_ =	strace $0x8000004B  }
0xb4: {  	_ =	swait.ge [sflag:s29], $0x1  }
0xb5: {  	[sflag:s29] =	ssyncadd.s32 $0xFFFFFFFF  }
0xb6: {  	_ =	strace $0x9000004B  }
0xb7: {  	_ =	sfence  }
0xb8: {  	s30 =	sld [smem:$0x0];
	_ =	sdelay $0x2  }
0xb9: {  	s31 =	sshll.u32 s1, $0xD;
	s1 =	sshrl.u32 s1, $0x2  }
0xba: {  	s3 =	sand.u32 $0x4000, s31;
	s1 =	sadd.s32 s1, s30  }
0xbb: {  	s0 =	sor.u32 s3, s0;
	s1 =	sshll.u32 s1, $0x11  }
0xbc: {  	s0 =	sor.u32 s1, s0  }
0xbd: {  	s0 =	sadd.s32 $0x8F2B, s0  }
0xbe: {  	[sflag:s0] =	ssyncadd.remote.s32 $0x1  }
0xbf: {  	_ =	sfence.sel $0xFFFF  }
0xc0: {  	[dreg:$0x0] =	wrdreg $0xFFFFFFFF;
	(pc) =	sbr.abs _section_cstart, $3  }
0xc1: {  	[dreg:$0x1] =	wrdreg $0xFFFFFFFF  }
0xc2: {  	_ =	task.clear_ibuf [dreg:s7], $0x2FFFF;
	_ =	strace $0x9FFFFFFF  }
0xc3: {  	(tm) =	ssettm $0x7FFFFFFF  }
tec
execute0_lowered:
.L_overlay_start_1:
0x0: {  	(tag) =	ssettag $0x1  }
0x1: {  	s1 =	srdreg.scid;
	s5 =	rddreg [dreg:$0x0]  }
0x2: {  	s0 =	stileid.u32;
	s7 =	rddreg [dreg:$0x1]  }
0x3: {  	s2 =	rddreg [dreg:$0x2];
	s3 =	simm.s32 $0x0;
	s16 =	simm.s32 $0x1400  }
0x4: {  	s17 =	simm.s32 $0x80;
	s18 =	simm.s32 $0x400;
	s19 =	simm.s32 $0x2800  }
0x5: {  	s20 =	simm.s32 $0x3C00;
	s21 =	simm.s32 $0x1;
	s22 =	simm.s32 $0x7C00  }
0x6: {  	s23 =	simm.s32 $0x2;
	s24 =	simm.s32 $0x0;
	s12 =	smul.u32 $0x14000, s0  }
0x7: {  	s6 =	sand.u32 $0x1, s1;
	s9 =	sshrl.u32 s0, $0x2;
	s29 =	smul.u32 $0x50000, s0  }
0x8: {  	s28 =	sshll.u32 s0, $0x1;
	s1 =	rddreg [dreg:$0x3];
	s9 =	smul.u32 $0xA000, s9  }
0x9: {  	[smem:$0x7FF] =	sst s3;
	s4 =	sor.u32 s6, s28;
	s10 =	smul.u32 $0x140000, s6  }
0xa: {  	_ =	strace $0x8000004A;
	s6 =	ssub.s32 $0x2, s6;
	s8 =	smul.u32 $0x280, s4  }
0xb: {  	s4 =	sshll.u32 s4, $0x7;
	s30 =	sshrl.u32 s6, $0x1;
	s31 =	sshrl.u32 s29, $0x2  }
0xc: {  	s11 =	sand.u32 $0x380, s4;
	s4 =	sadd.s32 $0x144E00, s5;
	s10 =	sadd.s32 s12, s10  }
0xd: {  	s15 =	ssub.s32 s6, s30;
	s6 =	sadd.s32 s31, s2;
	s13 =	sadd.s32 s8, s5  }
0xe: {  	s9 =	sor.u32 s9, s11;
	s10 =	sshrl.u32 s10, $0x3;
	s11 =	sadd.s32 $0xC000, s6  }
0xf: {  	s12 =	sadd.s32 $0x10000, s6;
	s9 =	sshrl.u32 s9, $0x3;
	s14 =	sadd.s32 s10, s5  }
0x10: {  	s10 =	sadd.s32 $0x8000, s6;
	s9 =	sadd.s32 s9, s5;
	s5 =	sadd.s32 s7, s8  }
0x11: {  	s7 =	sadd.s32 $0xC600, s13;
	s13 =	sadd.s32 $0x11600, s14;
	s14 =	smax.u32 s15, $0x1  }
0x12: {  	v0 =	vimm.f32 $0.0e+00;
	s15 =	simm.s32 $0x3;
	s8 =	sadd.s32 $0x7600, s9;
	s9 =	sadd.s32 $0x4000, s6  }
.LBB2_1:
0x13: {  	[tilespmem:s3], [sflag:$0x3] =	stream.linear.gather [hbm4b:s5+s3], $0x1400, $0x38;
	[tilespmem:$0x1FC00] =	vst v63  }
0x14: {  	_ =	swait.ge [sflag:s15], $0x1400  }
0x15: {  	[sflag:s15] =	ssyncset.done $0x0  }
0x16: {  	[sflag:s15] =	ssyncadd.s32 $0xFFFFEC00  }
0x17: {  	[tilespmem:s16], [sflag:$0x3] =	stream.linear.gather [hbm4b:s7+s3], $0x1400, $0x38;
	[tilespmem:$0x1FC00] =	vst v63  }
0x18: {  	_ =	swait.ge [sflag:s15], $0x1400  }
0x19: {  	[sflag:s15] =	ssyncset.done $0x0  }
0x1a: {  	[sflag:s15] =	ssyncadd.s32 $0xFFFFEC00  }
0x1b: {  	[tilespmem:s19], [sflag:$0x3] =	stream.strided.gather [hbm4b:s8+s17], $0x1400, s18, s17, $0x38;
	[tilespmem:$0x1FC00] =	vst v63  }
0x1c: {  	_ =	swait.ge [sflag:s15], $0x1400  }
0x1d: {  	[sflag:s15] =	ssyncset.done $0x0  }
0x1e: {  	s25 =	simm.s32 $0x0;
	s26 =	simm.s32 $0x200;
	[sflag:s15] =	ssyncadd.s32 $0xFFFFEC00  }
.LBB2_2:
0x1f: {  	p0 =	sne.s32 s26, $0xFE00;
	[tilespmem:s25+$0x3C70] =	vst v0  }
0x20: {  	[tilespmem:s25+$0x3C00] =	vst v0  }
0x21: {  	[tilespmem:s25+$0x3C10] =	vst v0  }
.Ltmp0:
0x22: {  	[tilespmem:s25+$0x3C20] =	vst v0;
	(pc) =	sbr.rel @p0 .LBB2_2-.Ltmp0, $4  }
0x23: {  	[tilespmem:s25+$0x3C30] =	vst v0  }
0x24: {  	[tilespmem:s25+$0x3C40] =	vst v0  }
0x25: {  	[tilespmem:s25+$0x3C50] =	vst v0  }
0x26: {  	[tilespmem:s25+$0x3C60] =	vst v0;
	s25 =	sshra.s32 s26, $0x2;
	s26 =	sadd.s32 $0x200, s26  }
0x27: {  	[tilespmem:s25+$0x3C70] =	vst v0  }
0x28: {  	[tilespmem:s25+$0x3C00] =	vst v0  }
0x29: {  	[tilespmem:s25+$0x3C10] =	vst v0  }
0x2a: {  	[tilespmem:s25+$0x3C20] =	vst v0  }
0x2b: {  	[tilespmem:s25+$0x3C30] =	vst v0  }
0x2c: {  	[tilespmem:s25+$0x3C40] =	vst v0  }
0x2d: {  	[tilespmem:s25+$0x3C50] =	vst v0  }
0x2e: {  	[tilespmem:s25+$0x3C60] =	vst v0  }
0x2f: {  	[spmem:s6] =	stream.linear.scatter [tilespmem:s20], [sflag:$0x3], $0x4000, $0x38;
	[tilespmem:$0x1FC00] =	vst v63  }
0x30: {  	_ =	swait.ge [sflag:s15], $0x4000  }
0x31: {  	[sflag:s15] =	ssyncset.done $0x0  }
0x32: {  	[sflag:s15] =	ssyncadd.s32 $0xFFFFC000  }
0x33: {  	[spmem:s9] =	stream.linear.scatter [tilespmem:s20], [sflag:$0x3], $0x4000, $0x38;
	[tilespmem:$0x1FC00] =	vst v63  }
0x34: {  	_ =	swait.ge [sflag:s15], $0x4000  }
0x35: {  	[sflag:s15] =	ssyncset.done $0x0  }
0x36: {  	[sflag:s15] =	ssyncadd.s32 $0xFFFFC000  }
0x37: {  	[spmem:s10] =	stream.linear.scatter [tilespmem:s20], [sflag:$0x3], $0x4000, $0x38;
	[tilespmem:$0x1FC00] =	vst v63  }
0x38: {  	_ =	swait.ge [sflag:s15], $0x4000  }
0x39: {  	[sflag:s15] =	ssyncset.done $0x0  }
0x3a: {  	[sflag:s15] =	ssyncadd.s32 $0xFFFFC000  }
0x3b: {  	[spmem:s11] =	stream.linear.scatter [tilespmem:s20], [sflag:$0x3], $0x4000, $0x38;
	[tilespmem:$0x1FC00] =	vst v63  }
0x3c: {  	_ =	swait.ge [sflag:s15], $0x4000  }
0x3d: {  	[sflag:s15] =	ssyncset.done $0x0  }
0x3e: {  	[sflag:s15] =	ssyncadd.s32 $0xFFFFC000  }
0x3f: {  	[spmem:s12] =	stream.linear.scatter [tilespmem:s20], [sflag:$0x3], $0x4000, $0x38;
	[tilespmem:$0x1FC00] =	vst v63  }
0x40: {  	_ =	swait.ge [sflag:s15], $0x4000  }
0x41: {  	[sflag:s15] =	ssyncset.done $0x0  }
0x42: {  	[sflag:s15] =	ssyncadd.s32 $0xFFFFC000  }
0x43: {  	s25 =	simm.s32 $0x0;
	[bflag:$0x0] =	sbarrier.arrive $0xFFFF  }
0x44: {  	[tilespmem:s20], [sflag:$0x1] =	stream.indirect.gather [hbm4b:s4+s17], $0x80, s25, s17, $0xb8;
	[tilespmem:$0x1FC00] =	vst v63  }
.LBB2_4:
0x45: {  	s26 =	sshll.u32 s25, $0x8  }
0x46: {  	_ =	swait.ge [sflag:s21], $0x4000;
	v1 =	vmov s26  }
0x47: {  	[sflag:s21] =	ssyncset.done $0x0  }
0x48: {  	s28 =	simm.s32 $0x0;
	s26 =	sor.u32 $0x80, s26;
	[sflag:s21] =	ssyncadd.s32 $0xFFFFC000  }
0x49: {  	[tilespmem:s22], [sflag:$0x2] =	stream.indirect.gather [hbm4b:s4+s17], $0x80, s26, s17, $0xb8;
	[tilespmem:$0x1FC00] =	vst v63  }
0x4a: {  	v8 =	vld [tilespmem:s28+$0x3C70]  }
0x4b: {  	v2 =	vld.idx.msk [tilespmem:v1+s19+$0x0], $0xffff  }
0x4c: {  	v7 =	vld [tilespmem:s28+$0x3C20]  }
0x4d: {  	v6 =	vld [tilespmem:s28+$0x3C50]  }
0x4e: {  	v4 =	vld [tilespmem:s28+$0x3C60]  }
0x4f: {  	v5 =	vld [tilespmem:s28+$0x3C40]  }
0x50: {  	s29 =	simm.s32 $0x200;
	v3 =	vld [tilespmem:s28+$0x3C10];
	v8 =	vmul.f32 v8, v2  }
.LBB2_5:
0x51: {  	p0 =	sne.s32 s29, $0xFE00;
	v7 =	vmul.f32 v7, v2;
	v9 =	vld [tilespmem:s28+$0x3C30];
	v1 =	vadd.s32 $0x1, v1;
	s30 =	smov.u32 s29;
	s29 =	sadd.s32 $0x200, s29  }
0x52: {  	v10 =	vld [tilespmem:s28+$0x3C00];
	v6 =	vmul.f32 v6, v2;
	[tilespmem:s28+$0x3C70] =	vst v8  }
0x53: {  	[tilespmem:s28+$0x3C20] =	vst v7;
	v4 =	vmul.f32 v4, v2  }
0x54: {  	v5 =	vmul.f32 v5, v2;
	[tilespmem:s28+$0x3C50] =	vst v6  }
0x55: {  	v3 =	vmul.f32 v3, v2;
	[tilespmem:s28+$0x3C60] =	vst v4  }
0x56: {  	v4 =	vmul.f32 v9, v2;
	[tilespmem:s28+$0x3C40] =	vst v5  }
0x57: {  	v2 =	vmul.f32 v10, v2;
	[tilespmem:s28+$0x3C10] =	vst v3  }
0x58: {  	[tilespmem:s28+$0x3C30] =	vst v4  }
0x59: {  	[tilespmem:s28+$0x3C00] =	vst v2;
	s28 =	sshra.s32 s30, $0x2  }
0x5a: {  	v2 =	vld.idx.msk [tilespmem:v1+s19+$0x0], $0xffff  }
0x5b: {  	v8 =	vld [tilespmem:s28+$0x3C70]  }
.Ltmp1:
0x5c: {  	v7 =	vld [tilespmem:s28+$0x3C20];
	(pc) =	sbr.rel @p0 .LBB2_5-.Ltmp1, $4  }
0x5d: {  	v6 =	vld [tilespmem:s28+$0x3C50]  }
0x5e: {  	v4 =	vld [tilespmem:s28+$0x3C60]  }
0x5f: {  	v5 =	vld [tilespmem:s28+$0x3C40]  }
0x60: {  	v3 =	vld [tilespmem:s28+$0x3C10];
	v8 =	vmul.f32 v8, v2  }
0x61: {  	v1 =	vld [tilespmem:s28+$0x3C30];
	v7 =	vmul.f32 v7, v2  }
0x62: {  	v9 =	vld [tilespmem:s28+$0x3C00];
	v6 =	vmul.f32 v6, v2;
	[tilespmem:s28+$0x3C70] =	vst v8  }
0x63: {  	[tilespmem:s28+$0x3C20] =	vst v7;
	v4 =	vmul.f32 v4, v2  }
0x64: {  	v5 =	vmul.f32 v5, v2;
	[tilespmem:s28+$0x3C50] =	vst v6  }
0x65: {  	v3 =	vmul.f32 v3, v2;
	[tilespmem:s28+$0x3C60] =	vst v4  }
0x66: {  	v1 =	vmul.f32 v1, v2;
	[tilespmem:s28+$0x3C40] =	vst v5  }
0x67: {  	s29 =	sshll.u32 s25, $0xA;
	v2 =	vmul.f32 v9, v2;
	[tilespmem:s28+$0x3C10] =	vst v3  }
0x68: {  	s30 =	sshrl.u32 s29, $0x2;
	[tilespmem:s28+$0x3C30] =	vst v1  }
0x69: {  	[tilespmem:s28+$0x3C00] =	vst v2;
	s28 =	sadd.s32 $0x1400, s30  }
0x6a: {  	[spmem:s2] =	stream.indirect.scatter.add.f32 [tilespmem:s20], [sflag:$0x3], $0x80, s28, s17, $0xb8;
	[tilespmem:$0x1FC00] =	vst v63  }
0x6b: {  	_ =	swait.ge [sflag:s15], $0x4000  }
0x6c: {  	[sflag:s15] =	ssyncset.done $0x0  }
0x6d: {  	v1 =	vmov s26;
	[sflag:s15] =	ssyncadd.s32 $0xFFFFC000  }
0x6e: {  	p0 =	seq.s32 s25, $0x13;
	_ =	swait.ge [sflag:s23], $0x4000  }
0x6f: {  	s30 =	simm.s32 @!p0 $0x3C00;
	s28 =	sshrl.u32 @!p0 s29, $0x2;
	[sflag:s23] =	ssyncset.done $0x0  }
0x70: {  	s29 =	simm.s32 @!p0 $0x80;
	s28 =	sadd.s32 @!p0 $0x100, s28;
	[sflag:s23] =	ssyncadd.s32 $0xFFFFC000  }
0x71: {  	[tilespmem:s30], [sflag:$0x1] =	stream.indirect.gather @!p0 [hbm4b:s4+s29], $0x80, s28, s29, $0xb8;
	[tilespmem:$0x1FC00] =	vst v63  }
0x72: {  	s28 =	simm.s32 $0x0;
	v2 =	vld.idx.msk [tilespmem:v1+s19+$0x0], $0xffff  }
0x73: {  	v8 =	vld [tilespmem:s28+$0x7C70]  }
0x74: {  	v7 =	vld [tilespmem:s28+$0x7C20]  }
0x75: {  	v6 =	vld [tilespmem:s28+$0x7C50]  }
0x76: {  	v4 =	vld [tilespmem:s28+$0x7C60]  }
0x77: {  	v5 =	vld [tilespmem:s28+$0x7C40]  }
0x78: {  	s29 =	simm.s32 $0x200;
	v3 =	vld [tilespmem:s28+$0x7C10];
	v8 =	vmul.f32 v8, v2  }
.LBB2_7:
0x79: {  	p0 =	sne.s32 s29, $0xFE00;
	v7 =	vmul.f32 v7, v2;
	v9 =	vld [tilespmem:s28+$0x7C30];
	v1 =	vadd.s32 $0x1, v1;
	s30 =	smov.u32 s29;
	s29 =	sadd.s32 $0x200, s29  }
0x7a: {  	v10 =	vld [tilespmem:s28+$0x7C00];
	v6 =	vmul.f32 v6, v2;
	[tilespmem:s28+$0x7C70] =	vst v8  }
0x7b: {  	[tilespmem:s28+$0x7C20] =	vst v7;
	v4 =	vmul.f32 v4, v2  }
0x7c: {  	v5 =	vmul.f32 v5, v2;
	[tilespmem:s28+$0x7C50] =	vst v6  }
0x7d: {  	v3 =	vmul.f32 v3, v2;
	[tilespmem:s28+$0x7C60] =	vst v4  }
0x7e: {  	v4 =	vmul.f32 v9, v2;
	[tilespmem:s28+$0x7C40] =	vst v5  }
0x7f: {  	v2 =	vmul.f32 v10, v2;
	[tilespmem:s28+$0x7C10] =	vst v3  }
0x80: {  	[tilespmem:s28+$0x7C30] =	vst v4  }
0x81: {  	[tilespmem:s28+$0x7C00] =	vst v2;
	s28 =	sshra.s32 s30, $0x2  }
0x82: {  	v2 =	vld.idx.msk [tilespmem:v1+s19+$0x0], $0xffff  }
0x83: {  	v8 =	vld [tilespmem:s28+$0x7C70]  }
.Ltmp2:
0x84: {  	v7 =	vld [tilespmem:s28+$0x7C20];
	(pc) =	sbr.rel @p0 .LBB2_7-.Ltmp2, $4  }
0x85: {  	v6 =	vld [tilespmem:s28+$0x7C50]  }
0x86: {  	v4 =	vld [tilespmem:s28+$0x7C60]  }
0x87: {  	v5 =	vld [tilespmem:s28+$0x7C40]  }
0x88: {  	v3 =	vld [tilespmem:s28+$0x7C10];
	v8 =	vmul.f32 v8, v2  }
0x89: {  	v1 =	vld [tilespmem:s28+$0x7C30];
	v7 =	vmul.f32 v7, v2  }
0x8a: {  	v9 =	vld [tilespmem:s28+$0x7C00];
	v6 =	vmul.f32 v6, v2;
	[tilespmem:s28+$0x7C70] =	vst v8  }
0x8b: {  	[tilespmem:s28+$0x7C20] =	vst v7;
	v4 =	vmul.f32 v4, v2  }
0x8c: {  	v5 =	vmul.f32 v5, v2;
	[tilespmem:s28+$0x7C50] =	vst v6  }
0x8d: {  	v3 =	vmul.f32 v3, v2;
	[tilespmem:s28+$0x7C60] =	vst v4  }
0x8e: {  	v1 =	vmul.f32 v1, v2;
	[tilespmem:s28+$0x7C40] =	vst v5  }
0x8f: {  	s25 =	sadd.s32 $0x1, s25;
	v2 =	vmul.f32 v9, v2;
	[tilespmem:s28+$0x7C10] =	vst v3  }
0x90: {  	p0 =	sne.s32 s25, $0x14;
	[tilespmem:s28+$0x7C30] =	vst v1  }
.Ltmp3:
0x91: {  	s26 =	sadd.s32 $0x1400, s26;
	[tilespmem:s28+$0x7C00] =	vst v2;
	(pc) =	sbr.rel @p0 .LBB2_4-.Ltmp3, $4  }
0x92: {  	[spmem:s2] =	stream.indirect.scatter.add.f32 [tilespmem:s22], [sflag:$0x3], $0x80, s26, s17, $0xb8;
	[tilespmem:$0x1FC00] =	vst v63  }
0x93: {  	_ =	swait.ge [sflag:s15], $0x4000  }
0x94: {  	[sflag:s15] =	ssyncset.done $0x0  }
0x95: {  	[sflag:s15] =	ssyncadd.s32 $0xFFFFC000  }
0x96: {  	s24 =	sadd.s32 $0x1, s24  }
0x97: {  	s25 =	sshll.u32 s0, $0x6;
	[bflag:$0x0] =	sbarrier.arrive $0xFFFF;
	p0 =	sne.s32 s24, s14  }
.Ltmp4:
0x98: {  	s26 =	sshrl.u32 s6, $0x3;
	s25 =	sor.u32 $0x1C03, s25;
	(pc) =	sbr.rel @p0 .LBB2_1-.Ltmp4, $4  }
0x99: {  	[hbm:s13], [sflag:s25] =	dma.local [spmem:s26], $0x2800  }
0x9a: {  	_ =	swait.ge [sflag:s15], $0x2800  }
0x9b: {  	[sflag:s15] =	ssyncset.done $0x0  }
0x9c: {  	[sflag:s15] =	ssyncadd.s32 $0xFFFFD800  }
0x9d: {  	_ =	sfence.sel $0x180000  }
0x9e: {  	[bflag:$0x0] =	sbarrier.arrive $0xFFFF  }
0x9f: {  	p0 =	sne.s32 s0, $0x0;
	_ =	strace $0x9000004A  }
0xa0: {  	s0 =	sadd.s32 @!p0 $0x100000, s1;
	[bflag:$0x2] =	sbarrier.arrive $0xFFFF  }
0xa1: {  	[sflag:s0] =	ssyncadd.tile.s32 @!p0 $0x1;
	_ =	shalt  }
.Lfunc_end2:
_tile_overlayer_lowered:
.L_overlay_start_2:
0xa2: {  	(tag) =	ssettag $0x2  }
0xa3: {  	s0 =	rddreg [dreg:$0x0];
	s2 =	stileid.u32  }
0xa4: {  	s1 =	rddreg [dreg:$0x1];
	p0 =	sne.s32 s2, $0x0  }
0xa5: {  	s3 =	rddreg [dreg:$0x2];
	[bflag:$0x3] =	sbarrier.arrive $0xFFFF;
	s2 =	simm.s32 @!p0 $0x1C03  }
0xa6: {  	[timem:s3], [sflag:s2] =	dma.local @!p0 [hbm:s0], s1  }
0xa7: {  	s0 =	simm.s32 @!p0 $0x3  }
0xa8: {  	_ =	swait.ge @!p0 [sflag:s0], s1  }
0xa9: {  	s1 =	ssub.s32 @!p0 $0x0, s1;
	[sflag:s0] =	ssyncset.done @!p0 $0x0  }
0xaa: {  	[sflag:s0] =	ssyncadd.s32 @!p0 s1  }
0xab: {  	[bflag:$0x3] =	sbarrier.arrive $0xFFFF  }
0xac: {  	_ =	shalt  }

// kernel: kernel.14.cloned.1.call-start
scs
__scs_entry_jumppad:
0x0: {  	(pc) =	sbr.rel $0x88, $3  }
0x1: {  	(tag) =	ssettag $0x0;
	lr =	simm.s32 $0x1  }
0x2: {  	[smem:$0x3F98] =	sst lr;
	_ =	strace $0xD0000000  }
0x3: {  	_ = 	snop  }
0x4: {  	_ = 	snop  }
0x5: {  	_ = 	snop  }
0x6: {  	_ = 	snop  }
0x7: {  	_ = 	snop  }
__scs_overlays_trampoline_lowered:
0x8: {  	[smem:$0x3FA7] =	sst s0  }
0x9: {  	[smem:$0x3FA8] =	sst s1  }
0xa: {  	[smem:$0x3FA9] =	sst s2  }
0xb: {  	[smem:$0x3FAA] =	sst s3  }
0xc: {  	[smem:$0x3FAB] =	sst s4  }
0xd: {  	[smem:$0x3FAC] =	sst s5  }
0xe: {  	[smem:$0x3FAD] =	sst s6  }
0xf: {  	[smem:$0x3FAE] =	sst s7  }
0x10: {  	[smem:$0x3FAF] =	sst s8  }
0x11: {  	[smem:$0x3FB0] =	sst s9;
	s0 =	simm.s32 @!p0 $0x0  }
0x12: {  	s1 =	sld [smem:$0x3F96];
	s0 =	simm.s32 @p0 $0x1  }
0x13: {  	[smem:$0x3FB1] =	sst s0;
	s0 =	simm.s32 @!p1 $0x0  }
0x14: {  	s2 =	sld [smem:$0x3F95];
	s0 =	simm.s32 @p1 $0x1  }
0x15: {  	[smem:$0x3FB2] =	sst s0;
	s0 =	simm.s32 @!p2 $0x0  }
0x16: {  	s3 =	sld [smem:$0x3FDB];
	s0 =	simm.s32 @p2 $0x1  }
0x17: {  	s4 =	simm.s32 $0x1BF5;
	[smem:$0x3FB4] =	sst s0  }
0x18: {  	s0 =	sld [smem:$0x3F97];
	_ =	swait.ge [sflag:s4], $0x0  }
0x19: {  	s7 =	sld [smem:$0x3F98]  }
0x1a: {  	s8 =	sadd.s32 $0xFFFFE003, lr  }
0x1b: {  	s9 =	sadd.s32 $0xFFFFFEF7, lr;
	s5 =	simm.s32 $0xFFFFFFFF;
	p2 =	slt.u32 s8, $0xFFFFF086  }
0x1c: {  	p1 =	slt.u32 s9, $0xF7A;
	s5 =	simm.s32 @!p2 $0x0  }
0x1d: {  	s5 =	simm.s32 @p1 $0x1;
	p0 =	seq.s32 s7, s2  }
0x1e: {  	s7 =	smul.u32 @!p0 $0xF7A, s2;
	p2 =	seq.s32 @!p0 s5, $0x0  }
0x1f: {  	s9 =	smul.u32 $0xF7A, s1;
	s8 =	simm.s32 @!p0 $0x1BF5;
	p2 =	por !p2, p0  }
0x20: {  	[sflag:s8] =	ssyncset.s32 @!p0 $0xFFFFF086;
	s6 =	sadd.s32 @!p0 s3, s7;
	s7 =	simm.s32 @!p0 $0x108  }
0x21: {  	s3 =	sadd.s32 s3, s9;
	s6 =	sadd.s32 @!p0 $0x88, s6;
	s7 =	simm.s32 @p2 $0x1082  }
0x22: {  	[simem:s7], [sflag:s8] =	dma.local @!p0 [hbm:s6], $0xF7A  }
0x23: {  	s9 =	sor.u32 $0xD0000000, s2;
	s6 =	simm.s32 $0x108;
	_ =	swait.ge @!p0 [sflag:s8], $0x0  }
0x24: {  	s3 =	sadd.s32 $0x88, s3;
	s6 =	simm.s32 @!p1 $0x1082;
	[sflag:s4] =	ssyncset.s32 $0xFFFFF086  }
0x25: {  	[simem:s6], [sflag:s4] =	dma.local [hbm:s3], $0xF7A  }
0x26: {  	[smem:$0x3F98] =	sst s1;
	(tag) =	ssettag s2;
	_ =	strace s9  }
0x27: {  	s1 =	sld [smem:$0x3FA8]  }
0x28: {  	s2 =	sld [smem:$0x3FA9]  }
0x29: {  	s4 =	sld [smem:$0x3FAB]  }
0x2a: {  	p0 =	seq.s32 s5, $0x0;
	s5 =	sld [smem:$0x3FAC]  }
0x2b: {  	s6 =	sld [smem:$0x3FAD]  }
0x2c: {  	s7 =	sld [smem:$0x3FAE]  }
0x2d: {  	s3 =	simm.s32 $0x108;
	s8 =	sld [smem:$0x3FAF]  }
0x2e: {  	s3 =	simm.s32 @!p0 $0x1082;
	s9 =	sld [smem:$0x3FB0]  }
0x2f: {  	lr =	sadd.s32 s0, s3;
	s0 =	sld [smem:$0x3FA7]  }
0x30: {  	s3 =	sld [smem:$0x3FAA]  }
0x31: {  	[smem:$0x3FB3] =	sst s10  }
0x32: {  	s10 =	sld [smem:$0x3FB1];
	_ =	sdelay $0x3  }
0x33: {  	p0 =	seq.s32 s10, $0x1;
	s10 =	sld [smem:$0x3FB3];
	_ =	sdelay $0x3  }
0x34: {  	[smem:$0x3FB3] =	sst s10  }
0x35: {  	s10 =	sld [smem:$0x3FB2];
	_ =	sdelay $0x3  }
0x36: {  	p1 =	seq.s32 s10, $0x1;
	s10 =	sld [smem:$0x3FB3];
	_ =	sdelay $0x3  }
0x37: {  	[smem:$0x3FB3] =	sst s10  }
0x38: {  	s10 =	sld [smem:$0x3FB4]  }
0x39: {  	_ = 	snop;
	(pc) =	sbr.ind lr, $3  }
0x3a: {  	_ = 	snop  }
0x3b: {  	_ = 	snop  }
0x3c: {  	p2 =	seq.s32 s10, $0x1;
	s10 =	sld [smem:$0x3FB3]  }
0x3d: {  	_ =	shalt  }
0x3e: {  	_ =	shalt  }
0x3f: {  	_ =	shalt  }
0x40: {  	_ =	shalt  }
0x41: {  	_ =	shalt  }
0x42: {  	_ =	shalt  }
0x43: {  	_ =	shalt  }
0x44: {  	_ =	shalt  }
0x45: {  	_ =	shalt  }
0x46: {  	_ =	shalt  }
0x47: {  	_ =	shalt  }
0x48: {  	_ =	shalt  }
0x49: {  	_ =	shalt  }
0x4a: {  	_ =	shalt  }
0x4b: {  	_ =	shalt  }
0x4c: {  	_ =	shalt  }
0x4d: {  	_ =	shalt  }
0x4e: {  	_ =	shalt  }
0x4f: {  	_ =	shalt  }
0x50: {  	_ =	shalt  }
0x51: {  	_ =	shalt  }
0x52: {  	_ =	shalt  }
0x53: {  	_ =	shalt  }
0x54: {  	_ =	shalt  }
0x55: {  	_ =	shalt  }
0x56: {  	_ =	shalt  }
0x57: {  	_ =	shalt  }
0x58: {  	_ =	shalt  }
0x59: {  	_ =	shalt  }
0x5a: {  	_ =	shalt  }
0x5b: {  	_ =	shalt  }
0x5c: {  	_ =	shalt  }
0x5d: {  	_ =	shalt  }
0x5e: {  	_ =	shalt  }
0x5f: {  	_ =	shalt  }
0x60: {  	_ =	shalt  }
0x61: {  	_ =	shalt  }
0x62: {  	_ =	shalt  }
0x63: {  	_ =	shalt  }
0x64: {  	_ =	shalt  }
0x65: {  	_ =	shalt  }
0x66: {  	_ =	shalt  }
0x67: {  	_ =	shalt  }
0x68: {  	_ =	shalt  }
0x69: {  	_ =	shalt  }
0x6a: {  	_ =	shalt  }
0x6b: {  	_ =	shalt  }
0x6c: {  	_ =	shalt  }
0x6d: {  	_ =	shalt  }
0x6e: {  	_ =	shalt  }
0x6f: {  	_ =	shalt  }
0x70: {  	_ =	shalt  }
0x71: {  	_ =	shalt  }
0x72: {  	_ =	shalt  }
0x73: {  	_ =	shalt  }
0x74: {  	_ =	shalt  }
0x75: {  	_ =	shalt  }
0x76: {  	_ =	shalt  }
0x77: {  	_ =	shalt  }
0x78: {  	_ =	shalt  }
0x79: {  	_ =	shalt  }
0x7a: {  	_ =	shalt  }
0x7b: {  	_ =	shalt  }
0x7c: {  	_ =	shalt  }
0x7d: {  	_ =	shalt  }
0x7e: {  	_ =	shalt  }
0x7f: {  	_ =	shalt  }
0x80: {  	_ =	shalt  }
0x81: {  	_ =	shalt  }
0x82: {  	_ =	shalt  }
0x83: {  	_ =	shalt  }
0x84: {  	_ =	shalt  }
0x85: {  	_ =	shalt  }
0x86: {  	_ =	shalt  }
0x87: {  	_ =	shalt  }
.Lfunc_end0:
.L_simem_size_0:
called_computation.2_lowered:
.L_overlay_start_0:
0x88: {  	s2 =	sld [smem:$0x3FD9]  }
0x89: {  	s3 =	sld [smem:$0x3FFE];
	_ =	sdelay $0x1  }
0x8a: {  	s1 =	srdreg.scid  }
0x8b: {  	s0 =	sand.u32 $0x1, s1  }
0x8c: {  	s17 =	sshll.u32 s0, $0xA;
	s2 =	sadd.s32 s3, s2  }
0x8d: {  	s2 =	sadd.s32 s2, s17  }
0x8e: {  	[smem:$0x3FBF] =	sst s2  }
0x8f: {  	_ = 	snop  }
0x90: {  	s2 =	sld [smem:$0x3FD0];
	(tm) =	ssettm $0x1  }
0x91: {  	s18 =	sld [smem:$0x3FFB];
	_ =	sdelay $0x3  }
0x92: {  	_ =	strace s18  }
0x93: {  	s3 =	sld [smem:$0x3FFC];
	_ =	sdelay $0x3  }
0x94: {  	_ =	strace s3  }
0x95: {  	s3 =	sld [smem:$0x3FFD];
	_ =	sdelay $0x3  }
0x96: {  	_ =	strace s3  }
0x97: {  	_ =	strace $0x8FFFFFFF  }
0x98: {  	s19 =	sld [smem:$0x3FDB];
	_ =	sdelay $0x1  }
0x99: {  	s4 =	simm.s32 $_scs_section_size  }
0x9a: {  	s5 =	simm.s32 $_size__tile_overlayer_lowered;
	s6 =	simm.s32 $_tile_overlayer_lowered  }
0x9b: {  	s22 =	simm.s32 $0x1BFF;
	s21 =	sshll.u32 s6, $0x1;
	s3 =	sadd.s32 s4, s19  }
0x9c: {  	s7 =	simm.s32 $0x0;
	s20 =	sshll.u32 s5, $0x1;
	s5 =	sadd.s32 s21, s3  }
0x9d: {  	[timem:s7], [sflag:s22] =	dma.local [hbm:s5], s20  }
0x9e: {  	_ =	swait.ge [sflag:s22], s20  }
0x9f: {  	s4 =	ssub.s32 $0x0, s20;
	[sflag:s22] =	ssyncset.done $0x0  }
0xa0: {  	[sflag:s22] =	ssyncadd.s32 s4;
	_ =	sdelay $0x1  }
0xa1: {  	s23 =	simm.s32 $0x1B8B  }
0xa2: {  	_ =	swait.ge [sflag:s23], $0x1  }
0xa3: {  	[sflag:s23] =	ssyncset.done $0x0  }
0xa4: {  	s25 =	simm.s32 $0x1B8E;
	s24 =	sld [smem:$0x3FFE];
	[sflag:s23] =	ssyncadd.s32 $0xFFFFFFFF  }
0xa5: {  	s26 =	simm.s32 $execute0_lowered;
	[smem:$0x3FD2] =	sst s25  }
0xa6: {  	s5 =	sshll.u32 s26, $0x1;
	_ =	strace $0x8000004C;
	[dreg:$0x1] =	wrdreg $0xFFFFFFFF  }
0xa7: {  	s28 =	simm.s32 $_size_execute0_lowered;
	s3 =	sadd.s32 s3, s5;
	[dreg:$0x0] =	wrdreg $0x0  }
0xa8: {  	s5 =	sshll.u32 s28, $0x1;
	[dreg:$0x2] =	wrdreg s3  }
0xa9: {  	[dreg:$0x3] =	wrdreg s5  }
0xaa: {  	[dreg:$0x4] =	wrdreg $0xC0  }
0xab: {  	_ =	task [dreg:s7], $0x5FFFF  }
0xac: {  	[dreg:$0x1] =	wrdreg $0xFFFFFFFF  }
0xad: {  	[dreg:$0x0] =	wrdreg $0x60  }
0xae: {  	[dreg:$0x2] =	wrdreg s24  }
0xaf: {  	[dreg:$0x3] =	wrdreg s2  }
0xb0: {  	[dreg:$0x4] =	wrdreg $0xBC000  }
0xb1: {  	[dreg:$0x5] =	wrdreg $0x9  }
0xb2: {  	_ =	task.clear_ibuf [dreg:s7], $0x6FFFF;
	_ =	strace $0x9000004C  }
0xb3: {  	s29 =	simm.s32 $0x9;
	_ =	strace $0x8000004E  }
0xb4: {  	_ =	swait.ge [sflag:s29], $0x1  }
0xb5: {  	[sflag:s29] =	ssyncadd.s32 $0xFFFFFFFF  }
0xb6: {  	_ =	strace $0x9000004E  }
0xb7: {  	_ =	sfence  }
0xb8: {  	s30 =	sld [smem:$0x0];
	_ =	sdelay $0x2  }
0xb9: {  	s31 =	sshll.u32 s1, $0xD;
	s1 =	sshrl.u32 s1, $0x2  }
0xba: {  	s3 =	sand.u32 $0x4000, s31;
	s1 =	sadd.s32 s1, s30  }
0xbb: {  	s0 =	sor.u32 s3, s0;
	s1 =	sshll.u32 s1, $0x11  }
0xbc: {  	s0 =	sor.u32 s1, s0  }
0xbd: {  	s0 =	sadd.s32 $0x8F2B, s0  }
0xbe: {  	[sflag:s0] =	ssyncadd.remote.s32 $0x1  }
0xbf: {  	_ =	sfence.sel $0xFFFF  }
0xc0: {  	[dreg:$0x0] =	wrdreg $0xFFFFFFFF;
	(pc) =	sbr.abs _section_cstart, $3  }
0xc1: {  	[dreg:$0x1] =	wrdreg $0xFFFFFFFF  }
0xc2: {  	_ =	task.clear_ibuf [dreg:s7], $0x2FFFF;
	_ =	strace $0x9FFFFFFF  }
0xc3: {  	(tm) =	ssettm $0x7FFFFFFF  }
tec
execute0_lowered:
.L_overlay_start_1:
0x0: {  	(tag) =	ssettag $0x1  }
0x1: {  	s1 =	srdreg.scid;
	s5 =	rddreg [dreg:$0x0]  }
0x2: {  	s0 =	stileid.u32;
	s7 =	rddreg [dreg:$0x1]  }
0x3: {  	s2 =	rddreg [dreg:$0x2];
	s3 =	simm.s32 $0x0;
	s16 =	simm.s32 $0x1400  }
0x4: {  	s17 =	simm.s32 $0x80;
	s18 =	simm.s32 $0x400;
	s19 =	simm.s32 $0x2800  }
0x5: {  	s20 =	simm.s32 $0x3C00;
	s21 =	simm.s32 $0x1;
	s22 =	simm.s32 $0x7C00  }
0x6: {  	s23 =	simm.s32 $0x2;
	s24 =	simm.s32 $0x0;
	s12 =	smul.u32 $0x14000, s0  }
0x7: {  	s6 =	sand.u32 $0x1, s1;
	s9 =	sshrl.u32 s0, $0x2;
	s29 =	smul.u32 $0x50000, s0  }
0x8: {  	s28 =	sshll.u32 s0, $0x1;
	s1 =	rddreg [dreg:$0x3];
	s9 =	smul.u32 $0xA000, s9  }
0x9: {  	[smem:$0x7FF] =	sst s3;
	s4 =	sor.u32 s6, s28;
	s10 =	smul.u32 $0x140000, s6  }
0xa: {  	_ =	strace $0x8000004D;
	s6 =	ssub.s32 $0x2, s6;
	s8 =	smul.u32 $0x280, s4  }
0xb: {  	s4 =	sshll.u32 s4, $0x7;
	s30 =	sshrl.u32 s6, $0x1;
	s31 =	sshrl.u32 s29, $0x2  }
0xc: {  	s11 =	sand.u32 $0x380, s4;
	s4 =	sadd.s32 $0x149E00, s5;
	s10 =	sadd.s32 s12, s10  }
0xd: {  	s15 =	ssub.s32 s6, s30;
	s6 =	sadd.s32 s31, s2;
	s13 =	sadd.s32 s8, s5  }
0xe: {  	s9 =	sor.u32 s9, s11;
	s10 =	sshrl.u32 s10, $0x3;
	s11 =	sadd.s32 $0xC000, s6  }
0xf: {  	s12 =	sadd.s32 $0x10000, s6;
	s9 =	sshrl.u32 s9, $0x3;
	s14 =	sadd.s32 s10, s5  }
0x10: {  	s10 =	sadd.s32 $0x8000, s6;
	s9 =	sadd.s32 s9, s5;
	s5 =	sadd.s32 s7, s8  }
0x11: {  	s7 =	sadd.s32 $0xC600, s13;
	s13 =	sadd.s32 $0x11600, s14;
	s14 =	smax.u32 s15, $0x1  }
0x12: {  	v0 =	vimm.f32 $0.0e+00;
	s15 =	simm.s32 $0x3;
	s8 =	sadd.s32 $0x7600, s9;
	s9 =	sadd.s32 $0x4000, s6  }
.LBB2_1:
0x13: {  	[tilespmem:s3], [sflag:$0x3] =	stream.linear.gather [hbm4b:s5+s3], $0x1400, $0x38;
	[tilespmem:$0x1FC00] =	vst v63  }
0x14: {  	_ =	swait.ge [sflag:s15], $0x1400  }
0x15: {  	[sflag:s15] =	ssyncset.done $0x0  }
0x16: {  	[sflag:s15] =	ssyncadd.s32 $0xFFFFEC00  }
0x17: {  	[tilespmem:s16], [sflag:$0x3] =	stream.linear.gather [hbm4b:s7+s3], $0x1400, $0x38;
	[tilespmem:$0x1FC00] =	vst v63  }
0x18: {  	_ =	swait.ge [sflag:s15], $0x1400  }
0x19: {  	[sflag:s15] =	ssyncset.done $0x0  }
0x1a: {  	[sflag:s15] =	ssyncadd.s32 $0xFFFFEC00  }
0x1b: {  	[tilespmem:s19], [sflag:$0x3] =	stream.strided.gather [hbm4b:s8+s17], $0x1400, s18, s17, $0x38;
	[tilespmem:$0x1FC00] =	vst v63  }
0x1c: {  	_ =	swait.ge [sflag:s15], $0x1400  }
0x1d: {  	[sflag:s15] =	ssyncset.done $0x0  }
0x1e: {  	s25 =	simm.s32 $0x0;
	s26 =	simm.s32 $0x200;
	[sflag:s15] =	ssyncadd.s32 $0xFFFFEC00  }
.LBB2_2:
0x1f: {  	p0 =	sne.s32 s26, $0xFE00;
	[tilespmem:s25+$0x3C70] =	vst v0  }
0x20: {  	[tilespmem:s25+$0x3C00] =	vst v0  }
0x21: {  	[tilespmem:s25+$0x3C10] =	vst v0  }
.Ltmp0:
0x22: {  	[tilespmem:s25+$0x3C20] =	vst v0;
	(pc) =	sbr.rel @p0 .LBB2_2-.Ltmp0, $4  }
0x23: {  	[tilespmem:s25+$0x3C30] =	vst v0  }
0x24: {  	[tilespmem:s25+$0x3C40] =	vst v0  }
0x25: {  	[tilespmem:s25+$0x3C50] =	vst v0  }
0x26: {  	[tilespmem:s25+$0x3C60] =	vst v0;
	s25 =	sshra.s32 s26, $0x2;
	s26 =	sadd.s32 $0x200, s26  }
0x27: {  	[tilespmem:s25+$0x3C70] =	vst v0  }
0x28: {  	[tilespmem:s25+$0x3C00] =	vst v0  }
0x29: {  	[tilespmem:s25+$0x3C10] =	vst v0  }
0x2a: {  	[tilespmem:s25+$0x3C20] =	vst v0  }
0x2b: {  	[tilespmem:s25+$0x3C30] =	vst v0  }
0x2c: {  	[tilespmem:s25+$0x3C40] =	vst v0  }
0x2d: {  	[tilespmem:s25+$0x3C50] =	vst v0  }
0x2e: {  	[tilespmem:s25+$0x3C60] =	vst v0  }
0x2f: {  	[spmem:s6] =	stream.linear.scatter [tilespmem:s20], [sflag:$0x3], $0x4000, $0x38;
	[tilespmem:$0x1FC00] =	vst v63  }
0x30: {  	_ =	swait.ge [sflag:s15], $0x4000  }
0x31: {  	[sflag:s15] =	ssyncset.done $0x0  }
0x32: {  	[sflag:s15] =	ssyncadd.s32 $0xFFFFC000  }
0x33: {  	[spmem:s9] =	stream.linear.scatter [tilespmem:s20], [sflag:$0x3], $0x4000, $0x38;
	[tilespmem:$0x1FC00] =	vst v63  }
0x34: {  	_ =	swait.ge [sflag:s15], $0x4000  }
0x35: {  	[sflag:s15] =	ssyncset.done $0x0  }
0x36: {  	[sflag:s15] =	ssyncadd.s32 $0xFFFFC000  }
0x37: {  	[spmem:s10] =	stream.linear.scatter [tilespmem:s20], [sflag:$0x3], $0x4000, $0x38;
	[tilespmem:$0x1FC00] =	vst v63  }
0x38: {  	_ =	swait.ge [sflag:s15], $0x4000  }
0x39: {  	[sflag:s15] =	ssyncset.done $0x0  }
0x3a: {  	[sflag:s15] =	ssyncadd.s32 $0xFFFFC000  }
0x3b: {  	[spmem:s11] =	stream.linear.scatter [tilespmem:s20], [sflag:$0x3], $0x4000, $0x38;
	[tilespmem:$0x1FC00] =	vst v63  }
0x3c: {  	_ =	swait.ge [sflag:s15], $0x4000  }
0x3d: {  	[sflag:s15] =	ssyncset.done $0x0  }
0x3e: {  	[sflag:s15] =	ssyncadd.s32 $0xFFFFC000  }
0x3f: {  	[spmem:s12] =	stream.linear.scatter [tilespmem:s20], [sflag:$0x3], $0x4000, $0x38;
	[tilespmem:$0x1FC00] =	vst v63  }
0x40: {  	_ =	swait.ge [sflag:s15], $0x4000  }
0x41: {  	[sflag:s15] =	ssyncset.done $0x0  }
0x42: {  	[sflag:s15] =	ssyncadd.s32 $0xFFFFC000  }
0x43: {  	s25 =	simm.s32 $0x0;
	[bflag:$0x0] =	sbarrier.arrive $0xFFFF  }
0x44: {  	[tilespmem:s20], [sflag:$0x1] =	stream.indirect.gather [hbm4b:s4+s17], $0x80, s25, s17, $0xb8;
	[tilespmem:$0x1FC00] =	vst v63  }
.LBB2_4:
0x45: {  	s26 =	sshll.u32 s25, $0x8  }
0x46: {  	_ =	swait.ge [sflag:s21], $0x4000;
	v1 =	vmov s26  }
0x47: {  	[sflag:s21] =	ssyncset.done $0x0  }
0x48: {  	s28 =	simm.s32 $0x0;
	s26 =	sor.u32 $0x80, s26;
	[sflag:s21] =	ssyncadd.s32 $0xFFFFC000  }
0x49: {  	[tilespmem:s22], [sflag:$0x2] =	stream.indirect.gather [hbm4b:s4+s17], $0x80, s26, s17, $0xb8;
	[tilespmem:$0x1FC00] =	vst v63  }
0x4a: {  	v8 =	vld [tilespmem:s28+$0x3C70]  }
0x4b: {  	v2 =	vld.idx.msk [tilespmem:v1+s19+$0x0], $0xffff  }
0x4c: {  	v7 =	vld [tilespmem:s28+$0x3C20]  }
0x4d: {  	v6 =	vld [tilespmem:s28+$0x3C50]  }
0x4e: {  	v4 =	vld [tilespmem:s28+$0x3C60]  }
0x4f: {  	v5 =	vld [tilespmem:s28+$0x3C40]  }
0x50: {  	s29 =	simm.s32 $0x200;
	v3 =	vld [tilespmem:s28+$0x3C10];
	v8 =	vmul.f32 v8, v2  }
.LBB2_5:
0x51: {  	p0 =	sne.s32 s29, $0xFE00;
	v7 =	vmul.f32 v7, v2;
	v9 =	vld [tilespmem:s28+$0x3C30];
	v1 =	vadd.s32 $0x1, v1;
	s30 =	smov.u32 s29;
	s29 =	sadd.s32 $0x200, s29  }
0x52: {  	v10 =	vld [tilespmem:s28+$0x3C00];
	v6 =	vmul.f32 v6, v2;
	[tilespmem:s28+$0x3C70] =	vst v8  }
0x53: {  	[tilespmem:s28+$0x3C20] =	vst v7;
	v4 =	vmul.f32 v4, v2  }
0x54: {  	v5 =	vmul.f32 v5, v2;
	[tilespmem:s28+$0x3C50] =	vst v6  }
0x55: {  	v3 =	vmul.f32 v3, v2;
	[tilespmem:s28+$0x3C60] =	vst v4  }
0x56: {  	v4 =	vmul.f32 v9, v2;
	[tilespmem:s28+$0x3C40] =	vst v5  }
0x57: {  	v2 =	vmul.f32 v10, v2;
	[tilespmem:s28+$0x3C10] =	vst v3  }
0x58: {  	[tilespmem:s28+$0x3C30] =	vst v4  }
0x59: {  	[tilespmem:s28+$0x3C00] =	vst v2;
	s28 =	sshra.s32 s30, $0x2  }
0x5a: {  	v2 =	vld.idx.msk [tilespmem:v1+s19+$0x0], $0xffff  }
0x5b: {  	v8 =	vld [tilespmem:s28+$0x3C70]  }
.Ltmp1:
0x5c: {  	v7 =	vld [tilespmem:s28+$0x3C20];
	(pc) =	sbr.rel @p0 .LBB2_5-.Ltmp1, $4  }
0x5d: {  	v6 =	vld [tilespmem:s28+$0x3C50]  }
0x5e: {  	v4 =	vld [tilespmem:s28+$0x3C60]  }
0x5f: {  	v5 =	vld [tilespmem:s28+$0x3C40]  }
0x60: {  	v3 =	vld [tilespmem:s28+$0x3C10];
	v8 =	vmul.f32 v8, v2  }
0x61: {  	v1 =	vld [tilespmem:s28+$0x3C30];
	v7 =	vmul.f32 v7, v2  }
0x62: {  	v9 =	vld [tilespmem:s28+$0x3C00];
	v6 =	vmul.f32 v6, v2;
	[tilespmem:s28+$0x3C70] =	vst v8  }
0x63: {  	[tilespmem:s28+$0x3C20] =	vst v7;
	v4 =	vmul.f32 v4, v2  }
0x64: {  	v5 =	vmul.f32 v5, v2;
	[tilespmem:s28+$0x3C50] =	vst v6  }
0x65: {  	v3 =	vmul.f32 v3, v2;
	[tilespmem:s28+$0x3C60] =	vst v4  }
0x66: {  	v1 =	vmul.f32 v1, v2;
	[tilespmem:s28+$0x3C40] =	vst v5  }
0x67: {  	s29 =	sshll.u32 s25, $0xA;
	v2 =	vmul.f32 v9, v2;
	[tilespmem:s28+$0x3C10] =	vst v3  }
0x68: {  	s30 =	sshrl.u32 s29, $0x2;
	[tilespmem:s28+$0x3C30] =	vst v1  }
0x69: {  	[tilespmem:s28+$0x3C00] =	vst v2;
	s28 =	sadd.s32 $0x1400, s30  }
0x6a: {  	[spmem:s2] =	stream.indirect.scatter.add.f32 [tilespmem:s20], [sflag:$0x3], $0x80, s28, s17, $0xb8;
	[tilespmem:$0x1FC00] =	vst v63  }
0x6b: {  	_ =	swait.ge [sflag:s15], $0x4000  }
0x6c: {  	[sflag:s15] =	ssyncset.done $0x0  }
0x6d: {  	v1 =	vmov s26;
	[sflag:s15] =	ssyncadd.s32 $0xFFFFC000  }
0x6e: {  	p0 =	seq.s32 s25, $0x13;
	_ =	swait.ge [sflag:s23], $0x4000  }
0x6f: {  	s30 =	simm.s32 @!p0 $0x3C00;
	s28 =	sshrl.u32 @!p0 s29, $0x2;
	[sflag:s23] =	ssyncset.done $0x0  }
0x70: {  	s29 =	simm.s32 @!p0 $0x80;
	s28 =	sadd.s32 @!p0 $0x100, s28;
	[sflag:s23] =	ssyncadd.s32 $0xFFFFC000  }
0x71: {  	[tilespmem:s30], [sflag:$0x1] =	stream.indirect.gather @!p0 [hbm4b:s4+s29], $0x80, s28, s29, $0xb8;
	[tilespmem:$0x1FC00] =	vst v63  }
0x72: {  	s28 =	simm.s32 $0x0;
	v2 =	vld.idx.msk [tilespmem:v1+s19+$0x0], $0xffff  }
0x73: {  	v8 =	vld [tilespmem:s28+$0x7C70]  }
0x74: {  	v7 =	vld [tilespmem:s28+$0x7C20]  }
0x75: {  	v6 =	vld [tilespmem:s28+$0x7C50]  }
0x76: {  	v4 =	vld [tilespmem:s28+$0x7C60]  }
0x77: {  	v5 =	vld [tilespmem:s28+$0x7C40]  }
0x78: {  	s29 =	simm.s32 $0x200;
	v3 =	vld [tilespmem:s28+$0x7C10];
	v8 =	vmul.f32 v8, v2  }
.LBB2_7:
0x79: {  	p0 =	sne.s32 s29, $0xFE00;
	v7 =	vmul.f32 v7, v2;
	v9 =	vld [tilespmem:s28+$0x7C30];
	v1 =	vadd.s32 $0x1, v1;
	s30 =	smov.u32 s29;
	s29 =	sadd.s32 $0x200, s29  }
0x7a: {  	v10 =	vld [tilespmem:s28+$0x7C00];
	v6 =	vmul.f32 v6, v2;
	[tilespmem:s28+$0x7C70] =	vst v8  }
0x7b: {  	[tilespmem:s28+$0x7C20] =	vst v7;
	v4 =	vmul.f32 v4, v2  }
0x7c: {  	v5 =	vmul.f32 v5, v2;
	[tilespmem:s28+$0x7C50] =	vst v6  }
0x7d: {  	v3 =	vmul.f32 v3, v2;
	[tilespmem:s28+$0x7C60] =	vst v4  }
0x7e: {  	v4 =	vmul.f32 v9, v2;
	[tilespmem:s28+$0x7C40] =	vst v5  }
0x7f: {  	v2 =	vmul.f32 v10, v2;
	[tilespmem:s28+$0x7C10] =	vst v3  }
0x80: {  	[tilespmem:s28+$0x7C30] =	vst v4  }
0x81: {  	[tilespmem:s28+$0x7C00] =	vst v2;
	s28 =	sshra.s32 s30, $0x2  }
0x82: {  	v2 =	vld.idx.msk [tilespmem:v1+s19+$0x0], $0xffff  }
0x83: {  	v8 =	vld [tilespmem:s28+$0x7C70]  }
.Ltmp2:
0x84: {  	v7 =	vld [tilespmem:s28+$0x7C20];
	(pc) =	sbr.rel @p0 .LBB2_7-.Ltmp2, $4  }
0x85: {  	v6 =	vld [tilespmem:s28+$0x7C50]  }
0x86: {  	v4 =	vld [tilespmem:s28+$0x7C60]  }
0x87: {  	v5 =	vld [tilespmem:s28+$0x7C40]  }
0x88: {  	v3 =	vld [tilespmem:s28+$0x7C10];
	v8 =	vmul.f32 v8, v2  }
0x89: {  	v1 =	vld [tilespmem:s28+$0x7C30];
	v7 =	vmul.f32 v7, v2  }
0x8a: {  	v9 =	vld [tilespmem:s28+$0x7C00];
	v6 =	vmul.f32 v6, v2;
	[tilespmem:s28+$0x7C70] =	vst v8  }
0x8b: {  	[tilespmem:s28+$0x7C20] =	vst v7;
	v4 =	vmul.f32 v4, v2  }
0x8c: {  	v5 =	vmul.f32 v5, v2;
	[tilespmem:s28+$0x7C50] =	vst v6  }
0x8d: {  	v3 =	vmul.f32 v3, v2;
	[tilespmem:s28+$0x7C60] =	vst v4  }
0x8e: {  	v1 =	vmul.f32 v1, v2;
	[tilespmem:s28+$0x7C40] =	vst v5  }
0x8f: {  	s25 =	sadd.s32 $0x1, s25;
	v2 =	vmul.f32 v9, v2;
	[tilespmem:s28+$0x7C10] =	vst v3  }
0x90: {  	p0 =	sne.s32 s25, $0x14;
	[tilespmem:s28+$0x7C30] =	vst v1  }
.Ltmp3:
0x91: {  	s26 =	sadd.s32 $0x1400, s26;
	[tilespmem:s28+$0x7C00] =	vst v2;
	(pc) =	sbr.rel @p0 .LBB2_4-.Ltmp3, $4  }
0x92: {  	[spmem:s2] =	stream.indirect.scatter.add.f32 [tilespmem:s22], [sflag:$0x3], $0x80, s26, s17, $0xb8;
	[tilespmem:$0x1FC00] =	vst v63  }
0x93: {  	_ =	swait.ge [sflag:s15], $0x4000  }
0x94: {  	[sflag:s15] =	ssyncset.done $0x0  }
0x95: {  	[sflag:s15] =	ssyncadd.s32 $0xFFFFC000  }
0x96: {  	s24 =	sadd.s32 $0x1, s24  }
0x97: {  	s25 =	sshll.u32 s0, $0x6;
	[bflag:$0x0] =	sbarrier.arrive $0xFFFF;
	p0 =	sne.s32 s24, s14  }
.Ltmp4:
0x98: {  	s26 =	sshrl.u32 s6, $0x3;
	s25 =	sor.u32 $0x1C03, s25;
	(pc) =	sbr.rel @p0 .LBB2_1-.Ltmp4, $4  }
0x99: {  	[hbm:s13], [sflag:s25] =	dma.local [spmem:s26], $0x2800  }
0x9a: {  	_ =	swait.ge [sflag:s15], $0x2800  }
0x9b: {  	[sflag:s15] =	ssyncset.done $0x0  }
0x9c: {  	[sflag:s15] =	ssyncadd.s32 $0xFFFFD800  }
0x9d: {  	_ =	sfence.sel $0x180000  }
0x9e: {  	[bflag:$0x0] =	sbarrier.arrive $0xFFFF  }
0x9f: {  	p0 =	sne.s32 s0, $0x0;
	_ =	strace $0x9000004D  }
0xa0: {  	s0 =	sadd.s32 @!p0 $0x100000, s1;
	[bflag:$0x2] =	sbarrier.arrive $0xFFFF  }
0xa1: {  	[sflag:s0] =	ssyncadd.tile.s32 @!p0 $0x1;
	_ =	shalt  }
.Lfunc_end2:
_tile_overlayer_lowered:
.L_overlay_start_2:
0xa2: {  	(tag) =	ssettag $0x2  }
0xa3: {  	s0 =	rddreg [dreg:$0x0];
	s2 =	stileid.u32  }
0xa4: {  	s1 =	rddreg [dreg:$0x1];
	p0 =	sne.s32 s2, $0x0  }
0xa5: {  	s3 =	rddreg [dreg:$0x2];
	[bflag:$0x3] =	sbarrier.arrive $0xFFFF;
	s2 =	simm.s32 @!p0 $0x1C03  }
0xa6: {  	[timem:s3], [sflag:s2] =	dma.local @!p0 [hbm:s0], s1  }
0xa7: {  	s0 =	simm.s32 @!p0 $0x3  }
0xa8: {  	_ =	swait.ge @!p0 [sflag:s0], s1  }
0xa9: {  	s1 =	ssub.s32 @!p0 $0x0, s1;
	[sflag:s0] =	ssyncset.done @!p0 $0x0  }
0xaa: {  	[sflag:s0] =	ssyncadd.s32 @!p0 s1  }
0xab: {  	[bflag:$0x3] =	sbarrier.arrive $0xFFFF  }
0xac: {  	_ =	shalt  }

// kernel: kernel.8.cloned.1.call-start
scs
__scs_entry_jumppad:
0x0: {  	(pc) =	sbr.rel $0x88, $3  }
0x1: {  	(tag) =	ssettag $0x0;
	lr =	simm.s32 $0x1  }
0x2: {  	[smem:$0x3F98] =	sst lr;
	_ =	strace $0xD0000000  }
0x3: {  	_ = 	snop  }
0x4: {  	_ = 	snop  }
0x5: {  	_ = 	snop  }
0x6: {  	_ = 	snop  }
0x7: {  	_ = 	snop  }
__scs_overlays_trampoline_lowered:
0x8: {  	[smem:$0x3FA7] =	sst s0  }
0x9: {  	[smem:$0x3FA8] =	sst s1  }
0xa: {  	[smem:$0x3FA9] =	sst s2  }
0xb: {  	[smem:$0x3FAA] =	sst s3  }
0xc: {  	[smem:$0x3FAB] =	sst s4  }
0xd: {  	[smem:$0x3FAC] =	sst s5  }
0xe: {  	[smem:$0x3FAD] =	sst s6  }
0xf: {  	[smem:$0x3FAE] =	sst s7  }
0x10: {  	[smem:$0x3FAF] =	sst s8  }
0x11: {  	[smem:$0x3FB0] =	sst s9;
	s0 =	simm.s32 @!p0 $0x0  }
0x12: {  	s1 =	sld [smem:$0x3F96];
	s0 =	simm.s32 @p0 $0x1  }
0x13: {  	[smem:$0x3FB1] =	sst s0;
	s0 =	simm.s32 @!p1 $0x0  }
0x14: {  	s2 =	sld [smem:$0x3F95];
	s0 =	simm.s32 @p1 $0x1  }
0x15: {  	[smem:$0x3FB2] =	sst s0;
	s0 =	simm.s32 @!p2 $0x0  }
0x16: {  	s3 =	sld [smem:$0x3FDB];
	s0 =	simm.s32 @p2 $0x1  }
0x17: {  	s4 =	simm.s32 $0x1BF5;
	[smem:$0x3FB4] =	sst s0  }
0x18: {  	s0 =	sld [smem:$0x3F97];
	_ =	swait.ge [sflag:s4], $0x0  }
0x19: {  	s7 =	sld [smem:$0x3F98]  }
0x1a: {  	s8 =	sadd.s32 $0xFFFFE003, lr  }
0x1b: {  	s9 =	sadd.s32 $0xFFFFFEF7, lr;
	s5 =	simm.s32 $0xFFFFFFFF;
	p2 =	slt.u32 s8, $0xFFFFF086  }
0x1c: {  	p1 =	slt.u32 s9, $0xF7A;
	s5 =	simm.s32 @!p2 $0x0  }
0x1d: {  	s5 =	simm.s32 @p1 $0x1;
	p0 =	seq.s32 s7, s2  }
0x1e: {  	s7 =	smul.u32 @!p0 $0xF7A, s2;
	p2 =	seq.s32 @!p0 s5, $0x0  }
0x1f: {  	s9 =	smul.u32 $0xF7A, s1;
	s8 =	simm.s32 @!p0 $0x1BF5;
	p2 =	por !p2, p0  }
0x20: {  	[sflag:s8] =	ssyncset.s32 @!p0 $0xFFFFF086;
	s6 =	sadd.s32 @!p0 s3, s7;
	s7 =	simm.s32 @!p0 $0x108  }
0x21: {  	s3 =	sadd.s32 s3, s9;
	s6 =	sadd.s32 @!p0 $0x88, s6;
	s7 =	simm.s32 @p2 $0x1082  }
0x22: {  	[simem:s7], [sflag:s8] =	dma.local @!p0 [hbm:s6], $0xF7A  }
0x23: {  	s9 =	sor.u32 $0xD0000000, s2;
	s6 =	simm.s32 $0x108;
	_ =	swait.ge @!p0 [sflag:s8], $0x0  }
0x24: {  	s3 =	sadd.s32 $0x88, s3;
	s6 =	simm.s32 @!p1 $0x1082;
	[sflag:s4] =	ssyncset.s32 $0xFFFFF086  }
0x25: {  	[simem:s6], [sflag:s4] =	dma.local [hbm:s3], $0xF7A  }
0x26: {  	[smem:$0x3F98] =	sst s1;
	(tag) =	ssettag s2;
	_ =	strace s9  }
0x27: {  	s1 =	sld [smem:$0x3FA8]  }
0x28: {  	s2 =	sld [smem:$0x3FA9]  }
0x29: {  	s4 =	sld [smem:$0x3FAB]  }
0x2a: {  	p0 =	seq.s32 s5, $0x0;
	s5 =	sld [smem:$0x3FAC]  }
0x2b: {  	s6 =	sld [smem:$0x3FAD]  }
0x2c: {  	s7 =	sld [smem:$0x3FAE]  }
0x2d: {  	s3 =	simm.s32 $0x108;
	s8 =	sld [smem:$0x3FAF]  }
0x2e: {  	s3 =	simm.s32 @!p0 $0x1082;
	s9 =	sld [smem:$0x3FB0]  }
0x2f: {  	lr =	sadd.s32 s0, s3;
	s0 =	sld [smem:$0x3FA7]  }
0x30: {  	s3 =	sld [smem:$0x3FAA]  }
0x31: {  	[smem:$0x3FB3] =	sst s10  }
0x32: {  	s10 =	sld [smem:$0x3FB1];
	_ =	sdelay $0x3  }
0x33: {  	p0 =	seq.s32 s10, $0x1;
	s10 =	sld [smem:$0x3FB3];
	_ =	sdelay $0x3  }
0x34: {  	[smem:$0x3FB3] =	sst s10  }
0x35: {  	s10 =	sld [smem:$0x3FB2];
	_ =	sdelay $0x3  }
0x36: {  	p1 =	seq.s32 s10, $0x1;
	s10 =	sld [smem:$0x3FB3];
	_ =	sdelay $0x3  }
0x37: {  	[smem:$0x3FB3] =	sst s10  }
0x38: {  	s10 =	sld [smem:$0x3FB4]  }
0x39: {  	_ = 	snop;
	(pc) =	sbr.ind lr, $3  }
0x3a: {  	_ = 	snop  }
0x3b: {  	_ = 	snop  }
0x3c: {  	p2 =	seq.s32 s10, $0x1;
	s10 =	sld [smem:$0x3FB3]  }
0x3d: {  	_ =	shalt  }
0x3e: {  	_ =	shalt  }
0x3f: {  	_ =	shalt  }
0x40: {  	_ =	shalt  }
0x41: {  	_ =	shalt  }
0x42: {  	_ =	shalt  }
0x43: {  	_ =	shalt  }
0x44: {  	_ =	shalt  }
0x45: {  	_ =	shalt  }
0x46: {  	_ =	shalt  }
0x47: {  	_ =	shalt  }
0x48: {  	_ =	shalt  }
0x49: {  	_ =	shalt  }
0x4a: {  	_ =	shalt  }
0x4b: {  	_ =	shalt  }
0x4c: {  	_ =	shalt  }
0x4d: {  	_ =	shalt  }
0x4e: {  	_ =	shalt  }
0x4f: {  	_ =	shalt  }
0x50: {  	_ =	shalt  }
0x51: {  	_ =	shalt  }
0x52: {  	_ =	shalt  }
0x53: {  	_ =	shalt  }
0x54: {  	_ =	shalt  }
0x55: {  	_ =	shalt  }
0x56: {  	_ =	shalt  }
0x57: {  	_ =	shalt  }
0x58: {  	_ =	shalt  }
0x59: {  	_ =	shalt  }
0x5a: {  	_ =	shalt  }
0x5b: {  	_ =	shalt  }
0x5c: {  	_ =	shalt  }
0x5d: {  	_ =	shalt  }
0x5e: {  	_ =	shalt  }
0x5f: {  	_ =	shalt  }
0x60: {  	_ =	shalt  }
0x61: {  	_ =	shalt  }
0x62: {  	_ =	shalt  }
0x63: {  	_ =	shalt  }
0x64: {  	_ =	shalt  }
0x65: {  	_ =	shalt  }
0x66: {  	_ =	shalt  }
0x67: {  	_ =	shalt  }
0x68: {  	_ =	shalt  }
0x69: {  	_ =	shalt  }
0x6a: {  	_ =	shalt  }
0x6b: {  	_ =	shalt  }
0x6c: {  	_ =	shalt  }
0x6d: {  	_ =	shalt  }
0x6e: {  	_ =	shalt  }
0x6f: {  	_ =	shalt  }
0x70: {  	_ =	shalt  }
0x71: {  	_ =	shalt  }
0x72: {  	_ =	shalt  }
0x73: {  	_ =	shalt  }
0x74: {  	_ =	shalt  }
0x75: {  	_ =	shalt  }
0x76: {  	_ =	shalt  }
0x77: {  	_ =	shalt  }
0x78: {  	_ =	shalt  }
0x79: {  	_ =	shalt  }
0x7a: {  	_ =	shalt  }
0x7b: {  	_ =	shalt  }
0x7c: {  	_ =	shalt  }
0x7d: {  	_ =	shalt  }
0x7e: {  	_ =	shalt  }
0x7f: {  	_ =	shalt  }
0x80: {  	_ =	shalt  }
0x81: {  	_ =	shalt  }
0x82: {  	_ =	shalt  }
0x83: {  	_ =	shalt  }
0x84: {  	_ =	shalt  }
0x85: {  	_ =	shalt  }
0x86: {  	_ =	shalt  }
0x87: {  	_ =	shalt  }
.Lfunc_end0:
.L_simem_size_0:
called_computation_lowered:
.L_overlay_start_0:
0x88: {  	s2 =	sld [smem:$0x3FD9]  }
0x89: {  	s3 =	sld [smem:$0x3FFE];
	_ =	sdelay $0x1  }
0x8a: {  	s1 =	srdreg.scid  }
0x8b: {  	s0 =	sand.u32 $0x1, s1  }
0x8c: {  	s16 =	sshll.u32 s0, $0xA;
	s2 =	sadd.s32 s3, s2  }
0x8d: {  	s2 =	sadd.s32 s2, s16  }
0x8e: {  	[smem:$0x3FBF] =	sst s2  }
0x8f: {  	_ = 	snop  }
0x90: {  	(tm) =	ssettm $0x1  }
0x91: {  	s17 =	sld [smem:$0x3FFB];
	_ =	sdelay $0x3  }
0x92: {  	_ =	strace s17  }
0x93: {  	s2 =	sld [smem:$0x3FFC];
	_ =	sdelay $0x3  }
0x94: {  	_ =	strace s2  }
0x95: {  	s2 =	sld [smem:$0x3FFD];
	_ =	sdelay $0x3  }
0x96: {  	_ =	strace s2  }
0x97: {  	_ =	strace $0x8FFFFFFF  }
0x98: {  	s18 =	sld [smem:$0x3FDB];
	_ =	sdelay $0x1  }
0x99: {  	s19 =	simm.s32 $_scs_section_size  }
0x9a: {  	s4 =	simm.s32 $_size__tile_overlayer_lowered;
	s5 =	simm.s32 $_tile_overlayer_lowered  }
0x9b: {  	s22 =	simm.s32 $0x1BFF;
	s21 =	sshll.u32 s5, $0x1;
	s2 =	sadd.s32 s19, s18  }
0x9c: {  	s6 =	simm.s32 $0x0;
	s20 =	sshll.u32 s4, $0x1;
	s4 =	sadd.s32 s21, s2  }
0x9d: {  	[timem:s6], [sflag:s22] =	dma.local [hbm:s4], s20  }
0x9e: {  	_ =	swait.ge [sflag:s22], s20  }
0x9f: {  	s3 =	ssub.s32 $0x0, s20;
	[sflag:s22] =	ssyncset.done $0x0  }
0xa0: {  	[sflag:s22] =	ssyncadd.s32 s3;
	_ =	sdelay $0x1  }
0xa1: {  	s23 =	simm.s32 $0x1B8B  }
0xa2: {  	_ =	swait.ge [sflag:s23], $0x1  }
0xa3: {  	[sflag:s23] =	ssyncset.done $0x0  }
0xa4: {  	s25 =	simm.s32 $0x1B8E;
	s24 =	sld [smem:$0x3FFE];
	[sflag:s23] =	ssyncadd.s32 $0xFFFFFFFF  }
0xa5: {  	s26 =	simm.s32 $execute0_lowered;
	[smem:$0x3FD2] =	sst s25  }
0xa6: {  	s4 =	sshll.u32 s26, $0x1;
	_ =	strace $0x80000046;
	[dreg:$0x1] =	wrdreg $0xFFFFFFFF  }
0xa7: {  	s28 =	simm.s32 $_size_execute0_lowered;
	s2 =	sadd.s32 s2, s4;
	[dreg:$0x0] =	wrdreg $0x0  }
0xa8: {  	s4 =	sshll.u32 s28, $0x1;
	[dreg:$0x2] =	wrdreg s2  }
0xa9: {  	[dreg:$0x3] =	wrdreg s4  }
0xaa: {  	[dreg:$0x4] =	wrdreg $0xC0  }
0xab: {  	_ =	task [dreg:s6], $0x5FFFF  }
0xac: {  	[dreg:$0x1] =	wrdreg $0xFFFFFFFF  }
0xad: {  	[dreg:$0x0] =	wrdreg $0x60  }
0xae: {  	[dreg:$0x2] =	wrdreg s24  }
0xaf: {  	[dreg:$0x3] =	wrdreg $0x3D000  }
0xb0: {  	[dreg:$0x4] =	wrdreg $0x9  }
0xb1: {  	_ =	task.clear_ibuf [dreg:s6], $0x5FFFF;
	_ =	strace $0x90000046  }
0xb2: {  	s29 =	simm.s32 $0x9;
	_ =	strace $0x80000048  }
0xb3: {  	_ =	swait.ge [sflag:s29], $0x1  }
0xb4: {  	[sflag:s29] =	ssyncadd.s32 $0xFFFFFFFF  }
0xb5: {  	_ =	strace $0x90000048  }
0xb6: {  	_ =	sfence  }
0xb7: {  	s30 =	sld [smem:$0x0];
	_ =	sdelay $0x2  }
0xb8: {  	s31 =	sshll.u32 s1, $0xD;
	s1 =	sshrl.u32 s1, $0x2  }
0xb9: {  	s3 =	sand.u32 $0x4000, s31;
	s1 =	sadd.s32 s1, s30  }
0xba: {  	s0 =	sor.u32 s3, s0;
	s1 =	sshll.u32 s1, $0x11  }
0xbb: {  	s0 =	sor.u32 s1, s0  }
0xbc: {  	s0 =	sadd.s32 $0x8F2B, s0  }
0xbd: {  	[sflag:s0] =	ssyncadd.remote.s32 $0x1  }
0xbe: {  	_ =	sfence.sel $0xFFFF  }
0xbf: {  	[dreg:$0x0] =	wrdreg $0xFFFFFFFF;
	(pc) =	sbr.abs _section_cstart, $3  }
0xc0: {  	[dreg:$0x1] =	wrdreg $0xFFFFFFFF  }
0xc1: {  	_ =	task.clear_ibuf [dreg:s6], $0x2FFFF;
	_ =	strace $0x9FFFFFFF  }
0xc2: {  	(tm) =	ssettm $0x7FFFFFFF  }
0xc3: {  	_ =	shalt  }
tec
execute0_lowered:
.L_overlay_start_1:
0x0: {  	(tag) =	ssettag $0x1  }
0x1: {  	s4 =	rddreg [dreg:$0x0];
	s1 =	srdreg.scid  }
0x2: {  	s0 =	stileid.u32;
	s2 =	rddreg [dreg:$0x1]  }
0x3: {  	s12 =	simm.s32 $0x80;
	s13 =	simm.s32 $0x3C00;
	s14 =	simm.s32 $0x3C80  }
0x4: {  	s15 =	simm.s32 $0x1;
	s16 =	simm.s32 $0x400;
	s17 =	simm.s32 $0x2800  }
0x5: {  	s5 =	sand.u32 $0x1, s1;
	s3 =	sshll.u32 s0, $0x1;
	s1 =	rddreg [dreg:$0x2]  }
0x6: {  	s7 =	sshrl.u32 s0, $0x2;
	s28 =	sadd.s32 $0x2600, s4;
	s9 =	smul.u32 $0x5000, s0  }
0x7: {  	s10 =	smul.u32 $0x500, s0;
	s6 =	sor.u32 s5, s3;
	s3 =	simm.s32 $0x0  }
0x8: {  	s7 =	smul.u32 $0xA000, s7;
	s29 =	ssub.s32 $0x2, s5;
	s8 =	sshll.u32 s6, $0x7  }
0x9: {  	[smem:$0x7FF] =	sst s3;
	s30 =	smul.u32 $0x280, s6;
	s31 =	sshrl.u32 s29, $0x1  }
0xa: {  	s9 =	sshrl.u32 s9, $0x2;
	s8 =	sand.u32 $0x380, s8;
	_ =	strace $0x80000047  }
0xb: {  	s11 =	ssub.s32 s29, s31;
	s7 =	sor.u32 s7, s8;
	s5 =	sadd.s32 s28, s30  }
0xc: {  	s8 =	sadd.s32 s28, s10;
	s10 =	simm.s32 $0x1400;
	s7 =	sshrl.u32 s7, $0x3  }
0xd: {  	s7 =	sadd.s32 s7, s4;
	s4 =	sadd.s32 s9, s2;
	s9 =	sadd.s32 $0x280, s8  }
0xe: {  	v0 =	vimm.f32 $0.0e+00;
	v1 =	vimm.f32 $1.000000000e+00;
	s6 =	sadd.s32 $0x7600, s7;
	s7 =	smax.u32 s11, $0x1;
	s11 =	simm.s32 $0x2  }
.LBB2_1:
0xf: {  	s18 =	simm.s32 $0x40;
	s19 =	simm.s32 $0x0  }
.LBB2_2:
0x10: {  	p0 =	sne.s32 s18, $0x4FC0;
	[tilespmem:s19+$0x1400] =	vst v0;
	s19 =	smov.u32 s18;
	s18 =	sadd.s32 $0x40, s18  }
.Ltmp0:
0x11: {  	(pc) =	sbr.rel @p0 .LBB2_2-.Ltmp0, $2  }
0x12: {  	_ =	sdelay $0x2  }
0x13: {  	s19 =	sshra.s32 s19, $0x2  }
0x14: {  	[tilespmem:s19+$0x1400] =	vst v0  }
0x15: {  	[spmem:s4] =	stream.linear.scatter [tilespmem:s10], [sflag:$0x2], $0x1400, $0x38;
	[tilespmem:$0x5100] =	vst v63  }
0x16: {  	_ =	swait.ge [sflag:s11], $0x1400  }
0x17: {  	[sflag:s11] =	ssyncset.done $0x0  }
0x18: {  	[sflag:s11] =	ssyncadd.s32 $0xFFFFEC00  }
0x19: {  	[tilespmem:$0x3C00] =	vst v1  }
0x1a: {  	[tilespmem:$0x3C10] =	vst v1  }
0x1b: {  	[tilespmem:$0x3C20] =	vst v1  }
0x1c: {  	[tilespmem:$0x3C30] =	vst v1  }
0x1d: {  	[tilespmem:$0x3C40] =	vst v1  }
0x1e: {  	[tilespmem:$0x3C50] =	vst v1  }
0x1f: {  	[tilespmem:$0x3C60] =	vst v1  }
0x20: {  	[tilespmem:$0x3C70] =	vst v1  }
0x21: {  	s18 =	simm.s32 $0x0;
	[bflag:$0x0] =	sbarrier.arrive $0xFFFF  }
0x22: {  	[tilespmem:s18], [sflag:$0x2] =	stream.linear.gather [hbm4b:s8+s18], $0x1400, $0x38;
	[tilespmem:$0x5100] =	vst v63  }
0x23: {  	_ =	swait.ge [sflag:s11], $0x1400  }
0x24: {  	[sflag:s11] =	ssyncset.done $0x0  }
0x25: {  	s31 =	simm.s32 $0x0;
	[sflag:s11] =	ssyncadd.s32 $0xFFFFEC00  }
0x26: {  	[spmem:s2] =	stream.indirect.scatter.add.f32 [tilespmem:s13], [sflag:$0x2], $0x1, s31, s12, $0xb8;
	[tilespmem:$0x5100] =	vst v63  }
0x27: {  	_ =	swait.ge [sflag:s11], $0x80  }
0x28: {  	s18 =	simm.s32 $0x200;
	[sflag:s11] =	ssyncset.done $0x0  }
.LBB2_4:
0x29: {  	s19 =	sshra.s32 s18, $0x2;
	[sflag:s11] =	ssyncadd.s32 $0xFFFFFF80;
	p0 =	sne.s32 s18, $0x4E00  }
0x2a: {  	[spmem:s2] =	stream.indirect.scatter.add.f32 [tilespmem:s13], [sflag:$0x2], $0x1, s19, s12, $0xb8;
	[tilespmem:$0x5100] =	vst v63  }
.Ltmp1:
0x2b: {  	_ = 	snop;
	(pc) =	sbr.rel @p0 .LBB2_4-.Ltmp1, $4  }
0x2c: {  	_ = 	snop  }
0x2d: {  	s18 =	sadd.s32 $0x200, s18  }
0x2e: {  	_ =	swait.ge [sflag:s11], $0x80  }
0x2f: {  	[sflag:s11] =	ssyncset.done $0x0  }
0x30: {  	[sflag:s11] =	ssyncadd.s32 $0xFFFFFF80;
	s18 =	simm.s32 $0x0  }
0x31: {  	[tilespmem:s18], [sflag:$0x2] =	stream.linear.gather [hbm4b:s9+s18], $0x1400, $0x38;
	[tilespmem:$0x5100] =	vst v63  }
0x32: {  	_ =	swait.ge [sflag:s11], $0x1400  }
0x33: {  	[sflag:s11] =	ssyncset.done $0x0  }
0x34: {  	s31 =	simm.s32 $0x0;
	[sflag:s11] =	ssyncadd.s32 $0xFFFFEC00  }
0x35: {  	[spmem:s2] =	stream.indirect.scatter.add.f32 [tilespmem:s13], [sflag:$0x2], $0x1, s31, s12, $0xb8;
	[tilespmem:$0x5100] =	vst v63  }
0x36: {  	_ =	swait.ge [sflag:s11], $0x80  }
0x37: {  	s18 =	simm.s32 $0x200;
	[sflag:s11] =	ssyncset.done $0x0  }
.LBB2_6:
0x38: {  	s19 =	sshra.s32 s18, $0x2;
	[sflag:s11] =	ssyncadd.s32 $0xFFFFFF80;
	p0 =	sne.s32 s18, $0x4E00  }
0x39: {  	[spmem:s2] =	stream.indirect.scatter.add.f32 [tilespmem:s13], [sflag:$0x2], $0x1, s19, s12, $0xb8;
	[tilespmem:$0x5100] =	vst v63  }
.Ltmp2:
0x3a: {  	_ = 	snop;
	(pc) =	sbr.rel @p0 .LBB2_6-.Ltmp2, $4  }
0x3b: {  	_ = 	snop  }
0x3c: {  	s18 =	sadd.s32 $0x200, s18  }
0x3d: {  	_ =	swait.ge [sflag:s11], $0x80  }
0x3e: {  	[sflag:s11] =	ssyncset.done $0x0  }
0x3f: {  	[sflag:s11] =	ssyncadd.s32 $0xFFFFFF80  }
0x40: {  	s18 =	simm.s32 $0x0;
	[bflag:$0x0] =	sbarrier.arrive $0xFFFF  }
0x41: {  	[tilespmem:s18], [sflag:$0x2] =	stream.linear.gather [hbm4b:s5+s18], $0x1400, $0x38;
	[tilespmem:$0x5100] =	vst v63  }
0x42: {  	_ =	swait.ge [sflag:s11], $0x1400  }
0x43: {  	[sflag:s11] =	ssyncset.done $0x0  }
0x44: {  	s18 =	simm.s32 $0x0;
	[sflag:s11] =	ssyncadd.s32 $0xFFFFEC00  }
0x45: {  	[tilespmem:s14], [sflag:$0x1] =	stream.indirect.gather [spmem:s2], $0x1, s18, s12, $0xb8;
	[tilespmem:$0x5100] =	vst v63  }
0x46: {  	_ =	swait.ge [sflag:s15], $0x80  }
0x47: {  	[sflag:s15] =	ssyncset.done $0x0  }
0x48: {  	[sflag:s15] =	ssyncadd.s32 $0xFFFFFF80  }
0x49: {  	v2 =	vld [tilespmem:$0x3C80];
	_ =	sdelay $0x4  }
0x4a: {  	v2 =	vmax.f32 v2, $1.000000000e+00  }
0x4b: {  	(erf) = vrcp.f32 v2;
	_ =	sdelay $0x8  }
0x4c: {  	v2 =	vpop (erf)  }
0x4d: {  	[tilespmem:s18+$0x2800] =	vst v2  }
0x4e: {  	v2 =	vld [tilespmem:$0x3C90];
	_ =	sdelay $0x4  }
0x4f: {  	v2 =	vmax.f32 v2, $1.000000000e+00  }
0x50: {  	(erf) = vrcp.f32 v2;
	_ =	sdelay $0x8  }
0x51: {  	v2 =	vpop (erf)  }
0x52: {  	[tilespmem:s18+$0x2810] =	vst v2  }
0x53: {  	v2 =	vld [tilespmem:$0x3CA0];
	_ =	sdelay $0x4  }
0x54: {  	v2 =	vmax.f32 v2, $1.000000000e+00  }
0x55: {  	(erf) = vrcp.f32 v2;
	_ =	sdelay $0x8  }
0x56: {  	v2 =	vpop (erf)  }
0x57: {  	[tilespmem:s18+$0x2820] =	vst v2  }
0x58: {  	v2 =	vld [tilespmem:$0x3CB0];
	_ =	sdelay $0x4  }
0x59: {  	v2 =	vmax.f32 v2, $1.000000000e+00  }
0x5a: {  	(erf) = vrcp.f32 v2;
	_ =	sdelay $0x8  }
0x5b: {  	v2 =	vpop (erf)  }
0x5c: {  	[tilespmem:s18+$0x2830] =	vst v2  }
0x5d: {  	v2 =	vld [tilespmem:$0x3CC0];
	_ =	sdelay $0x4  }
0x5e: {  	v2 =	vmax.f32 v2, $1.000000000e+00  }
0x5f: {  	(erf) = vrcp.f32 v2;
	_ =	sdelay $0x8  }
0x60: {  	v2 =	vpop (erf)  }
0x61: {  	[tilespmem:s18+$0x2840] =	vst v2  }
0x62: {  	v2 =	vld [tilespmem:$0x3CD0];
	_ =	sdelay $0x4  }
0x63: {  	v2 =	vmax.f32 v2, $1.000000000e+00  }
0x64: {  	(erf) = vrcp.f32 v2;
	_ =	sdelay $0x8  }
0x65: {  	v2 =	vpop (erf)  }
0x66: {  	[tilespmem:s18+$0x2850] =	vst v2  }
0x67: {  	v2 =	vld [tilespmem:$0x3CE0];
	_ =	sdelay $0x4  }
0x68: {  	v2 =	vmax.f32 v2, $1.000000000e+00  }
0x69: {  	(erf) = vrcp.f32 v2;
	_ =	sdelay $0x8  }
0x6a: {  	v2 =	vpop (erf)  }
0x6b: {  	[tilespmem:s18+$0x2860] =	vst v2  }
0x6c: {  	v2 =	vld [tilespmem:$0x3CF0];
	_ =	sdelay $0x4  }
0x6d: {  	v2 =	vmax.f32 v2, $1.000000000e+00  }
0x6e: {  	(erf) = vrcp.f32 v2;
	_ =	sdelay $0x8  }
0x6f: {  	s19 =	simm.s32 $0x200;
	s20 =	simm.s32 $0x400;
	v2 =	vpop (erf)  }
.LBB2_8:
0x70: {  	p0 =	sne.s32 s20, $0x4E00  }
0x71: {  	[tilespmem:s18+$0x2870] =	vst v2;
	s18 =	sshra.s32 s19, $0x2;
	s19 =	smov.u32 s20;
	s20 =	sadd.s32 $0x200, s20  }
0x72: {  	[tilespmem:s14], [sflag:$0x1] =	stream.indirect.gather [spmem:s2], $0x1, s18, s12, $0xb8;
	[tilespmem:$0x5100] =	vst v63  }
0x73: {  	_ =	swait.ge [sflag:s15], $0x80  }
0x74: {  	[sflag:s15] =	ssyncset.done $0x0  }
0x75: {  	[sflag:s15] =	ssyncadd.s32 $0xFFFFFF80  }
0x76: {  	v2 =	vld [tilespmem:$0x3C80];
	_ =	sdelay $0x4  }
0x77: {  	v2 =	vmax.f32 v2, $1.000000000e+00  }
0x78: {  	(erf) = vrcp.f32 v2;
	_ =	sdelay $0x8  }
0x79: {  	v2 =	vpop (erf)  }
0x7a: {  	[tilespmem:s18+$0x2800] =	vst v2  }
0x7b: {  	v2 =	vld [tilespmem:$0x3C90];
	_ =	sdelay $0x4  }
0x7c: {  	v2 =	vmax.f32 v2, $1.000000000e+00  }
0x7d: {  	(erf) = vrcp.f32 v2;
	_ =	sdelay $0x8  }
0x7e: {  	v2 =	vpop (erf)  }
0x7f: {  	[tilespmem:s18+$0x2810] =	vst v2  }
0x80: {  	v2 =	vld [tilespmem:$0x3CA0];
	_ =	sdelay $0x4  }
0x81: {  	v2 =	vmax.f32 v2, $1.000000000e+00  }
0x82: {  	(erf) = vrcp.f32 v2;
	_ =	sdelay $0x8  }
0x83: {  	v2 =	vpop (erf)  }
0x84: {  	[tilespmem:s18+$0x2820] =	vst v2  }
0x85: {  	v2 =	vld [tilespmem:$0x3CB0];
	_ =	sdelay $0x4  }
0x86: {  	v2 =	vmax.f32 v2, $1.000000000e+00  }
0x87: {  	(erf) = vrcp.f32 v2;
	_ =	sdelay $0x8  }
0x88: {  	v2 =	vpop (erf)  }
0x89: {  	[tilespmem:s18+$0x2830] =	vst v2  }
0x8a: {  	v2 =	vld [tilespmem:$0x3CC0];
	_ =	sdelay $0x4  }
0x8b: {  	v2 =	vmax.f32 v2, $1.000000000e+00  }
0x8c: {  	(erf) = vrcp.f32 v2;
	_ =	sdelay $0x8  }
0x8d: {  	v2 =	vpop (erf)  }
0x8e: {  	[tilespmem:s18+$0x2840] =	vst v2  }
0x8f: {  	v2 =	vld [tilespmem:$0x3CD0];
	_ =	sdelay $0x4  }
0x90: {  	v2 =	vmax.f32 v2, $1.000000000e+00  }
0x91: {  	(erf) = vrcp.f32 v2;
	_ =	sdelay $0x8  }
0x92: {  	v2 =	vpop (erf)  }
0x93: {  	[tilespmem:s18+$0x2850] =	vst v2  }
0x94: {  	v2 =	vld [tilespmem:$0x3CE0];
	_ =	sdelay $0x4  }
0x95: {  	v2 =	vmax.f32 v2, $1.000000000e+00  }
0x96: {  	(erf) = vrcp.f32 v2;
	_ =	sdelay $0x8  }
0x97: {  	v2 =	vpop (erf)  }
0x98: {  	[tilespmem:s18+$0x2860] =	vst v2  }
0x99: {  	v2 =	vld [tilespmem:$0x3CF0];
	_ =	sdelay $0x4  }
0x9a: {  	v2 =	vmax.f32 v2, $1.000000000e+00  }
0x9b: {  	(erf) = vrcp.f32 v2;
	_ =	sdelay $0x4  }
.Ltmp3:
0x9c: {  	(pc) =	sbr.rel @p0 .LBB2_8-.Ltmp3, $2  }
0x9d: {  	_ =	sdelay $0x2  }
0x9e: {  	v2 =	vpop (erf)  }
0x9f: {  	s19 =	sshra.s32 s19, $0x2;
	[tilespmem:s18+$0x2870] =	vst v2  }
0xa0: {  	[tilespmem:s14], [sflag:$0x1] =	stream.indirect.gather [spmem:s2], $0x1, s19, s12, $0xb8;
	[tilespmem:$0x5100] =	vst v63  }
0xa1: {  	_ =	swait.ge [sflag:s15], $0x80  }
0xa2: {  	[sflag:s15] =	ssyncset.done $0x0  }
0xa3: {  	[sflag:s15] =	ssyncadd.s32 $0xFFFFFF80  }
0xa4: {  	v2 =	vld [tilespmem:$0x3C80];
	_ =	sdelay $0x4  }
0xa5: {  	v2 =	vmax.f32 v2, $1.000000000e+00  }
0xa6: {  	(erf) = vrcp.f32 v2;
	_ =	sdelay $0x8  }
0xa7: {  	v2 =	vpop (erf)  }
0xa8: {  	[tilespmem:s19+$0x2800] =	vst v2  }
0xa9: {  	v2 =	vld [tilespmem:$0x3C90];
	_ =	sdelay $0x4  }
0xaa: {  	v2 =	vmax.f32 v2, $1.000000000e+00  }
0xab: {  	(erf) = vrcp.f32 v2;
	_ =	sdelay $0x8  }
0xac: {  	v2 =	vpop (erf)  }
0xad: {  	[tilespmem:s19+$0x2810] =	vst v2  }
0xae: {  	v2 =	vld [tilespmem:$0x3CA0];
	_ =	sdelay $0x4  }
0xaf: {  	v2 =	vmax.f32 v2, $1.000000000e+00  }
0xb0: {  	(erf) = vrcp.f32 v2;
	_ =	sdelay $0x8  }
0xb1: {  	v2 =	vpop (erf)  }
0xb2: {  	[tilespmem:s19+$0x2820] =	vst v2  }
0xb3: {  	v2 =	vld [tilespmem:$0x3CB0];
	_ =	sdelay $0x4  }
0xb4: {  	v2 =	vmax.f32 v2, $1.000000000e+00  }
0xb5: {  	(erf) = vrcp.f32 v2;
	_ =	sdelay $0x8  }
0xb6: {  	v2 =	vpop (erf)  }
0xb7: {  	[tilespmem:s19+$0x2830] =	vst v2  }
0xb8: {  	v2 =	vld [tilespmem:$0x3CC0];
	_ =	sdelay $0x4  }
0xb9: {  	v2 =	vmax.f32 v2, $1.000000000e+00  }
0xba: {  	(erf) = vrcp.f32 v2;
	_ =	sdelay $0x8  }
0xbb: {  	v2 =	vpop (erf)  }
0xbc: {  	[tilespmem:s19+$0x2840] =	vst v2  }
0xbd: {  	v2 =	vld [tilespmem:$0x3CD0];
	_ =	sdelay $0x4  }
0xbe: {  	v2 =	vmax.f32 v2, $1.000000000e+00  }
0xbf: {  	(erf) = vrcp.f32 v2;
	_ =	sdelay $0x8  }
0xc0: {  	v2 =	vpop (erf)  }
0xc1: {  	[tilespmem:s19+$0x2850] =	vst v2  }
0xc2: {  	v2 =	vld [tilespmem:$0x3CE0];
	_ =	sdelay $0x4  }
0xc3: {  	v2 =	vmax.f32 v2, $1.000000000e+00  }
0xc4: {  	(erf) = vrcp.f32 v2;
	_ =	sdelay $0x8  }
0xc5: {  	v2 =	vpop (erf)  }
0xc6: {  	[tilespmem:s19+$0x2860] =	vst v2  }
0xc7: {  	v2 =	vld [tilespmem:$0x3CF0];
	_ =	sdelay $0x4  }
0xc8: {  	v2 =	vmax.f32 v2, $1.000000000e+00  }
0xc9: {  	(erf) = vrcp.f32 v2;
	_ =	sdelay $0x7  }
0xca: {  	s3 =	sadd.s32 $0x1, s3  }
0xcb: {  	p0 =	sne.s32 s3, s7;
	v2 =	vpop (erf)  }
.Ltmp4:
0xcc: {  	[tilespmem:s19+$0x2870] =	vst v2;
	(pc) =	sbr.rel @p0 .LBB2_1-.Ltmp4, $4  }
0xcd: {  	[hbm4b:s6+s12] =	stream.strided.scatter [tilespmem:s17], [sflag:$0x2], $0x1400, s16, s12, $0x38;
	[tilespmem:$0x5100] =	vst v63  }
0xce: {  	_ =	swait.ge [sflag:s11], $0x1400  }
0xcf: {  	[sflag:s11] =	ssyncset.done $0x0  }
0xd0: {  	[sflag:s11] =	ssyncadd.s32 $0xFFFFEC00  }
0xd1: {  	_ =	sfence.sel $0x180000  }
0xd2: {  	[bflag:$0x0] =	sbarrier.arrive $0xFFFF  }
0xd3: {  	p0 =	sne.s32 s0, $0x0;
	_ =	strace $0x90000047  }
0xd4: {  	s0 =	sadd.s32 @!p0 $0x100000, s1;
	[bflag:$0x2] =	sbarrier.arrive $0xFFFF  }
0xd5: {  	[sflag:s0] =	ssyncadd.tile.s32 @!p0 $0x1;
	_ =	shalt  }
.Lfunc_end2:
_tile_overlayer_lowered:
.L_overlay_start_2:
0xd6: {  	(tag) =	ssettag $0x2  }
0xd7: {  	s0 =	rddreg [dreg:$0x0];
	s2 =	stileid.u32  }
0xd8: {  	s1 =	rddreg [dreg:$0x1];
	p0 =	sne.s32 s2, $0x0  }
0xd9: {  	s3 =	rddreg [dreg:$0x2];
	[bflag:$0x3] =	sbarrier.arrive $0xFFFF;
	s2 =	simm.s32 @!p0 $0x1C02  }
0xda: {  	[timem:s3], [sflag:s2] =	dma.local @!p0 [hbm:s0], s1  }
0xdb: {  	s0 =	simm.s32 @!p0 $0x2  }
0xdc: {  	_ =	swait.ge @!p0 [sflag:s0], s1  }
0xdd: {  	s1 =	ssub.s32 @!p0 $0x0, s1;
	[sflag:s0] =	ssyncset.done @!p0 $0x0  }
0xde: {  	[sflag:s0] =	ssyncadd.s32 @!p0 s1  }
0xdf: {  	[bflag:$0x3] =	sbarrier.arrive $0xFFFF  }
0xe0: {  	_ =	shalt  }

</sc_bundles>
